<compile_context>
chip_gen: v7x
topology: tpu7x:2x2x1
jax: 0.10.2.dev20260603
libtpu: 0.0.44.dev20260713+nightly
codegen_flags: <defaults>
</compile_context>

<pallas_src>
import functools

import jax
import jax.numpy as jnp
from jax import lax
from jax.experimental import pallas as pl
from jax.experimental.pallas import tpu as pltpu
from jax.experimental.pallas import tpu_sc as plsc

BATCH = 64
NUM_TX = 4
NUM_STREAMS = 2
NUM_OFDM = 14
FFT = 4096
NUM_DATA = 12
SLABS = BATCH * NUM_TX
NUM_WORKERS = 32
HALVES_PER_W = 2 * SLABS // NUM_WORKERS
BLK = NUM_STREAMS * FFT
X_SLAB = NUM_DATA * BLK
O_SLAB = NUM_OFDM * BLK
HALF = 7 * BLK


def _sc_grid_map(x_lin, p_lin):
    mesh = plsc.VectorSubcoreMesh(core_axis_name="c", subcore_axis_name="s")

    @functools.partial(
        pl.kernel,
        mesh=mesh,
        out_type=jax.ShapeDtypeStruct((SLABS * O_SLAB,), jnp.float32),
        scratch_types=[
            pltpu.VMEM((6 * BLK,), jnp.float32),
            pltpu.VMEM((6 * BLK,), jnp.float32),
            pltpu.VMEM((2 * BLK,), jnp.float32),
            pltpu.SemaphoreType.DMA,
            pltpu.SemaphoreType.DMA,
            pltpu.SemaphoreType.DMA,
            pltpu.SemaphoreType.DMA,
        ],
    )
    def grid_map(x_hbm, p_hbm, out_hbm, buf0, buf1, pbuf, in0, in1, out0, out1):
        wid = lax.axis_index("s") * 2 + lax.axis_index("c")
        tx = wid % NUM_TX
        bt0 = 32 * (wid // NUM_TX) + tx
        pltpu.async_copy(
            p_hbm.at[pl.ds(pl.multiple_of(tx * 2 * BLK, BLK), 2 * BLK)], pbuf, in0
        ).wait()
        bufs = (buf0, buf1)
        in_sems = (in0, in1)
        out_sems = (out0, out1)
        out_waits = [None, None]
        for j in range(HALVES_PER_W):
            slot = j % 2
            buf = bufs[slot]
            half = j % 2
            bt = bt0 + NUM_TX * (j // 2)
            xb = pl.multiple_of(bt * X_SLAB + half * 6 * BLK, BLK)
            ob = pl.multiple_of(bt * O_SLAB + half * HALF, BLK)
            if out_waits[slot] is not None:
                for w in out_waits[slot]:
                    w.wait()
            pltpu.async_copy(x_hbm.at[pl.ds(xb, 6 * BLK)], buf, in_sems[slot]).wait()
            osem = out_sems[slot]
            if half == 0:
                out_waits[slot] = (
                    pltpu.async_copy(buf.at[pl.ds(0, 2 * BLK)], out_hbm.at[pl.ds(ob, 2 * BLK)], osem),
                    pltpu.async_copy(pbuf.at[pl.ds(0, BLK)], out_hbm.at[pl.ds(ob + 2 * BLK, BLK)], osem),
                    pltpu.async_copy(buf.at[pl.ds(2 * BLK, 4 * BLK)], out_hbm.at[pl.ds(ob + 3 * BLK, 4 * BLK)], osem),
                )
            else:
                out_waits[slot] = (
                    pltpu.async_copy(buf.at[pl.ds(0, 4 * BLK)], out_hbm.at[pl.ds(ob, 4 * BLK)], osem),
                    pltpu.async_copy(pbuf.at[pl.ds(BLK, BLK)], out_hbm.at[pl.ds(ob + 4 * BLK, BLK)], osem),
                    pltpu.async_copy(buf.at[pl.ds(4 * BLK, 2 * BLK)], out_hbm.at[pl.ds(ob + 5 * BLK, 2 * BLK)], osem),
                )
        for ws in out_waits:
            for w in ws:
                w.wait()

    return grid_map(x_lin, p_lin)


def kernel(x, pilots):
    x_lin = (
        x.reshape(SLABS, NUM_STREAMS, NUM_DATA * 32, 128)
        .transpose(0, 2, 1, 3)
        .reshape(-1)
    )
    p_lin = (
        pilots.reshape(NUM_TX, NUM_STREAMS, 2, 32, 128)
        .transpose(0, 2, 3, 1, 4)
        .reshape(-1)
    )
    o_lin = _sc_grid_map(x_lin, p_lin)
    return (
        o_lin.reshape(SLABS, NUM_OFDM, 32, NUM_STREAMS, 128)
        .transpose(0, 3, 1, 2, 4)
        .reshape(BATCH, NUM_TX, NUM_STREAMS, NUM_OFDM, FFT)
    )

# --- scband reference (transcript-rebuilt; emitter-appended) ---
"""Pipeline reference for scband-resource-grid-mapper-13142599925999 (READ-ONLY COPY).

The authoritative reference and input builder live on the scoring server;
editing this copy changes nothing except your own understanding.
"""

import jax, jax.numpy as jnp
import numpy as np

NUM_TX = 4
NUM_STREAMS = 2
NUM_OFDM = 14
FFT = 4096
PILOT_SYMS = (2, 11)
BATCH = 64
NUM_DATA_SYMS = (NUM_OFDM - len(PILOT_SYMS)) * FFT


def _grid_indices():
    # rg_type: 0 = data RE, 1 = pilot RE (precomputed in build())
    rg_type = np.zeros((NUM_TX, NUM_STREAMS, NUM_OFDM, FFT), np.int32)
    rg_type[:, :, list(PILOT_SYMS), :] = 1
    pilot_ind = np.argwhere(rg_type == 1)  # [N_pilot, 4], row-major like tf.where
    data_ind = np.argwhere(rg_type == 0)   # [N_data, 4]
    return pilot_ind, data_ind


def setup_inputs(seed: int = 0) -> dict:
    key = jax.random.key(seed)
    k1, k2 = jax.random.split(key)
    x = jax.random.normal(k1, (BATCH, NUM_TX, NUM_STREAMS, NUM_DATA_SYMS), dtype=jnp.float32)
    pilots = jax.random.normal(k2, (NUM_TX, NUM_STREAMS, len(PILOT_SYMS), FFT), dtype=jnp.float32)
    return {"x": x, "pilots": pilots}


def reference(x, pilots):
    pilot_ind, data_ind = _grid_indices()
    p_idx = tuple(jnp.asarray(pilot_ind.T))
    d_idx = tuple(jnp.asarray(data_ind.T))
    # template = tf.scatter_nd(pilot_ind, flatten(pilots), rg_type.shape)
    template = jnp.zeros((NUM_TX, NUM_STREAMS, NUM_OFDM, FFT), dtype=x.dtype)
    template = template.at[p_idx].set(pilots.reshape(-1))
    # expand + broadcast batch dim at the END (as in the TF layer)
    batch = x.shape[0]
    template = jnp.broadcast_to(template[..., None], (NUM_TX, NUM_STREAMS, NUM_OFDM, FFT, batch))
    # inputs = tf.transpose(flatten_last_dims(inputs, 3)) -> [num_tx*streams*num_data, batch]
    inputs_t = jnp.transpose(x.reshape(batch, -1))
    # rg = tf.tensor_scatter_nd_update(template, data_ind, inputs)
    rg = template.at[d_idx].set(inputs_t)
    # rg = tf.transpose(rg, [4, 0, 1, 2, 3])
    rg = jnp.transpose(rg, (4, 0, 1, 2, 3))
    return rg

if __name__ == "__main__":
    import jax
    _d = setup_inputs()
    print(jax.jit(kernel)(*tuple(_d.values())))

</pallas_src>

<mosaic_0001>
#map = affine_map<(d0, d1) -> (0)>
module attributes {stable_mosaic.version = 14 : i64} {
  func.func @grid_map(%arg0: i32, %arg1: i32, %arg2: memref<25165824xf32, #tpu.memory_space<hbm>>, %arg3: memref<65536xf32, #tpu.memory_space<hbm>>, %arg4: memref<29360128xf32, #tpu.memory_space<hbm>>, %arg5: memref<49152xf32, #tpu.memory_space<vmem>>, %arg6: memref<49152xf32, #tpu.memory_space<vmem>>, %arg7: memref<16384xf32, #tpu.memory_space<vmem>>, %arg8: memref<!tpu.dma_semaphore, #tpu.memory_space<semaphore_mem>>, %arg9: memref<!tpu.dma_semaphore, #tpu.memory_space<semaphore_mem>>, %arg10: memref<!tpu.dma_semaphore, #tpu.memory_space<semaphore_mem>>, %arg11: memref<!tpu.dma_semaphore, #tpu.memory_space<semaphore_mem>>) attributes {dimension_semantics = [#tpu.dimension_semantics<core_parallel>, #tpu.dimension_semantics<subcore_parallel>], iteration_bounds = array<i64: 2, 16>, scalar_prefetch = 0 : i64, scratch_operands = 7 : i64, tpu.core_type = #tpu.core_type<sc_vector_subcore>, window_params = [{transform_indices = #map}, {transform_indices = #map}, {transform_indices = #map}]} {
    %mul3A = arith.constant 2 : i32
    %mul3A_0 = arith.muli %arg1, %mul3A : i32
    %add3A = arith.addi %mul3A_0, %arg0 : i32
    %jit3A = arith.constant 4 : i32
    %eq3A = arith.constant 0 : i32
    %eq3A_1 = arith.cmpi eq, %jit3A, %eq3A : i32
    %jit3A_2 = arith.constant 1 : i32
    %select_n3A = arith.select %eq3A_1, %jit3A_2, %jit3A : i32
    %rem3A = arith.remsi %add3A, %select_n3A : i32
    %ne3A = arith.constant 0 : i32
    %ne3A_3 = arith.cmpi ne, %rem3A, %ne3A : i32
    %lt3A = arith.constant 0 : i32
    %lt3A_4 = arith.cmpi slt, %rem3A, %lt3A : i32
    %lt3A_5 = arith.constant 0 : i32
    %lt3A_6 = arith.cmpi slt, %select_n3A, %lt3A_5 : i32
    %ne3A_7 = arith.xori %lt3A_4, %lt3A_6 : i1
    %and3A = arith.andi %ne3A_7, %ne3A_3 : i1
    %add3A_8 = arith.addi %rem3A, %select_n3A : i32
    %select_n3A_9 = arith.select %and3A, %add3A_8, %rem3A : i32
    %jit3A_10 = arith.constant 4 : i32
    %div3A = arith.divsi %add3A, %jit3A_10 : i32
    %sign3A = arith.constant 0 : i32
    %sign3A_11 = arith.cmpi sgt, %add3A, %sign3A : i32
    %sign3A_12 = arith.extui %sign3A_11 : i1 to i32
    %sign3A_13 = arith.constant 0 : i32
    %sign3A_14 = arith.cmpi slt, %add3A, %sign3A_13 : i32
    %sign3A_15 = arith.extui %sign3A_14 : i1 to i32
    %sign3A_16 = arith.subi %sign3A_12, %sign3A_15 : i32
    %sign3A_17 = arith.constant 0 : i32
    %sign3A_18 = arith.cmpi sgt, %jit3A_10, %sign3A_17 : i32
    %sign3A_19 = arith.extui %sign3A_18 : i1 to i32
    %sign3A_20 = arith.constant 0 : i32
    %sign3A_21 = arith.cmpi slt, %jit3A_10, %sign3A_20 : i32
    %sign3A_22 = arith.extui %sign3A_21 : i1 to i32
    %sign3A_23 = arith.subi %sign3A_19, %sign3A_22 : i32
    %ne3A_24 = arith.cmpi ne, %sign3A_16, %sign3A_23 : i32
    %rem3A_25 = arith.remsi %add3A, %jit3A_10 : i32
    %ne3A_26 = arith.constant 0 : i32
    %ne3A_27 = arith.cmpi ne, %rem3A_25, %ne3A_26 : i32
    %and3A_28 = arith.andi %ne3A_24, %ne3A_27 : i1
    %sub3A = arith.constant 1 : i32
    %sub3A_29 = arith.subi %div3A, %sub3A : i32
    %select_n3A_30 = arith.select %and3A_28, %sub3A_29, %div3A : i32
    %mul3A_31 = arith.constant 32 : i32
    %mul3A_32 = arith.muli %mul3A_31, %select_n3A_30 : i32
    %add3A_33 = arith.addi %mul3A_32, %select_n3A_9 : i32
    %mul3A_34 = arith.constant 2 : i32
    %mul3A_35 = arith.muli %select_n3A_9, %mul3A_34 : i32
    %mul3A_36 = arith.constant 8192 : i32
    %mul3A_37 = arith.muli %mul3A_35, %mul3A_36 : i32
    %multiple_of3A = tpu.assume_multiple %mul3A_37, 8192 : i32
    %dma_start3A = tpu.memref_slice %arg3[%multiple_of3A] : memref<65536xf32, #tpu.memory_space<hbm>> -> memref<16384xf32, #tpu.memory_space<hbm>>
    %dma_start3A_38 = tpu.memref_slice %arg3[%multiple_of3A] : memref<65536xf32, #tpu.memory_space<hbm>> -> memref<16384xf32, #tpu.memory_space<hbm>>
    tpu.enqueue_dma source(%dma_start3A_38 : memref<16384xf32, #tpu.memory_space<hbm>>) target(%arg7 : memref<16384xf32, #tpu.memory_space<vmem>>) target_semaphore(%arg8 : memref<!tpu.dma_semaphore, #tpu.memory_space<semaphore_mem>>)
    %dma_wait3A = tpu.memref_slice %arg3[%multiple_of3A] : memref<65536xf32, #tpu.memory_space<hbm>> -> memref<16384xf32, #tpu.memory_space<hbm>>
    %dma_wait3A_39 = tpu.memref_slice %arg3[%multiple_of3A] : memref<65536xf32, #tpu.memory_space<hbm>> -> memref<16384xf32, #tpu.memory_space<hbm>>
    tpu.wait_dma2 semaphore(%arg8 : memref<!tpu.dma_semaphore, #tpu.memory_space<semaphore_mem>>) src(%dma_wait3A_39 : memref<16384xf32, #tpu.memory_space<hbm>>) dst(%arg7 : memref<16384xf32, #tpu.memory_space<vmem>>)
    %add3A_40 = arith.constant 0 : i32
    %add3A_41 = arith.addi %add3A_33, %add3A_40 : i32
    %mul3A_42 = arith.constant 98304 : i32
    %mul3A_43 = arith.muli %add3A_41, %mul3A_42 : i32
    %add3A_44 = arith.constant 0 : i32
    %add3A_45 = arith.addi %mul3A_43, %add3A_44 : i32
    %multiple_of3A_46 = tpu.assume_multiple %add3A_45, 8192 : i32
    %mul3A_47 = arith.constant 114688 : i32
    %mul3A_48 = arith.muli %add3A_41, %mul3A_47 : i32
    %add3A_49 = arith.constant 0 : i32
    %add3A_50 = arith.addi %mul3A_48, %add3A_49 : i32
    %multiple_of3A_51 = tpu.assume_multiple %add3A_50, 8192 : i32
    %dma_start3A_52 = tpu.memref_slice %arg2[%multiple_of3A_46] : memref<25165824xf32, #tpu.memory_space<hbm>> -> memref<49152xf32, #tpu.memory_space<hbm>>
    %dma_start3A_53 = tpu.memref_slice %arg2[%multiple_of3A_46] : memref<25165824xf32, #tpu.memory_space<hbm>> -> memref<49152xf32, #tpu.memory_space<hbm>>
    tpu.enqueue_dma source(%dma_start3A_53 : memref<49152xf32, #tpu.memory_space<hbm>>) target(%arg5 : memref<49152xf32, #tpu.memory_space<vmem>>) target_semaphore(%arg8 : memref<!tpu.dma_semaphore, #tpu.memory_space<semaphore_mem>>)
    %dma_wait3A_54 = tpu.memref_slice %arg2[%multiple_of3A_46] : memref<25165824xf32, #tpu.memory_space<hbm>> -> memref<49152xf32, #tpu.memory_space<hbm>>
    %dma_wait3A_55 = tpu.memref_slice %arg2[%multiple_of3A_46] : memref<25165824xf32, #tpu.memory_space<hbm>> -> memref<49152xf32, #tpu.memory_space<hbm>>
    tpu.wait_dma2 semaphore(%arg8 : memref<!tpu.dma_semaphore, #tpu.memory_space<semaphore_mem>>) src(%dma_wait3A_55 : memref<49152xf32, #tpu.memory_space<hbm>>) dst(%arg5 : memref<49152xf32, #tpu.memory_space<vmem>>)
    %dma_start3A_56 = arith.constant 0 : i32
    %dma_start3A_57 = tpu.memref_slice %arg5[%dma_start3A_56] : memref<49152xf32, #tpu.memory_space<vmem>> -> memref<16384xf32, #tpu.memory_space<vmem>>
    %dma_start3A_58 = tpu.memref_slice %arg4[%multiple_of3A_51] : memref<29360128xf32, #tpu.memory_space<hbm>> -> memref<16384xf32, #tpu.memory_space<hbm>>
    %dma_start3A_59 = tpu.memref_slice %arg4[%multiple_of3A_51] : memref<29360128xf32, #tpu.memory_space<hbm>> -> memref<16384xf32, #tpu.memory_space<hbm>>
    %dma_start3A_60 = arith.constant 0 : i32
    %dma_start3A_61 = tpu.memref_slice %arg5[%dma_start3A_60] : memref<49152xf32, #tpu.memory_space<vmem>> -> memref<16384xf32, #tpu.memory_space<vmem>>
    tpu.enqueue_dma source(%dma_start3A_61 : memref<16384xf32, #tpu.memory_space<vmem>>) target(%dma_start3A_59 : memref<16384xf32, #tpu.memory_space<hbm>>) target_semaphore(%arg10 : memref<!tpu.dma_semaphore, #tpu.memory_space<semaphore_mem>>)
    %add3A_62 = arith.constant 16384 : i32
    %add3A_63 = arith.addi %multiple_of3A_51, %add3A_62 : i32
    %dma_start3A_64 = arith.constant 0 : i32
    %dma_start3A_65 = tpu.memref_slice %arg7[%dma_start3A_64] : memref<16384xf32, #tpu.memory_space<vmem>> -> memref<8192xf32, #tpu.memory_space<vmem>>
    %dma_start3A_66 = tpu.memref_slice %arg4[%add3A_63] : memref<29360128xf32, #tpu.memory_space<hbm>> -> memref<8192xf32, #tpu.memory_space<hbm>>
    %dma_start3A_67 = tpu.memref_slice %arg4[%add3A_63] : memref<29360128xf32, #tpu.memory_space<hbm>> -> memref<8192xf32, #tpu.memory_space<hbm>>
    %dma_start3A_68 = arith.constant 0 : i32
    %dma_start3A_69 = tpu.memref_slice %arg7[%dma_start3A_68] : memref<16384xf32, #tpu.memory_space<vmem>> -> memref<8192xf32, #tpu.memory_space<vmem>>
    tpu.enqueue_dma source(%dma_start3A_69 : memref<8192xf32, #tpu.memory_space<vmem>>) target(%dma_start3A_67 : memref<8192xf32, #tpu.memory_space<hbm>>) target_semaphore(%arg10 : memref<!tpu.dma_semaphore, #tpu.memory_space<semaphore_mem>>)
    %add3A_70 = arith.constant 24576 : i32
    %add3A_71 = arith.addi %multiple_of3A_51, %add3A_70 : i32
    %dma_start3A_72 = arith.constant 16384 : i32
    %dma_start3A_73 = tpu.memref_slice %arg5[%dma_start3A_72] : memref<49152xf32, #tpu.memory_space<vmem>> -> memref<32768xf32, #tpu.memory_space<vmem>>
    %dma_start3A_74 = tpu.memref_slice %arg4[%add3A_71] : memref<29360128xf32, #tpu.memory_space<hbm>> -> memref<32768xf32, #tpu.memory_space<hbm>>
    %dma_start3A_75 = tpu.memref_slice %arg4[%add3A_71] : memref<29360128xf32, #tpu.memory_space<hbm>> -> memref<32768xf32, #tpu.memory_space<hbm>>
    %dma_start3A_76 = arith.constant 16384 : i32
    %dma_start3A_77 = tpu.memref_slice %arg5[%dma_start3A_76] : memref<49152xf32, #tpu.memory_space<vmem>> -> memref<32768xf32, #tpu.memory_space<vmem>>
    tpu.enqueue_dma source(%dma_start3A_77 : memref<32768xf32, #tpu.memory_space<vmem>>) target(%dma_start3A_75 : memref<32768xf32, #tpu.memory_space<hbm>>) target_semaphore(%arg10 : memref<!tpu.dma_semaphore, #tpu.memory_space<semaphore_mem>>)
    %add3A_78 = arith.constant 0 : i32
    %add3A_79 = arith.addi %add3A_33, %add3A_78 : i32
    %mul3A_80 = arith.constant 98304 : i32
    %mul3A_81 = arith.muli %add3A_79, %mul3A_80 : i32
    %add3A_82 = arith.constant 49152 : i32
    %add3A_83 = arith.addi %mul3A_81, %add3A_82 : i32
    %multiple_of3A_84 = tpu.assume_multiple %add3A_83, 8192 : i32
    %mul3A_85 = arith.constant 114688 : i32
    %mul3A_86 = arith.muli %add3A_79, %mul3A_85 : i32
    %add3A_87 = arith.constant 57344 : i32
    %add3A_88 = arith.addi %mul3A_86, %add3A_87 : i32
    %multiple_of3A_89 = tpu.assume_multiple %add3A_88, 8192 : i32
    %dma_start3A_90 = tpu.memref_slice %arg2[%multiple_of3A_84] : memref<25165824xf32, #tpu.memory_space<hbm>> -> memref<49152xf32, #tpu.memory_space<hbm>>
    %dma_start3A_91 = tpu.memref_slice %arg2[%multiple_of3A_84] : memref<25165824xf32, #tpu.memory_space<hbm>> -> memref<49152xf32, #tpu.memory_space<hbm>>
    tpu.enqueue_dma source(%dma_start3A_91 : memref<49152xf32, #tpu.memory_space<hbm>>) target(%arg6 : memref<49152xf32, #tpu.memory_space<vmem>>) target_semaphore(%arg9 : memref<!tpu.dma_semaphore, #tpu.memory_space<semaphore_mem>>)
    %dma_wait3A_92 = tpu.memref_slice %arg2[%multiple_of3A_84] : memref<25165824xf32, #tpu.memory_space<hbm>> -> memref<49152xf32, #tpu.memory_space<hbm>>
    %dma_wait3A_93 = tpu.memref_slice %arg2[%multiple_of3A_84] : memref<25165824xf32, #tpu.memory_space<hbm>> -> memref<49152xf32, #tpu.memory_space<hbm>>
    tpu.wait_dma2 semaphore(%arg9 : memref<!tpu.dma_semaphore, #tpu.memory_space<semaphore_mem>>) src(%dma_wait3A_93 : memref<49152xf32, #tpu.memory_space<hbm>>) dst(%arg6 : memref<49152xf32, #tpu.memory_space<vmem>>)
    %dma_start3A_94 = arith.constant 0 : i32
    %dma_start3A_95 = tpu.memref_slice %arg6[%dma_start3A_94] : memref<49152xf32, #tpu.memory_space<vmem>> -> memref<32768xf32, #tpu.memory_space<vmem>>
    %dma_start3A_96 = tpu.memref_slice %arg4[%multiple_of3A_89] : memref<29360128xf32, #tpu.memory_space<hbm>> -> memref<32768xf32, #tpu.memory_space<hbm>>
    %dma_start3A_97 = tpu.memref_slice %arg4[%multiple_of3A_89] : memref<29360128xf32, #tpu.memory_space<hbm>> -> memref<32768xf32, #tpu.memory_space<hbm>>
    %dma_start3A_98 = arith.constant 0 : i32
    %dma_start3A_99 = tpu.memref_slice %arg6[%dma_start3A_98] : memref<49152xf32, #tpu.memory_space<vmem>> -> memref<32768xf32, #tpu.memory_space<vmem>>
    tpu.enqueue_dma source(%dma_start3A_99 : memref<32768xf32, #tpu.memory_space<vmem>>) target(%dma_start3A_97 : memref<32768xf32, #tpu.memory_space<hbm>>) target_semaphore(%arg11 : memref<!tpu.dma_semaphore, #tpu.memory_space<semaphore_mem>>)
    %add3A_100 = arith.constant 32768 : i32
    %add3A_101 = arith.addi %multiple_of3A_89, %add3A_100 : i32
    %dma_start3A_102 = arith.constant 8192 : i32
    %dma_start3A_103 = tpu.memref_slice %arg7[%dma_start3A_102] : memref<16384xf32, #tpu.memory_space<vmem>> -> memref<8192xf32, #tpu.memory_space<vmem>>
    %dma_start3A_104 = tpu.memref_slice %arg4[%add3A_101] : memref<29360128xf32, #tpu.memory_space<hbm>> -> memref<8192xf32, #tpu.memory_space<hbm>>
    %dma_start3A_105 = tpu.memref_slice %arg4[%add3A_101] : memref<29360128xf32, #tpu.memory_space<hbm>> -> memref<8192xf32, #tpu.memory_space<hbm>>
    %dma_start3A_106 = arith.constant 8192 : i32
    %dma_start3A_107 = tpu.memref_slice %arg7[%dma_start3A_106] : memref<16384xf32, #tpu.memory_space<vmem>> -> memref<8192xf32, #tpu.memory_space<vmem>>
    tpu.enqueue_dma source(%dma_start3A_107 : memref<8192xf32, #tpu.memory_space<vmem>>) target(%dma_start3A_105 : memref<8192xf32, #tpu.memory_space<hbm>>) target_semaphore(%arg11 : memref<!tpu.dma_semaphore, #tpu.memory_space<semaphore_mem>>)
    %add3A_108 = arith.constant 40960 : i32
    %add3A_109 = arith.addi %multiple_of3A_89, %add3A_108 : i32
    %dma_start3A_110 = arith.constant 32768 : i32
    %dma_start3A_111 = tpu.memref_slice %arg6[%dma_start3A_110] : memref<49152xf32, #tpu.memory_space<vmem>> -> memref<16384xf32, #tpu.memory_space<vmem>>
    %dma_start3A_112 = tpu.memref_slice %arg4[%add3A_109] : memref<29360128xf32, #tpu.memory_space<hbm>> -> memref<16384xf32, #tpu.memory_space<hbm>>
    %dma_start3A_113 = tpu.memref_slice %arg4[%add3A_109] : memref<29360128xf32, #tpu.memory_space<hbm>> -> memref<16384xf32, #tpu.memory_space<hbm>>
    %dma_start3A_114 = arith.constant 32768 : i32
    %dma_start3A_115 = tpu.memref_slice %arg6[%dma_start3A_114] : memref<49152xf32, #tpu.memory_space<vmem>> -> memref<16384xf32, #tpu.memory_space<vmem>>
    tpu.enqueue_dma source(%dma_start3A_115 : memref<16384xf32, #tpu.memory_space<vmem>>) target(%dma_start3A_113 : memref<16384xf32, #tpu.memory_space<hbm>>) target_semaphore(%arg11 : memref<!tpu.dma_semaphore, #tpu.memory_space<semaphore_mem>>)
    %add3A_116 = arith.constant 4 : i32
    %add3A_117 = arith.addi %add3A_33, %add3A_116 : i32
    %mul3A_118 = arith.constant 98304 : i32
    %mul3A_119 = arith.muli %add3A_117, %mul3A_118 : i32
    %add3A_120 = arith.constant 0 : i32
    %add3A_121 = arith.addi %mul3A_119, %add3A_120 : i32
    %multiple_of3A_122 = tpu.assume_multiple %add3A_121, 8192 : i32
    %mul3A_123 = arith.constant 114688 : i32
    %mul3A_124 = arith.muli %add3A_117, %mul3A_123 : i32
    %add3A_125 = arith.constant 0 : i32
    %add3A_126 = arith.addi %mul3A_124, %add3A_125 : i32
    %multiple_of3A_127 = tpu.assume_multiple %add3A_126, 8192 : i32
    %dma_wait3A_128 = arith.constant 0 : i32
    %dma_wait3A_129 = tpu.memref_slice %arg5[%dma_wait3A_128] : memref<49152xf32, #tpu.memory_space<vmem>> -> memref<16384xf32, #tpu.memory_space<vmem>>
    %dma_wait3A_130 = tpu.memref_slice %arg4[%multiple_of3A_51] : memref<29360128xf32, #tpu.memory_space<hbm>> -> memref<16384xf32, #tpu.memory_space<hbm>>
    %dma_wait3A_131 = tpu.memref_slice %arg4[%multiple_of3A_51] : memref<29360128xf32, #tpu.memory_space<hbm>> -> memref<16384xf32, #tpu.memory_space<hbm>>
    %dma_wait3A_132 = arith.constant 0 : i32
    %dma_wait3A_133 = tpu.memref_slice %arg5[%dma_wait3A_132] : memref<49152xf32, #tpu.memory_space<vmem>> -> memref<16384xf32, #tpu.memory_space<vmem>>
    tpu.wait_dma2 semaphore(%arg10 : memref<!tpu.dma_semaphore, #tpu.memory_space<semaphore_mem>>) src(%dma_wait3A_133 : memref<16384xf32, #tpu.memory_space<vmem>>) dst(%dma_wait3A_131 : memref<16384xf32, #tpu.memory_space<hbm>>)
    %dma_wait3A_134 = arith.constant 0 : i32
    %dma_wait3A_135 = tpu.memref_slice %arg7[%dma_wait3A_134] : memref<16384xf32, #tpu.memory_space<vmem>> -> memref<8192xf32, #tpu.memory_space<vmem>>
    %dma_wait3A_136 = tpu.memref_slice %arg4[%add3A_63] : memref<29360128xf32, #tpu.memory_space<hbm>> -> memref<8192xf32, #tpu.memory_space<hbm>>
    %dma_wait3A_137 = tpu.memref_slice %arg4[%add3A_63] : memref<29360128xf32, #tpu.memory_space<hbm>> -> memref<8192xf32, #tpu.memory_space<hbm>>
    %dma_wait3A_138 = arith.constant 0 : i32
    %dma_wait3A_139 = tpu.memref_slice %arg7[%dma_wait3A_138] : memref<16384xf32, #tpu.memory_space<vmem>> -> memref<8192xf32, #tpu.memory_space<vmem>>
    tpu.wait_dma2 semaphore(%arg10 : memref<!tpu.dma_semaphore, #tpu.memory_space<semaphore_mem>>) src(%dma_wait3A_139 : memref<8192xf32, #tpu.memory_space<vmem>>) dst(%dma_wait3A_137 : memref<8192xf32, #tpu.memory_space<hbm>>)
    %dma_wait3A_140 = arith.constant 16384 : i32
    %dma_wait3A_141 = tpu.memref_slice %arg5[%dma_wait3A_140] : memref<49152xf32, #tpu.memory_space<vmem>> -> memref<32768xf32, #tpu.memory_space<vmem>>
    %dma_wait3A_142 = tpu.memref_slice %arg4[%add3A_71] : memref<29360128xf32, #tpu.memory_space<hbm>> -> memref<32768xf32, #tpu.memory_space<hbm>>
    %dma_wait3A_143 = tpu.memref_slice %arg4[%add3A_71] : memref<29360128xf32, #tpu.memory_space<hbm>> -> memref<32768xf32, #tpu.memory_space<hbm>>
    %dma_wait3A_144 = arith.constant 16384 : i32
    %dma_wait3A_145 = tpu.memref_slice %arg5[%dma_wait3A_144] : memref<49152xf32, #tpu.memory_space<vmem>> -> memref<32768xf32, #tpu.memory_space<vmem>>
    tpu.wait_dma2 semaphore(%arg10 : memref<!tpu.dma_semaphore, #tpu.memory_space<semaphore_mem>>) src(%dma_wait3A_145 : memref<32768xf32, #tpu.memory_space<vmem>>) dst(%dma_wait3A_143 : memref<32768xf32, #tpu.memory_space<hbm>>)
    %dma_start3A_146 = tpu.memref_slice %arg2[%multiple_of3A_122] : memref<25165824xf32, #tpu.memory_space<hbm>> -> memref<49152xf32, #tpu.memory_space<hbm>>
    %dma_start3A_147 = tpu.memref_slice %arg2[%multiple_of3A_122] : memref<25165824xf32, #tpu.memory_space<hbm>> -> memref<49152xf32, #tpu.memory_space<hbm>>
    tpu.enqueue_dma source(%dma_start3A_147 : memref<49152xf32, #tpu.memory_space<hbm>>) target(%arg5 : memref<49152xf32, #tpu.memory_space<vmem>>) target_semaphore(%arg8 : memref<!tpu.dma_semaphore, #tpu.memory_space<semaphore_mem>>)
    %dma_wait3A_148 = tpu.memref_slice %arg2[%multiple_of3A_122] : memref<25165824xf32, #tpu.memory_space<hbm>> -> memref<49152xf32, #tpu.memory_space<hbm>>
    %dma_wait3A_149 = tpu.memref_slice %arg2[%multiple_of3A_122] : memref<25165824xf32, #tpu.memory_space<hbm>> -> memref<49152xf32, #tpu.memory_space<hbm>>
    tpu.wait_dma2 semaphore(%arg8 : memref<!tpu.dma_semaphore, #tpu.memory_space<semaphore_mem>>) src(%dma_wait3A_149 : memref<49152xf32, #tpu.memory_space<hbm>>) dst(%arg5 : memref<49152xf32, #tpu.memory_space<vmem>>)
    %dma_start3A_150 = arith.constant 0 : i32
    %dma_start3A_151 = tpu.memref_slice %arg5[%dma_start3A_150] : memref<49152xf32, #tpu.memory_space<vmem>> -> memref<16384xf32, #tpu.memory_space<vmem>>
    %dma_start3A_152 = tpu.memref_slice %arg4[%multiple_of3A_127] : memref<29360128xf32, #tpu.memory_space<hbm>> -> memref<16384xf32, #tpu.memory_space<hbm>>
    %dma_start3A_153 = tpu.memref_slice %arg4[%multiple_of3A_127] : memref<29360128xf32, #tpu.memory_space<hbm>> -> memref<16384xf32, #tpu.memory_space<hbm>>
    %dma_start3A_154 = arith.constant 0 : i32
    %dma_start3A_155 = tpu.memref_slice %arg5[%dma_start3A_154] : memref<49152xf32, #tpu.memory_space<vmem>> -> memref<16384xf32, #tpu.memory_space<vmem>>
    tpu.enqueue_dma source(%dma_start3A_155 : memref<16384xf32, #tpu.memory_space<vmem>>) target(%dma_start3A_153 : memref<16384xf32, #tpu.memory_space<hbm>>) target_semaphore(%arg10 : memref<!tpu.dma_semaphore, #tpu.memory_space<semaphore_mem>>)
    %add3A_156 = arith.constant 16384 : i32
    %add3A_157 = arith.addi %multiple_of3A_127, %add3A_156 : i32
    %dma_start3A_158 = arith.constant 0 : i32
    %dma_start3A_159 = tpu.memref_slice %arg7[%dma_start3A_158] : memref<16384xf32, #tpu.memory_space<vmem>> -> memref<8192xf32, #tpu.memory_space<vmem>>
    %dma_start3A_160 = tpu.memref_slice %arg4[%add3A_157] : memref<29360128xf32, #tpu.memory_space<hbm>> -> memref<8192xf32, #tpu.memory_space<hbm>>
    %dma_start3A_161 = tpu.memref_slice %arg4[%add3A_157] : memref<29360128xf32, #tpu.memory_space<hbm>> -> memref<8192xf32, #tpu.memory_space<hbm>>
    %dma_start3A_162 = arith.constant 0 : i32
    %dma_start3A_163 = tpu.memref_slice %arg7[%dma_start3A_162] : memref<16384xf32, #tpu.memory_space<vmem>> -> memref<8192xf32, #tpu.memory_space<vmem>>
    tpu.enqueue_dma source(%dma_start3A_163 : memref<8192xf32, #tpu.memory_space<vmem>>) target(%dma_start3A_161 : memref<8192xf32, #tpu.memory_space<hbm>>) target_semaphore(%arg10 : memref<!tpu.dma_semaphore, #tpu.memory_space<semaphore_mem>>)
    %add3A_164 = arith.constant 24576 : i32
    %add3A_165 = arith.addi %multiple_of3A_127, %add3A_164 : i32
    %dma_start3A_166 = arith.constant 16384 : i32
    %dma_start3A_167 = tpu.memref_slice %arg5[%dma_start3A_166] : memref<49152xf32, #tpu.memory_space<vmem>> -> memref<32768xf32, #tpu.memory_space<vmem>>
    %dma_start3A_168 = tpu.memref_slice %arg4[%add3A_165] : memref<29360128xf32, #tpu.memory_space<hbm>> -> memref<32768xf32, #tpu.memory_space<hbm>>
    %dma_start3A_169 = tpu.memref_slice %arg4[%add3A_165] : memref<29360128xf32, #tpu.memory_space<hbm>> -> memref<32768xf32, #tpu.memory_space<hbm>>
    %dma_start3A_170 = arith.constant 16384 : i32
    %dma_start3A_171 = tpu.memref_slice %arg5[%dma_start3A_170] : memref<49152xf32, #tpu.memory_space<vmem>> -> memref<32768xf32, #tpu.memory_space<vmem>>
    tpu.enqueue_dma source(%dma_start3A_171 : memref<32768xf32, #tpu.memory_space<vmem>>) target(%dma_start3A_169 : memref<32768xf32, #tpu.memory_space<hbm>>) target_semaphore(%arg10 : memref<!tpu.dma_semaphore, #tpu.memory_space<semaphore_mem>>)
    %add3A_172 = arith.constant 4 : i32
    %add3A_173 = arith.addi %add3A_33, %add3A_172 : i32
    %mul3A_174 = arith.constant 98304 : i32
    %mul3A_175 = arith.muli %add3A_173, %mul3A_174 : i32
    %add3A_176 = arith.constant 49152 : i32
    %add3A_177 = arith.addi %mul3A_175, %add3A_176 : i32
    %multiple_of3A_178 = tpu.assume_multiple %add3A_177, 8192 : i32
    %mul3A_179 = arith.constant 114688 : i32
    %mul3A_180 = arith.muli %add3A_173, %mul3A_179 : i32
    %add3A_181 = arith.constant 57344 : i32
    %add3A_182 = arith.addi %mul3A_180, %add3A_181 : i32
    %multiple_of3A_183 = tpu.assume_multiple %add3A_182, 8192 : i32
    %dma_wait3A_184 = arith.constant 0 : i32
    %dma_wait3A_185 = tpu.memref_slice %arg6[%dma_wait3A_184] : memref<49152xf32, #tpu.memory_space<vmem>> -> memref<32768xf32, #tpu.memory_space<vmem>>
    %dma_wait3A_186 = tpu.memref_slice %arg4[%multiple_of3A_89] : memref<29360128xf32, #tpu.memory_space<hbm>> -> memref<32768xf32, #tpu.memory_space<hbm>>
    %dma_wait3A_187 = tpu.memref_slice %arg4[%multiple_of3A_89] : memref<29360128xf32, #tpu.memory_space<hbm>> -> memref<32768xf32, #tpu.memory_space<hbm>>
    %dma_wait3A_188 = arith.constant 0 : i32
    %dma_wait3A_189 = tpu.memref_slice %arg6[%dma_wait3A_188] : memref<49152xf32, #tpu.memory_space<vmem>> -> memref<32768xf32, #tpu.memory_space<vmem>>
    tpu.wait_dma2 semaphore(%arg11 : memref<!tpu.dma_semaphore, #tpu.memory_space<semaphore_mem>>) src(%dma_wait3A_189 : memref<32768xf32, #tpu.memory_space<vmem>>) dst(%dma_wait3A_187 : memref<32768xf32, #tpu.memory_space<hbm>>)
    %dma_wait3A_190 = arith.constant 8192 : i32
    %dma_wait3A_191 = tpu.memref_slice %arg7[%dma_wait3A_190] : memref<16384xf32, #tpu.memory_space<vmem>> -> memref<8192xf32, #tpu.memory_space<vmem>>
    %dma_wait3A_192 = tpu.memref_slice %arg4[%add3A_101] : memref<29360128xf32, #tpu.memory_space<hbm>> -> memref<8192xf32, #tpu.memory_space<hbm>>
    %dma_wait3A_193 = tpu.memref_slice %arg4[%add3A_101] : memref<29360128xf32, #tpu.memory_space<hbm>> -> memref<8192xf32, #tpu.memory_space<hbm>>
    %dma_wait3A_194 = arith.constant 8192 : i32
    %dma_wait3A_195 = tpu.memref_slice %arg7[%dma_wait3A_194] : memref<16384xf32, #tpu.memory_space<vmem>> -> memref<8192xf32, #tpu.memory_space<vmem>>
    tpu.wait_dma2 semaphore(%arg11 : memref<!tpu.dma_semaphore, #tpu.memory_space<semaphore_mem>>) src(%dma_wait3A_195 : memref<8192xf32, #tpu.memory_space<vmem>>) dst(%dma_wait3A_193 : memref<8192xf32, #tpu.memory_space<hbm>>)
    %dma_wait3A_196 = arith.constant 32768 : i32
    %dma_wait3A_197 = tpu.memref_slice %arg6[%dma_wait3A_196] : memref<49152xf32, #tpu.memory_space<vmem>> -> memref<16384xf32, #tpu.memory_space<vmem>>
    %dma_wait3A_198 = tpu.memref_slice %arg4[%add3A_109] : memref<29360128xf32, #tpu.memory_space<hbm>> -> memref<16384xf32, #tpu.memory_space<hbm>>
    %dma_wait3A_199 = tpu.memref_slice %arg4[%add3A_109] : memref<29360128xf32, #tpu.memory_space<hbm>> -> memref<16384xf32, #tpu.memory_space<hbm>>
    %dma_wait3A_200 = arith.constant 32768 : i32
    %dma_wait3A_201 = tpu.memref_slice %arg6[%dma_wait3A_200] : memref<49152xf32, #tpu.memory_space<vmem>> -> memref<16384xf32, #tpu.memory_space<vmem>>
    tpu.wait_dma2 semaphore(%arg11 : memref<!tpu.dma_semaphore, #tpu.memory_space<semaphore_mem>>) src(%dma_wait3A_201 : memref<16384xf32, #tpu.memory_space<vmem>>) dst(%dma_wait3A_199 : memref<16384xf32, #tpu.memory_space<hbm>>)
    %dma_start3A_202 = tpu.memref_slice %arg2[%multiple_of3A_178] : memref<25165824xf32, #tpu.memory_space<hbm>> -> memref<49152xf32, #tpu.memory_space<hbm>>
    %dma_start3A_203 = tpu.memref_slice %arg2[%multiple_of3A_178] : memref<25165824xf32, #tpu.memory_space<hbm>> -> memref<49152xf32, #tpu.memory_space<hbm>>
    tpu.enqueue_dma source(%dma_start3A_203 : memref<49152xf32, #tpu.memory_space<hbm>>) target(%arg6 : memref<49152xf32, #tpu.memory_space<vmem>>) target_semaphore(%arg9 : memref<!tpu.dma_semaphore, #tpu.memory_space<semaphore_mem>>)
    %dma_wait3A_204 = tpu.memref_slice %arg2[%multiple_of3A_178] : memref<25165824xf32, #tpu.memory_space<hbm>> -> memref<49152xf32, #tpu.memory_space<hbm>>
    %dma_wait3A_205 = tpu.memref_slice %arg2[%multiple_of3A_178] : memref<25165824xf32, #tpu.memory_space<hbm>> -> memref<49152xf32, #tpu.memory_space<hbm>>
    tpu.wait_dma2 semaphore(%arg9 : memref<!tpu.dma_semaphore, #tpu.memory_space<semaphore_mem>>) src(%dma_wait3A_205 : memref<49152xf32, #tpu.memory_space<hbm>>) dst(%arg6 : memref<49152xf32, #tpu.memory_space<vmem>>)
    %dma_start3A_206 = arith.constant 0 : i32
    %dma_start3A_207 = tpu.memref_slice %arg6[%dma_start3A_206] : memref<49152xf32, #tpu.memory_space<vmem>> -> memref<32768xf32, #tpu.memory_space<vmem>>
    %dma_start3A_208 = tpu.memref_slice %arg4[%multiple_of3A_183] : memref<29360128xf32, #tpu.memory_space<hbm>> -> memref<32768xf32, #tpu.memory_space<hbm>>
    %dma_start3A_209 = tpu.memref_slice %arg4[%multiple_of3A_183] : memref<29360128xf32, #tpu.memory_space<hbm>> -> memref<32768xf32, #tpu.memory_space<hbm>>
    %dma_start3A_210 = arith.constant 0 : i32
    %dma_start3A_211 = tpu.memref_slice %arg6[%dma_start3A_210] : memref<49152xf32, #tpu.memory_space<vmem>> -> memref<32768xf32, #tpu.memory_space<vmem>>
    tpu.enqueue_dma source(%dma_start3A_211 : memref<32768xf32, #tpu.memory_space<vmem>>) target(%dma_start3A_209 : memref<32768xf32, #tpu.memory_space<hbm>>) target_semaphore(%arg11 : memref<!tpu.dma_semaphore, #tpu.memory_space<semaphore_mem>>)
    %add3A_212 = arith.constant 32768 : i32
    %add3A_213 = arith.addi %multiple_of3A_183, %add3A_212 : i32
    %dma_start3A_214 = arith.constant 8192 : i32
    %dma_start3A_215 = tpu.memref_slice %arg7[%dma_start3A_214] : memref<16384xf32, #tpu.memory_space<vmem>> -> memref<8192xf32, #tpu.memory_space<vmem>>
    %dma_start3A_216 = tpu.memref_slice %arg4[%add3A_213] : memref<29360128xf32, #tpu.memory_space<hbm>> -> memref<8192xf32, #tpu.memory_space<hbm>>
    %dma_start3A_217 = tpu.memref_slice %arg4[%add3A_213] : memref<29360128xf32, #tpu.memory_space<hbm>> -> memref<8192xf32, #tpu.memory_space<hbm>>
    %dma_start3A_218 = arith.constant 8192 : i32
    %dma_start3A_219 = tpu.memref_slice %arg7[%dma_start3A_218] : memref<16384xf32, #tpu.memory_space<vmem>> -> memref<8192xf32, #tpu.memory_space<vmem>>
    tpu.enqueue_dma source(%dma_start3A_219 : memref<8192xf32, #tpu.memory_space<vmem>>) target(%dma_start3A_217 : memref<8192xf32, #tpu.memory_space<hbm>>) target_semaphore(%arg11 : memref<!tpu.dma_semaphore, #tpu.memory_space<semaphore_mem>>)
    %add3A_220 = arith.constant 40960 : i32
    %add3A_221 = arith.addi %multiple_of3A_183, %add3A_220 : i32
    %dma_start3A_222 = arith.constant 32768 : i32
    %dma_start3A_223 = tpu.memref_slice %arg6[%dma_start3A_222] : memref<49152xf32, #tpu.memory_space<vmem>> -> memref<16384xf32, #tpu.memory_space<vmem>>
    %dma_start3A_224 = tpu.memref_slice %arg4[%add3A_221] : memref<29360128xf32, #tpu.memory_space<hbm>> -> memref<16384xf32, #tpu.memory_space<hbm>>
    %dma_start3A_225 = tpu.memref_slice %arg4[%add3A_221] : memref<29360128xf32, #tpu.memory_space<hbm>> -> memref<16384xf32, #tpu.memory_space<hbm>>
    %dma_start3A_226 = arith.constant 32768 : i32
    %dma_start3A_227 = tpu.memref_slice %arg6[%dma_start3A_226] : memref<49152xf32, #tpu.memory_space<vmem>> -> memref<16384xf32, #tpu.memory_space<vmem>>
    tpu.enqueue_dma source(%dma_start3A_227 : memref<16384xf32, #tpu.memory_space<vmem>>) target(%dma_start3A_225 : memref<16384xf32, #tpu.memory_space<hbm>>) target_semaphore(%arg11 : memref<!tpu.dma_semaphore, #tpu.memory_space<semaphore_mem>>)
    %add3A_228 = arith.constant 8 : i32
    %add3A_229 = arith.addi %add3A_33, %add3A_228 : i32
    %mul3A_230 = arith.constant 98304 : i32
    %mul3A_231 = arith.muli %add3A_229, %mul3A_230 : i32
    %add3A_232 = arith.constant 0 : i32
    %add3A_233 = arith.addi %mul3A_231, %add3A_232 : i32
    %multiple_of3A_234 = tpu.assume_multiple %add3A_233, 8192 : i32
    %mul3A_235 = arith.constant 114688 : i32
    %mul3A_236 = arith.muli %add3A_229, %mul3A_235 : i32
    %add3A_237 = arith.constant 0 : i32
    %add3A_238 = arith.addi %mul3A_236, %add3A_237 : i32
    %multiple_of3A_239 = tpu.assume_multiple %add3A_238, 8192 : i32
    %dma_wait3A_240 = arith.constant 0 : i32
    %dma_wait3A_241 = tpu.memref_slice %arg5[%dma_wait3A_240] : memref<49152xf32, #tpu.memory_space<vmem>> -> memref<16384xf32, #tpu.memory_space<vmem>>
    %dma_wait3A_242 = tpu.memref_slice %arg4[%multiple_of3A_127] : memref<29360128xf32, #tpu.memory_space<hbm>> -> memref<16384xf32, #tpu.memory_space<hbm>>
    %dma_wait3A_243 = tpu.memref_slice %arg4[%multiple_of3A_127] : memref<29360128xf32, #tpu.memory_space<hbm>> -> memref<16384xf32, #tpu.memory_space<hbm>>
    %dma_wait3A_244 = arith.constant 0 : i32
    %dma_wait3A_245 = tpu.memref_slice %arg5[%dma_wait3A_244] : memref<49152xf32, #tpu.memory_space<vmem>> -> memref<16384xf32, #tpu.memory_space<vmem>>
    tpu.wait_dma2 semaphore(%arg10 : memref<!tpu.dma_semaphore, #tpu.memory_space<semaphore_mem>>) src(%dma_wait3A_245 : memref<16384xf32, #tpu.memory_space<vmem>>) dst(%dma_wait3A_243 : memref<16384xf32, #tpu.memory_space<hbm>>)
    %dma_wait3A_246 = arith.constant 0 : i32
    %dma_wait3A_247 = tpu.memref_slice %arg7[%dma_wait3A_246] : memref<16384xf32, #tpu.memory_space<vmem>> -> memref<8192xf32, #tpu.memory_space<vmem>>
    %dma_wait3A_248 = tpu.memref_slice %arg4[%add3A_157] : memref<29360128xf32, #tpu.memory_space<hbm>> -> memref<8192xf32, #tpu.memory_space<hbm>>
    %dma_wait3A_249 = tpu.memref_slice %arg4[%add3A_157] : memref<29360128xf32, #tpu.memory_space<hbm>> -> memref<8192xf32, #tpu.memory_space<hbm>>
    %dma_wait3A_250 = arith.constant 0 : i32
    %dma_wait3A_251 = tpu.memref_slice %arg7[%dma_wait3A_250] : memref<16384xf32, #tpu.memory_space<vmem>> -> memref<8192xf32, #tpu.memory_space<vmem>>
    tpu.wait_dma2 semaphore(%arg10 : memref<!tpu.dma_semaphore, #tpu.memory_space<semaphore_mem>>) src(%dma_wait3A_251 : memref<8192xf32, #tpu.memory_space<vmem>>) dst(%dma_wait3A_249 : memref<8192xf32, #tpu.memory_space<hbm>>)
    %dma_wait3A_252 = arith.constant 16384 : i32
    %dma_wait3A_253 = tpu.memref_slice %arg5[%dma_wait3A_252] : memref<49152xf32, #tpu.memory_space<vmem>> -> memref<32768xf32, #tpu.memory_space<vmem>>
    %dma_wait3A_254 = tpu.memref_slice %arg4[%add3A_165] : memref<29360128xf32, #tpu.memory_space<hbm>> -> memref<32768xf32, #tpu.memory_space<hbm>>
    %dma_wait3A_255 = tpu.memref_slice %arg4[%add3A_165] : memref<29360128xf32, #tpu.memory_space<hbm>> -> memref<32768xf32, #tpu.memory_space<hbm>>
    %dma_wait3A_256 = arith.constant 16384 : i32
    %dma_wait3A_257 = tpu.memref_slice %arg5[%dma_wait3A_256] : memref<49152xf32, #tpu.memory_space<vmem>> -> memref<32768xf32, #tpu.memory_space<vmem>>
    tpu.wait_dma2 semaphore(%arg10 : memref<!tpu.dma_semaphore, #tpu.memory_space<semaphore_mem>>) src(%dma_wait3A_257 : memref<32768xf32, #tpu.memory_space<vmem>>) dst(%dma_wait3A_255 : memref<32768xf32, #tpu.memory_space<hbm>>)
    %dma_start3A_258 = tpu.memref_slice %arg2[%multiple_of3A_234] : memref<25165824xf32, #tpu.memory_space<hbm>> -> memref<49152xf32, #tpu.memory_space<hbm>>
    %dma_start3A_259 = tpu.memref_slice %arg2[%multiple_of3A_234] : memref<25165824xf32, #tpu.memory_space<hbm>> -> memref<49152xf32, #tpu.memory_space<hbm>>
    tpu.enqueue_dma source(%dma_start3A_259 : memref<49152xf32, #tpu.memory_space<hbm>>) target(%arg5 : memref<49152xf32, #tpu.memory_space<vmem>>) target_semaphore(%arg8 : memref<!tpu.dma_semaphore, #tpu.memory_space<semaphore_mem>>)
    %dma_wait3A_260 = tpu.memref_slice %arg2[%multiple_of3A_234] : memref<25165824xf32, #tpu.memory_space<hbm>> -> memref<49152xf32, #tpu.memory_space<hbm>>
    %dma_wait3A_261 = tpu.memref_slice %arg2[%multiple_of3A_234] : memref<25165824xf32, #tpu.memory_space<hbm>> -> memref<49152xf32, #tpu.memory_space<hbm>>
    tpu.wait_dma2 semaphore(%arg8 : memref<!tpu.dma_semaphore, #tpu.memory_space<semaphore_mem>>) src(%dma_wait3A_261 : memref<49152xf32, #tpu.memory_space<hbm>>) dst(%arg5 : memref<49152xf32, #tpu.memory_space<vmem>>)
    %dma_start3A_262 = arith.constant 0 : i32
    %dma_start3A_263 = tpu.memref_slice %arg5[%dma_start3A_262] : memref<49152xf32, #tpu.memory_space<vmem>> -> memref<16384xf32, #tpu.memory_space<vmem>>
    %dma_start3A_264 = tpu.memref_slice %arg4[%multiple_of3A_239] : memref<29360128xf32, #tpu.memory_space<hbm>> -> memref<16384xf32, #tpu.memory_space<hbm>>
    %dma_start3A_265 = tpu.memref_slice %arg4[%multiple_of3A_239] : memref<29360128xf32, #tpu.memory_space<hbm>> -> memref<16384xf32, #tpu.memory_space<hbm>>
    %dma_start3A_266 = arith.constant 0 : i32
    %dma_start3A_267 = tpu.memref_slice %arg5[%dma_start3A_266] : memref<49152xf32, #tpu.memory_space<vmem>> -> memref<16384xf32, #tpu.memory_space<vmem>>
    tpu.enqueue_dma source(%dma_start3A_267 : memref<16384xf32, #tpu.memory_space<vmem>>) target(%dma_start3A_265 : memref<16384xf32, #tpu.memory_space<hbm>>) target_semaphore(%arg10 : memref<!tpu.dma_semaphore, #tpu.memory_space<semaphore_mem>>)
    %add3A_268 = arith.constant 16384 : i32
    %add3A_269 = arith.addi %multiple_of3A_239, %add3A_268 : i32
    %dma_start3A_270 = arith.constant 0 : i32
    %dma_start3A_271 = tpu.memref_slice %arg7[%dma_start3A_270] : memref<16384xf32, #tpu.memory_space<vmem>> -> memref<8192xf32, #tpu.memory_space<vmem>>
    %dma_start3A_272 = tpu.memref_slice %arg4[%add3A_269] : memref<29360128xf32, #tpu.memory_space<hbm>> -> memref<8192xf32, #tpu.memory_space<hbm>>
    %dma_start3A_273 = tpu.memref_slice %arg4[%add3A_269] : memref<29360128xf32, #tpu.memory_space<hbm>> -> memref<8192xf32, #tpu.memory_space<hbm>>
    %dma_start3A_274 = arith.constant 0 : i32
    %dma_start3A_275 = tpu.memref_slice %arg7[%dma_start3A_274] : memref<16384xf32, #tpu.memory_space<vmem>> -> memref<8192xf32, #tpu.memory_space<vmem>>
    tpu.enqueue_dma source(%dma_start3A_275 : memref<8192xf32, #tpu.memory_space<vmem>>) target(%dma_start3A_273 : memref<8192xf32, #tpu.memory_space<hbm>>) target_semaphore(%arg10 : memref<!tpu.dma_semaphore, #tpu.memory_space<semaphore_mem>>)
    %add3A_276 = arith.constant 24576 : i32
    %add3A_277 = arith.addi %multiple_of3A_239, %add3A_276 : i32
    %dma_start3A_278 = arith.constant 16384 : i32
    %dma_start3A_279 = tpu.memref_slice %arg5[%dma_start3A_278] : memref<49152xf32, #tpu.memory_space<vmem>> -> memref<32768xf32, #tpu.memory_space<vmem>>
    %dma_start3A_280 = tpu.memref_slice %arg4[%add3A_277] : memref<29360128xf32, #tpu.memory_space<hbm>> -> memref<32768xf32, #tpu.memory_space<hbm>>
    %dma_start3A_281 = tpu.memref_slice %arg4[%add3A_277] : memref<29360128xf32, #tpu.memory_space<hbm>> -> memref<32768xf32, #tpu.memory_space<hbm>>
    %dma_start3A_282 = arith.constant 16384 : i32
    %dma_start3A_283 = tpu.memref_slice %arg5[%dma_start3A_282] : memref<49152xf32, #tpu.memory_space<vmem>> -> memref<32768xf32, #tpu.memory_space<vmem>>
    tpu.enqueue_dma source(%dma_start3A_283 : memref<32768xf32, #tpu.memory_space<vmem>>) target(%dma_start3A_281 : memref<32768xf32, #tpu.memory_space<hbm>>) target_semaphore(%arg10 : memref<!tpu.dma_semaphore, #tpu.memory_space<semaphore_mem>>)
    %add3A_284 = arith.constant 8 : i32
    %add3A_285 = arith.addi %add3A_33, %add3A_284 : i32
    %mul3A_286 = arith.constant 98304 : i32
    %mul3A_287 = arith.muli %add3A_285, %mul3A_286 : i32
    %add3A_288 = arith.constant 49152 : i32
    %add3A_289 = arith.addi %mul3A_287, %add3A_288 : i32
    %multiple_of3A_290 = tpu.assume_multiple %add3A_289, 8192 : i32
    %mul3A_291 = arith.constant 114688 : i32
    %mul3A_292 = arith.muli %add3A_285, %mul3A_291 : i32
    %add3A_293 = arith.constant 57344 : i32
    %add3A_294 = arith.addi %mul3A_292, %add3A_293 : i32
    %multiple_of3A_295 = tpu.assume_multiple %add3A_294, 8192 : i32
    %dma_wait3A_296 = arith.constant 0 : i32
    %dma_wait3A_297 = tpu.memref_slice %arg6[%dma_wait3A_296] : memref<49152xf32, #tpu.memory_space<vmem>> -> memref<32768xf32, #tpu.memory_space<vmem>>
    %dma_wait3A_298 = tpu.memref_slice %arg4[%multiple_of3A_183] : memref<29360128xf32, #tpu.memory_space<hbm>> -> memref<32768xf32, #tpu.memory_space<hbm>>
    %dma_wait3A_299 = tpu.memref_slice %arg4[%multiple_of3A_183] : memref<29360128xf32, #tpu.memory_space<hbm>> -> memref<32768xf32, #tpu.memory_space<hbm>>
    %dma_wait3A_300 = arith.constant 0 : i32
    %dma_wait3A_301 = tpu.memref_slice %arg6[%dma_wait3A_300] : memref<49152xf32, #tpu.memory_space<vmem>> -> memref<32768xf32, #tpu.memory_space<vmem>>
    tpu.wait_dma2 semaphore(%arg11 : memref<!tpu.dma_semaphore, #tpu.memory_space<semaphore_mem>>) src(%dma_wait3A_301 : memref<32768xf32, #tpu.memory_space<vmem>>) dst(%dma_wait3A_299 : memref<32768xf32, #tpu.memory_space<hbm>>)
    %dma_wait3A_302 = arith.constant 8192 : i32
    %dma_wait3A_303 = tpu.memref_slice %arg7[%dma_wait3A_302] : memref<16384xf32, #tpu.memory_space<vmem>> -> memref<8192xf32, #tpu.memory_space<vmem>>
    %dma_wait3A_304 = tpu.memref_slice %arg4[%add3A_213] : memref<29360128xf32, #tpu.memory_space<hbm>> -> memref<8192xf32, #tpu.memory_space<hbm>>
    %dma_wait3A_305 = tpu.memref_slice %arg4[%add3A_213] : memref<29360128xf32, #tpu.memory_space<hbm>> -> memref<8192xf32, #tpu.memory_space<hbm>>
    %dma_wait3A_306 = arith.constant 8192 : i32
    %dma_wait3A_307 = tpu.memref_slice %arg7[%dma_wait3A_306] : memref<16384xf32, #tpu.memory_space<vmem>> -> memref<8192xf32, #tpu.memory_space<vmem>>
    tpu.wait_dma2 semaphore(%arg11 : memref<!tpu.dma_semaphore, #tpu.memory_space<semaphore_mem>>) src(%dma_wait3A_307 : memref<8192xf32, #tpu.memory_space<vmem>>) dst(%dma_wait3A_305 : memref<8192xf32, #tpu.memory_space<hbm>>)
    %dma_wait3A_308 = arith.constant 32768 : i32
    %dma_wait3A_309 = tpu.memref_slice %arg6[%dma_wait3A_308] : memref<49152xf32, #tpu.memory_space<vmem>> -> memref<16384xf32, #tpu.memory_space<vmem>>
    %dma_wait3A_310 = tpu.memref_slice %arg4[%add3A_221] : memref<29360128xf32, #tpu.memory_space<hbm>> -> memref<16384xf32, #tpu.memory_space<hbm>>
    %dma_wait3A_311 = tpu.memref_slice %arg4[%add3A_221] : memref<29360128xf32, #tpu.memory_space<hbm>> -> memref<16384xf32, #tpu.memory_space<hbm>>
    %dma_wait3A_312 = arith.constant 32768 : i32
    %dma_wait3A_313 = tpu.memref_slice %arg6[%dma_wait3A_312] : memref<49152xf32, #tpu.memory_space<vmem>> -> memref<16384xf32, #tpu.memory_space<vmem>>
    tpu.wait_dma2 semaphore(%arg11 : memref<!tpu.dma_semaphore, #tpu.memory_space<semaphore_mem>>) src(%dma_wait3A_313 : memref<16384xf32, #tpu.memory_space<vmem>>) dst(%dma_wait3A_311 : memref<16384xf32, #tpu.memory_space<hbm>>)
    %dma_start3A_314 = tpu.memref_slice %arg2[%multiple_of3A_290] : memref<25165824xf32, #tpu.memory_space<hbm>> -> memref<49152xf32, #tpu.memory_space<hbm>>
    %dma_start3A_315 = tpu.memref_slice %arg2[%multiple_of3A_290] : memref<25165824xf32, #tpu.memory_space<hbm>> -> memref<49152xf32, #tpu.memory_space<hbm>>
    tpu.enqueue_dma source(%dma_start3A_315 : memref<49152xf32, #tpu.memory_space<hbm>>) target(%arg6 : memref<49152xf32, #tpu.memory_space<vmem>>) target_semaphore(%arg9 : memref<!tpu.dma_semaphore, #tpu.memory_space<semaphore_mem>>)
    %dma_wait3A_316 = tpu.memref_slice %arg2[%multiple_of3A_290] : memref<25165824xf32, #tpu.memory_space<hbm>> -> memref<49152xf32, #tpu.memory_space<hbm>>
    %dma_wait3A_317 = tpu.memref_slice %arg2[%multiple_of3A_290] : memref<25165824xf32, #tpu.memory_space<hbm>> -> memref<49152xf32, #tpu.memory_space<hbm>>
    tpu.wait_dma2 semaphore(%arg9 : memref<!tpu.dma_semaphore, #tpu.memory_space<semaphore_mem>>) src(%dma_wait3A_317 : memref<49152xf32, #tpu.memory_space<hbm>>) dst(%arg6 : memref<49152xf32, #tpu.memory_space<vmem>>)
    %dma_start3A_318 = arith.constant 0 : i32
    %dma_start3A_319 = tpu.memref_slice %arg6[%dma_start3A_318] : memref<49152xf32, #tpu.memory_space<vmem>> -> memref<32768xf32, #tpu.memory_space<vmem>>
    %dma_start3A_320 = tpu.memref_slice %arg4[%multiple_of3A_295] : memref<29360128xf32, #tpu.memory_space<hbm>> -> memref<32768xf32, #tpu.memory_space<hbm>>
    %dma_start3A_321 = tpu.memref_slice %arg4[%multiple_of3A_295] : memref<29360128xf32, #tpu.memory_space<hbm>> -> memref<32768xf32, #tpu.memory_space<hbm>>
    %dma_start3A_322 = arith.constant 0 : i32
    %dma_start3A_323 = tpu.memref_slice %arg6[%dma_start3A_322] : memref<49152xf32, #tpu.memory_space<vmem>> -> memref<32768xf32, #tpu.memory_space<vmem>>
    tpu.enqueue_dma source(%dma_start3A_323 : memref<32768xf32, #tpu.memory_space<vmem>>) target(%dma_start3A_321 : memref<32768xf32, #tpu.memory_space<hbm>>) target_semaphore(%arg11 : memref<!tpu.dma_semaphore, #tpu.memory_space<semaphore_mem>>)
    %add3A_324 = arith.constant 32768 : i32
    %add3A_325 = arith.addi %multiple_of3A_295, %add3A_324 : i32
    %dma_start3A_326 = arith.constant 8192 : i32
    %dma_start3A_327 = tpu.memref_slice %arg7[%dma_start3A_326] : memref<16384xf32, #tpu.memory_space<vmem>> -> memref<8192xf32, #tpu.memory_space<vmem>>
    %dma_start3A_328 = tpu.memref_slice %arg4[%add3A_325] : memref<29360128xf32, #tpu.memory_space<hbm>> -> memref<8192xf32, #tpu.memory_space<hbm>>
    %dma_start3A_329 = tpu.memref_slice %arg4[%add3A_325] : memref<29360128xf32, #tpu.memory_space<hbm>> -> memref<8192xf32, #tpu.memory_space<hbm>>
    %dma_start3A_330 = arith.constant 8192 : i32
    %dma_start3A_331 = tpu.memref_slice %arg7[%dma_start3A_330] : memref<16384xf32, #tpu.memory_space<vmem>> -> memref<8192xf32, #tpu.memory_space<vmem>>
    tpu.enqueue_dma source(%dma_start3A_331 : memref<8192xf32, #tpu.memory_space<vmem>>) target(%dma_start3A_329 : memref<8192xf32, #tpu.memory_space<hbm>>) target_semaphore(%arg11 : memref<!tpu.dma_semaphore, #tpu.memory_space<semaphore_mem>>)
    %add3A_332 = arith.constant 40960 : i32
    %add3A_333 = arith.addi %multiple_of3A_295, %add3A_332 : i32
    %dma_start3A_334 = arith.constant 32768 : i32
    %dma_start3A_335 = tpu.memref_slice %arg6[%dma_start3A_334] : memref<49152xf32, #tpu.memory_space<vmem>> -> memref<16384xf32, #tpu.memory_space<vmem>>
    %dma_start3A_336 = tpu.memref_slice %arg4[%add3A_333] : memref<29360128xf32, #tpu.memory_space<hbm>> -> memref<16384xf32, #tpu.memory_space<hbm>>
    %dma_start3A_337 = tpu.memref_slice %arg4[%add3A_333] : memref<29360128xf32, #tpu.memory_space<hbm>> -> memref<16384xf32, #tpu.memory_space<hbm>>
    %dma_start3A_338 = arith.constant 32768 : i32
    %dma_start3A_339 = tpu.memref_slice %arg6[%dma_start3A_338] : memref<49152xf32, #tpu.memory_space<vmem>> -> memref<16384xf32, #tpu.memory_space<vmem>>
    tpu.enqueue_dma source(%dma_start3A_339 : memref<16384xf32, #tpu.memory_space<vmem>>) target(%dma_start3A_337 : memref<16384xf32, #tpu.memory_space<hbm>>) target_semaphore(%arg11 : memref<!tpu.dma_semaphore, #tpu.memory_space<semaphore_mem>>)
    %add3A_340 = arith.constant 12 : i32
    %add3A_341 = arith.addi %add3A_33, %add3A_340 : i32
    %mul3A_342 = arith.constant 98304 : i32
    %mul3A_343 = arith.muli %add3A_341, %mul3A_342 : i32
    %add3A_344 = arith.constant 0 : i32
    %add3A_345 = arith.addi %mul3A_343, %add3A_344 : i32
    %multiple_of3A_346 = tpu.assume_multiple %add3A_345, 8192 : i32
    %mul3A_347 = arith.constant 114688 : i32
    %mul3A_348 = arith.muli %add3A_341, %mul3A_347 : i32
    %add3A_349 = arith.constant 0 : i32
    %add3A_350 = arith.addi %mul3A_348, %add3A_349 : i32
    %multiple_of3A_351 = tpu.assume_multiple %add3A_350, 8192 : i32
    %dma_wait3A_352 = arith.constant 0 : i32
    %dma_wait3A_353 = tpu.memref_slice %arg5[%dma_wait3A_352] : memref<49152xf32, #tpu.memory_space<vmem>> -> memref<16384xf32, #tpu.memory_space<vmem>>
    %dma_wait3A_354 = tpu.memref_slice %arg4[%multiple_of3A_239] : memref<29360128xf32, #tpu.memory_space<hbm>> -> memref<16384xf32, #tpu.memory_space<hbm>>
    %dma_wait3A_355 = tpu.memref_slice %arg4[%multiple_of3A_239] : memref<29360128xf32, #tpu.memory_space<hbm>> -> memref<16384xf32, #tpu.memory_space<hbm>>
    %dma_wait3A_356 = arith.constant 0 : i32
    %dma_wait3A_357 = tpu.memref_slice %arg5[%dma_wait3A_356] : memref<49152xf32, #tpu.memory_space<vmem>> -> memref<16384xf32, #tpu.memory_space<vmem>>
    tpu.wait_dma2 semaphore(%arg10 : memref<!tpu.dma_semaphore, #tpu.memory_space<semaphore_mem>>) src(%dma_wait3A_357 : memref<16384xf32, #tpu.memory_space<vmem>>) dst(%dma_wait3A_355 : memref<16384xf32, #tpu.memory_space<hbm>>)
    %dma_wait3A_358 = arith.constant 0 : i32
    %dma_wait3A_359 = tpu.memref_slice %arg7[%dma_wait3A_358] : memref<16384xf32, #tpu.memory_space<vmem>> -> memref<8192xf32, #tpu.memory_space<vmem>>
    %dma_wait3A_360 = tpu.memref_slice %arg4[%add3A_269] : memref<29360128xf32, #tpu.memory_space<hbm>> -> memref<8192xf32, #tpu.memory_space<hbm>>
    %dma_wait3A_361 = tpu.memref_slice %arg4[%add3A_269] : memref<29360128xf32, #tpu.memory_space<hbm>> -> memref<8192xf32, #tpu.memory_space<hbm>>
    %dma_wait3A_362 = arith.constant 0 : i32
    %dma_wait3A_363 = tpu.memref_slice %arg7[%dma_wait3A_362] : memref<16384xf32, #tpu.memory_space<vmem>> -> memref<8192xf32, #tpu.memory_space<vmem>>
    tpu.wait_dma2 semaphore(%arg10 : memref<!tpu.dma_semaphore, #tpu.memory_space<semaphore_mem>>) src(%dma_wait3A_363 : memref<8192xf32, #tpu.memory_space<vmem>>) dst(%dma_wait3A_361 : memref<8192xf32, #tpu.memory_space<hbm>>)
    %dma_wait3A_364 = arith.constant 16384 : i32
    %dma_wait3A_365 = tpu.memref_slice %arg5[%dma_wait3A_364] : memref<49152xf32, #tpu.memory_space<vmem>> -> memref<32768xf32, #tpu.memory_space<vmem>>
    %dma_wait3A_366 = tpu.memref_slice %arg4[%add3A_277] : memref<29360128xf32, #tpu.memory_space<hbm>> -> memref<32768xf32, #tpu.memory_space<hbm>>
    %dma_wait3A_367 = tpu.memref_slice %arg4[%add3A_277] : memref<29360128xf32, #tpu.memory_space<hbm>> -> memref<32768xf32, #tpu.memory_space<hbm>>
    %dma_wait3A_368 = arith.constant 16384 : i32
    %dma_wait3A_369 = tpu.memref_slice %arg5[%dma_wait3A_368] : memref<49152xf32, #tpu.memory_space<vmem>> -> memref<32768xf32, #tpu.memory_space<vmem>>
    tpu.wait_dma2 semaphore(%arg10 : memref<!tpu.dma_semaphore, #tpu.memory_space<semaphore_mem>>) src(%dma_wait3A_369 : memref<32768xf32, #tpu.memory_space<vmem>>) dst(%dma_wait3A_367 : memref<32768xf32, #tpu.memory_space<hbm>>)
    %dma_start3A_370 = tpu.memref_slice %arg2[%multiple_of3A_346] : memref<25165824xf32, #tpu.memory_space<hbm>> -> memref<49152xf32, #tpu.memory_space<hbm>>
    %dma_start3A_371 = tpu.memref_slice %arg2[%multiple_of3A_346] : memref<25165824xf32, #tpu.memory_space<hbm>> -> memref<49152xf32, #tpu.memory_space<hbm>>
    tpu.enqueue_dma source(%dma_start3A_371 : memref<49152xf32, #tpu.memory_space<hbm>>) target(%arg5 : memref<49152xf32, #tpu.memory_space<vmem>>) target_semaphore(%arg8 : memref<!tpu.dma_semaphore, #tpu.memory_space<semaphore_mem>>)
    %dma_wait3A_372 = tpu.memref_slice %arg2[%multiple_of3A_346] : memref<25165824xf32, #tpu.memory_space<hbm>> -> memref<49152xf32, #tpu.memory_space<hbm>>
    %dma_wait3A_373 = tpu.memref_slice %arg2[%multiple_of3A_346] : memref<25165824xf32, #tpu.memory_space<hbm>> -> memref<49152xf32, #tpu.memory_space<hbm>>
    tpu.wait_dma2 semaphore(%arg8 : memref<!tpu.dma_semaphore, #tpu.memory_space<semaphore_mem>>) src(%dma_wait3A_373 : memref<49152xf32, #tpu.memory_space<hbm>>) dst(%arg5 : memref<49152xf32, #tpu.memory_space<vmem>>)
    %dma_start3A_374 = arith.constant 0 : i32
    %dma_start3A_375 = tpu.memref_slice %arg5[%dma_start3A_374] : memref<49152xf32, #tpu.memory_space<vmem>> -> memref<16384xf32, #tpu.memory_space<vmem>>
    %dma_start3A_376 = tpu.memref_slice %arg4[%multiple_of3A_351] : memref<29360128xf32, #tpu.memory_space<hbm>> -> memref<16384xf32, #tpu.memory_space<hbm>>
    %dma_start3A_377 = tpu.memref_slice %arg4[%multiple_of3A_351] : memref<29360128xf32, #tpu.memory_space<hbm>> -> memref<16384xf32, #tpu.memory_space<hbm>>
    %dma_start3A_378 = arith.constant 0 : i32
    %dma_start3A_379 = tpu.memref_slice %arg5[%dma_start3A_378] : memref<49152xf32, #tpu.memory_space<vmem>> -> memref<16384xf32, #tpu.memory_space<vmem>>
    tpu.enqueue_dma source(%dma_start3A_379 : memref<16384xf32, #tpu.memory_space<vmem>>) target(%dma_start3A_377 : memref<16384xf32, #tpu.memory_space<hbm>>) target_semaphore(%arg10 : memref<!tpu.dma_semaphore, #tpu.memory_space<semaphore_mem>>)
    %add3A_380 = arith.constant 16384 : i32
    %add3A_381 = arith.addi %multiple_of3A_351, %add3A_380 : i32
    %dma_start3A_382 = arith.constant 0 : i32
    %dma_start3A_383 = tpu.memref_slice %arg7[%dma_start3A_382] : memref<16384xf32, #tpu.memory_space<vmem>> -> memref<8192xf32, #tpu.memory_space<vmem>>
    %dma_start3A_384 = tpu.memref_slice %arg4[%add3A_381] : memref<29360128xf32, #tpu.memory_space<hbm>> -> memref<8192xf32, #tpu.memory_space<hbm>>
    %dma_start3A_385 = tpu.memref_slice %arg4[%add3A_381] : memref<29360128xf32, #tpu.memory_space<hbm>> -> memref<8192xf32, #tpu.memory_space<hbm>>
    %dma_start3A_386 = arith.constant 0 : i32
    %dma_start3A_387 = tpu.memref_slice %arg7[%dma_start3A_386] : memref<16384xf32, #tpu.memory_space<vmem>> -> memref<8192xf32, #tpu.memory_space<vmem>>
    tpu.enqueue_dma source(%dma_start3A_387 : memref<8192xf32, #tpu.memory_space<vmem>>) target(%dma_start3A_385 : memref<8192xf32, #tpu.memory_space<hbm>>) target_semaphore(%arg10 : memref<!tpu.dma_semaphore, #tpu.memory_space<semaphore_mem>>)
    %add3A_388 = arith.constant 24576 : i32
    %add3A_389 = arith.addi %multiple_of3A_351, %add3A_388 : i32
    %dma_start3A_390 = arith.constant 16384 : i32
    %dma_start3A_391 = tpu.memref_slice %arg5[%dma_start3A_390] : memref<49152xf32, #tpu.memory_space<vmem>> -> memref<32768xf32, #tpu.memory_space<vmem>>
    %dma_start3A_392 = tpu.memref_slice %arg4[%add3A_389] : memref<29360128xf32, #tpu.memory_space<hbm>> -> memref<32768xf32, #tpu.memory_space<hbm>>
    %dma_start3A_393 = tpu.memref_slice %arg4[%add3A_389] : memref<29360128xf32, #tpu.memory_space<hbm>> -> memref<32768xf32, #tpu.memory_space<hbm>>
    %dma_start3A_394 = arith.constant 16384 : i32
    %dma_start3A_395 = tpu.memref_slice %arg5[%dma_start3A_394] : memref<49152xf32, #tpu.memory_space<vmem>> -> memref<32768xf32, #tpu.memory_space<vmem>>
    tpu.enqueue_dma source(%dma_start3A_395 : memref<32768xf32, #tpu.memory_space<vmem>>) target(%dma_start3A_393 : memref<32768xf32, #tpu.memory_space<hbm>>) target_semaphore(%arg10 : memref<!tpu.dma_semaphore, #tpu.memory_space<semaphore_mem>>)
    %add3A_396 = arith.constant 12 : i32
    %add3A_397 = arith.addi %add3A_33, %add3A_396 : i32
    %mul3A_398 = arith.constant 98304 : i32
    %mul3A_399 = arith.muli %add3A_397, %mul3A_398 : i32
    %add3A_400 = arith.constant 49152 : i32
    %add3A_401 = arith.addi %mul3A_399, %add3A_400 : i32
    %multiple_of3A_402 = tpu.assume_multiple %add3A_401, 8192 : i32
    %mul3A_403 = arith.constant 114688 : i32
    %mul3A_404 = arith.muli %add3A_397, %mul3A_403 : i32
    %add3A_405 = arith.constant 57344 : i32
    %add3A_406 = arith.addi %mul3A_404, %add3A_405 : i32
    %multiple_of3A_407 = tpu.assume_multiple %add3A_406, 8192 : i32
    %dma_wait3A_408 = arith.constant 0 : i32
    %dma_wait3A_409 = tpu.memref_slice %arg6[%dma_wait3A_408] : memref<49152xf32, #tpu.memory_space<vmem>> -> memref<32768xf32, #tpu.memory_space<vmem>>
    %dma_wait3A_410 = tpu.memref_slice %arg4[%multiple_of3A_295] : memref<29360128xf32, #tpu.memory_space<hbm>> -> memref<32768xf32, #tpu.memory_space<hbm>>
    %dma_wait3A_411 = tpu.memref_slice %arg4[%multiple_of3A_295] : memref<29360128xf32, #tpu.memory_space<hbm>> -> memref<32768xf32, #tpu.memory_space<hbm>>
    %dma_wait3A_412 = arith.constant 0 : i32
    %dma_wait3A_413 = tpu.memref_slice %arg6[%dma_wait3A_412] : memref<49152xf32, #tpu.memory_space<vmem>> -> memref<32768xf32, #tpu.memory_space<vmem>>
    tpu.wait_dma2 semaphore(%arg11 : memref<!tpu.dma_semaphore, #tpu.memory_space<semaphore_mem>>) src(%dma_wait3A_413 : memref<32768xf32, #tpu.memory_space<vmem>>) dst(%dma_wait3A_411 : memref<32768xf32, #tpu.memory_space<hbm>>)
    %dma_wait3A_414 = arith.constant 8192 : i32
    %dma_wait3A_415 = tpu.memref_slice %arg7[%dma_wait3A_414] : memref<16384xf32, #tpu.memory_space<vmem>> -> memref<8192xf32, #tpu.memory_space<vmem>>
    %dma_wait3A_416 = tpu.memref_slice %arg4[%add3A_325] : memref<29360128xf32, #tpu.memory_space<hbm>> -> memref<8192xf32, #tpu.memory_space<hbm>>
    %dma_wait3A_417 = tpu.memref_slice %arg4[%add3A_325] : memref<29360128xf32, #tpu.memory_space<hbm>> -> memref<8192xf32, #tpu.memory_space<hbm>>
    %dma_wait3A_418 = arith.constant 8192 : i32
    %dma_wait3A_419 = tpu.memref_slice %arg7[%dma_wait3A_418] : memref<16384xf32, #tpu.memory_space<vmem>> -> memref<8192xf32, #tpu.memory_space<vmem>>
    tpu.wait_dma2 semaphore(%arg11 : memref<!tpu.dma_semaphore, #tpu.memory_space<semaphore_mem>>) src(%dma_wait3A_419 : memref<8192xf32, #tpu.memory_space<vmem>>) dst(%dma_wait3A_417 : memref<8192xf32, #tpu.memory_space<hbm>>)
    %dma_wait3A_420 = arith.constant 32768 : i32
    %dma_wait3A_421 = tpu.memref_slice %arg6[%dma_wait3A_420] : memref<49152xf32, #tpu.memory_space<vmem>> -> memref<16384xf32, #tpu.memory_space<vmem>>
    %dma_wait3A_422 = tpu.memref_slice %arg4[%add3A_333] : memref<29360128xf32, #tpu.memory_space<hbm>> -> memref<16384xf32, #tpu.memory_space<hbm>>
    %dma_wait3A_423 = tpu.memref_slice %arg4[%add3A_333] : memref<29360128xf32, #tpu.memory_space<hbm>> -> memref<16384xf32, #tpu.memory_space<hbm>>
    %dma_wait3A_424 = arith.constant 32768 : i32
    %dma_wait3A_425 = tpu.memref_slice %arg6[%dma_wait3A_424] : memref<49152xf32, #tpu.memory_space<vmem>> -> memref<16384xf32, #tpu.memory_space<vmem>>
    tpu.wait_dma2 semaphore(%arg11 : memref<!tpu.dma_semaphore, #tpu.memory_space<semaphore_mem>>) src(%dma_wait3A_425 : memref<16384xf32, #tpu.memory_space<vmem>>) dst(%dma_wait3A_423 : memref<16384xf32, #tpu.memory_space<hbm>>)
    %dma_start3A_426 = tpu.memref_slice %arg2[%multiple_of3A_402] : memref<25165824xf32, #tpu.memory_space<hbm>> -> memref<49152xf32, #tpu.memory_space<hbm>>
    %dma_start3A_427 = tpu.memref_slice %arg2[%multiple_of3A_402] : memref<25165824xf32, #tpu.memory_space<hbm>> -> memref<49152xf32, #tpu.memory_space<hbm>>
    tpu.enqueue_dma source(%dma_start3A_427 : memref<49152xf32, #tpu.memory_space<hbm>>) target(%arg6 : memref<49152xf32, #tpu.memory_space<vmem>>) target_semaphore(%arg9 : memref<!tpu.dma_semaphore, #tpu.memory_space<semaphore_mem>>)
    %dma_wait3A_428 = tpu.memref_slice %arg2[%multiple_of3A_402] : memref<25165824xf32, #tpu.memory_space<hbm>> -> memref<49152xf32, #tpu.memory_space<hbm>>
    %dma_wait3A_429 = tpu.memref_slice %arg2[%multiple_of3A_402] : memref<25165824xf32, #tpu.memory_space<hbm>> -> memref<49152xf32, #tpu.memory_space<hbm>>
    tpu.wait_dma2 semaphore(%arg9 : memref<!tpu.dma_semaphore, #tpu.memory_space<semaphore_mem>>) src(%dma_wait3A_429 : memref<49152xf32, #tpu.memory_space<hbm>>) dst(%arg6 : memref<49152xf32, #tpu.memory_space<vmem>>)
    %dma_start3A_430 = arith.constant 0 : i32
    %dma_start3A_431 = tpu.memref_slice %arg6[%dma_start3A_430] : memref<49152xf32, #tpu.memory_space<vmem>> -> memref<32768xf32, #tpu.memory_space<vmem>>
    %dma_start3A_432 = tpu.memref_slice %arg4[%multiple_of3A_407] : memref<29360128xf32, #tpu.memory_space<hbm>> -> memref<32768xf32, #tpu.memory_space<hbm>>
    %dma_start3A_433 = tpu.memref_slice %arg4[%multiple_of3A_407] : memref<29360128xf32, #tpu.memory_space<hbm>> -> memref<32768xf32, #tpu.memory_space<hbm>>
    %dma_start3A_434 = arith.constant 0 : i32
    %dma_start3A_435 = tpu.memref_slice %arg6[%dma_start3A_434] : memref<49152xf32, #tpu.memory_space<vmem>> -> memref<32768xf32, #tpu.memory_space<vmem>>
    tpu.enqueue_dma source(%dma_start3A_435 : memref<32768xf32, #tpu.memory_space<vmem>>) target(%dma_start3A_433 : memref<32768xf32, #tpu.memory_space<hbm>>) target_semaphore(%arg11 : memref<!tpu.dma_semaphore, #tpu.memory_space<semaphore_mem>>)
    %add3A_436 = arith.constant 32768 : i32
    %add3A_437 = arith.addi %multiple_of3A_407, %add3A_436 : i32
    %dma_start3A_438 = arith.constant 8192 : i32
    %dma_start3A_439 = tpu.memref_slice %arg7[%dma_start3A_438] : memref<16384xf32, #tpu.memory_space<vmem>> -> memref<8192xf32, #tpu.memory_space<vmem>>
    %dma_start3A_440 = tpu.memref_slice %arg4[%add3A_437] : memref<29360128xf32, #tpu.memory_space<hbm>> -> memref<8192xf32, #tpu.memory_space<hbm>>
    %dma_start3A_441 = tpu.memref_slice %arg4[%add3A_437] : memref<29360128xf32, #tpu.memory_space<hbm>> -> memref<8192xf32, #tpu.memory_space<hbm>>
    %dma_start3A_442 = arith.constant 8192 : i32
    %dma_start3A_443 = tpu.memref_slice %arg7[%dma_start3A_442] : memref<16384xf32, #tpu.memory_space<vmem>> -> memref<8192xf32, #tpu.memory_space<vmem>>
    tpu.enqueue_dma source(%dma_start3A_443 : memref<8192xf32, #tpu.memory_space<vmem>>) target(%dma_start3A_441 : memref<8192xf32, #tpu.memory_space<hbm>>) target_semaphore(%arg11 : memref<!tpu.dma_semaphore, #tpu.memory_space<semaphore_mem>>)
    %add3A_444 = arith.constant 40960 : i32
    %add3A_445 = arith.addi %multiple_of3A_407, %add3A_444 : i32
    %dma_start3A_446 = arith.constant 32768 : i32
    %dma_start3A_447 = tpu.memref_slice %arg6[%dma_start3A_446] : memref<49152xf32, #tpu.memory_space<vmem>> -> memref<16384xf32, #tpu.memory_space<vmem>>
    %dma_start3A_448 = tpu.memref_slice %arg4[%add3A_445] : memref<29360128xf32, #tpu.memory_space<hbm>> -> memref<16384xf32, #tpu.memory_space<hbm>>
    %dma_start3A_449 = tpu.memref_slice %arg4[%add3A_445] : memref<29360128xf32, #tpu.memory_space<hbm>> -> memref<16384xf32, #tpu.memory_space<hbm>>
    %dma_start3A_450 = arith.constant 32768 : i32
    %dma_start3A_451 = tpu.memref_slice %arg6[%dma_start3A_450] : memref<49152xf32, #tpu.memory_space<vmem>> -> memref<16384xf32, #tpu.memory_space<vmem>>
    tpu.enqueue_dma source(%dma_start3A_451 : memref<16384xf32, #tpu.memory_space<vmem>>) target(%dma_start3A_449 : memref<16384xf32, #tpu.memory_space<hbm>>) target_semaphore(%arg11 : memref<!tpu.dma_semaphore, #tpu.memory_space<semaphore_mem>>)
    %add3A_452 = arith.constant 16 : i32
    %add3A_453 = arith.addi %add3A_33, %add3A_452 : i32
    %mul3A_454 = arith.constant 98304 : i32
    %mul3A_455 = arith.muli %add3A_453, %mul3A_454 : i32
    %add3A_456 = arith.constant 0 : i32
    %add3A_457 = arith.addi %mul3A_455, %add3A_456 : i32
    %multiple_of3A_458 = tpu.assume_multiple %add3A_457, 8192 : i32
    %mul3A_459 = arith.constant 114688 : i32
    %mul3A_460 = arith.muli %add3A_453, %mul3A_459 : i32
    %add3A_461 = arith.constant 0 : i32
    %add3A_462 = arith.addi %mul3A_460, %add3A_461 : i32
    %multiple_of3A_463 = tpu.assume_multiple %add3A_462, 8192 : i32
    %dma_wait3A_464 = arith.constant 0 : i32
    %dma_wait3A_465 = tpu.memref_slice %arg5[%dma_wait3A_464] : memref<49152xf32, #tpu.memory_space<vmem>> -> memref<16384xf32, #tpu.memory_space<vmem>>
    %dma_wait3A_466 = tpu.memref_slice %arg4[%multiple_of3A_351] : memref<29360128xf32, #tpu.memory_space<hbm>> -> memref<16384xf32, #tpu.memory_space<hbm>>
    %dma_wait3A_467 = tpu.memref_slice %arg4[%multiple_of3A_351] : memref<29360128xf32, #tpu.memory_space<hbm>> -> memref<16384xf32, #tpu.memory_space<hbm>>
    %dma_wait3A_468 = arith.constant 0 : i32
    %dma_wait3A_469 = tpu.memref_slice %arg5[%dma_wait3A_468] : memref<49152xf32, #tpu.memory_space<vmem>> -> memref<16384xf32, #tpu.memory_space<vmem>>
    tpu.wait_dma2 semaphore(%arg10 : memref<!tpu.dma_semaphore, #tpu.memory_space<semaphore_mem>>) src(%dma_wait3A_469 : memref<16384xf32, #tpu.memory_space<vmem>>) dst(%dma_wait3A_467 : memref<16384xf32, #tpu.memory_space<hbm>>)
    %dma_wait3A_470 = arith.constant 0 : i32
    %dma_wait3A_471 = tpu.memref_slice %arg7[%dma_wait3A_470] : memref<16384xf32, #tpu.memory_space<vmem>> -> memref<8192xf32, #tpu.memory_space<vmem>>
    %dma_wait3A_472 = tpu.memref_slice %arg4[%add3A_381] : memref<29360128xf32, #tpu.memory_space<hbm>> -> memref<8192xf32, #tpu.memory_space<hbm>>
    %dma_wait3A_473 = tpu.memref_slice %arg4[%add3A_381] : memref<29360128xf32, #tpu.memory_space<hbm>> -> memref<8192xf32, #tpu.memory_space<hbm>>
    %dma_wait3A_474 = arith.constant 0 : i32
    %dma_wait3A_475 = tpu.memref_slice %arg7[%dma_wait3A_474] : memref<16384xf32, #tpu.memory_space<vmem>> -> memref<8192xf32, #tpu.memory_space<vmem>>
    tpu.wait_dma2 semaphore(%arg10 : memref<!tpu.dma_semaphore, #tpu.memory_space<semaphore_mem>>) src(%dma_wait3A_475 : memref<8192xf32, #tpu.memory_space<vmem>>) dst(%dma_wait3A_473 : memref<8192xf32, #tpu.memory_space<hbm>>)
    %dma_wait3A_476 = arith.constant 16384 : i32
    %dma_wait3A_477 = tpu.memref_slice %arg5[%dma_wait3A_476] : memref<49152xf32, #tpu.memory_space<vmem>> -> memref<32768xf32, #tpu.memory_space<vmem>>
    %dma_wait3A_478 = tpu.memref_slice %arg4[%add3A_389] : memref<29360128xf32, #tpu.memory_space<hbm>> -> memref<32768xf32, #tpu.memory_space<hbm>>
    %dma_wait3A_479 = tpu.memref_slice %arg4[%add3A_389] : memref<29360128xf32, #tpu.memory_space<hbm>> -> memref<32768xf32, #tpu.memory_space<hbm>>
    %dma_wait3A_480 = arith.constant 16384 : i32
    %dma_wait3A_481 = tpu.memref_slice %arg5[%dma_wait3A_480] : memref<49152xf32, #tpu.memory_space<vmem>> -> memref<32768xf32, #tpu.memory_space<vmem>>
    tpu.wait_dma2 semaphore(%arg10 : memref<!tpu.dma_semaphore, #tpu.memory_space<semaphore_mem>>) src(%dma_wait3A_481 : memref<32768xf32, #tpu.memory_space<vmem>>) dst(%dma_wait3A_479 : memref<32768xf32, #tpu.memory_space<hbm>>)
    %dma_start3A_482 = tpu.memref_slice %arg2[%multiple_of3A_458] : memref<25165824xf32, #tpu.memory_space<hbm>> -> memref<49152xf32, #tpu.memory_space<hbm>>
    %dma_start3A_483 = tpu.memref_slice %arg2[%multiple_of3A_458] : memref<25165824xf32, #tpu.memory_space<hbm>> -> memref<49152xf32, #tpu.memory_space<hbm>>
    tpu.enqueue_dma source(%dma_start3A_483 : memref<49152xf32, #tpu.memory_space<hbm>>) target(%arg5 : memref<49152xf32, #tpu.memory_space<vmem>>) target_semaphore(%arg8 : memref<!tpu.dma_semaphore, #tpu.memory_space<semaphore_mem>>)
    %dma_wait3A_484 = tpu.memref_slice %arg2[%multiple_of3A_458] : memref<25165824xf32, #tpu.memory_space<hbm>> -> memref<49152xf32, #tpu.memory_space<hbm>>
    %dma_wait3A_485 = tpu.memref_slice %arg2[%multiple_of3A_458] : memref<25165824xf32, #tpu.memory_space<hbm>> -> memref<49152xf32, #tpu.memory_space<hbm>>
    tpu.wait_dma2 semaphore(%arg8 : memref<!tpu.dma_semaphore, #tpu.memory_space<semaphore_mem>>) src(%dma_wait3A_485 : memref<49152xf32, #tpu.memory_space<hbm>>) dst(%arg5 : memref<49152xf32, #tpu.memory_space<vmem>>)
    %dma_start3A_486 = arith.constant 0 : i32
    %dma_start3A_487 = tpu.memref_slice %arg5[%dma_start3A_486] : memref<49152xf32, #tpu.memory_space<vmem>> -> memref<16384xf32, #tpu.memory_space<vmem>>
    %dma_start3A_488 = tpu.memref_slice %arg4[%multiple_of3A_463] : memref<29360128xf32, #tpu.memory_space<hbm>> -> memref<16384xf32, #tpu.memory_space<hbm>>
    %dma_start3A_489 = tpu.memref_slice %arg4[%multiple_of3A_463] : memref<29360128xf32, #tpu.memory_space<hbm>> -> memref<16384xf32, #tpu.memory_space<hbm>>
    %dma_start3A_490 = arith.constant 0 : i32
    %dma_start3A_491 = tpu.memref_slice %arg5[%dma_start3A_490] : memref<49152xf32, #tpu.memory_space<vmem>> -> memref<16384xf32, #tpu.memory_space<vmem>>
    tpu.enqueue_dma source(%dma_start3A_491 : memref<16384xf32, #tpu.memory_space<vmem>>) target(%dma_start3A_489 : memref<16384xf32, #tpu.memory_space<hbm>>) target_semaphore(%arg10 : memref<!tpu.dma_semaphore, #tpu.memory_space<semaphore_mem>>)
    %add3A_492 = arith.constant 16384 : i32
    %add3A_493 = arith.addi %multiple_of3A_463, %add3A_492 : i32
    %dma_start3A_494 = arith.constant 0 : i32
    %dma_start3A_495 = tpu.memref_slice %arg7[%dma_start3A_494] : memref<16384xf32, #tpu.memory_space<vmem>> -> memref<8192xf32, #tpu.memory_space<vmem>>
    %dma_start3A_496 = tpu.memref_slice %arg4[%add3A_493] : memref<29360128xf32, #tpu.memory_space<hbm>> -> memref<8192xf32, #tpu.memory_space<hbm>>
    %dma_start3A_497 = tpu.memref_slice %arg4[%add3A_493] : memref<29360128xf32, #tpu.memory_space<hbm>> -> memref<8192xf32, #tpu.memory_space<hbm>>
    %dma_start3A_498 = arith.constant 0 : i32
    %dma_start3A_499 = tpu.memref_slice %arg7[%dma_start3A_498] : memref<16384xf32, #tpu.memory_space<vmem>> -> memref<8192xf32, #tpu.memory_space<vmem>>
    tpu.enqueue_dma source(%dma_start3A_499 : memref<8192xf32, #tpu.memory_space<vmem>>) target(%dma_start3A_497 : memref<8192xf32, #tpu.memory_space<hbm>>) target_semaphore(%arg10 : memref<!tpu.dma_semaphore, #tpu.memory_space<semaphore_mem>>)
    %add3A_500 = arith.constant 24576 : i32
    %add3A_501 = arith.addi %multiple_of3A_463, %add3A_500 : i32
    %dma_start3A_502 = arith.constant 16384 : i32
    %dma_start3A_503 = tpu.memref_slice %arg5[%dma_start3A_502] : memref<49152xf32, #tpu.memory_space<vmem>> -> memref<32768xf32, #tpu.memory_space<vmem>>
    %dma_start3A_504 = tpu.memref_slice %arg4[%add3A_501] : memref<29360128xf32, #tpu.memory_space<hbm>> -> memref<32768xf32, #tpu.memory_space<hbm>>
    %dma_start3A_505 = tpu.memref_slice %arg4[%add3A_501] : memref<29360128xf32, #tpu.memory_space<hbm>> -> memref<32768xf32, #tpu.memory_space<hbm>>
    %dma_start3A_506 = arith.constant 16384 : i32
    %dma_start3A_507 = tpu.memref_slice %arg5[%dma_start3A_506] : memref<49152xf32, #tpu.memory_space<vmem>> -> memref<32768xf32, #tpu.memory_space<vmem>>
    tpu.enqueue_dma source(%dma_start3A_507 : memref<32768xf32, #tpu.memory_space<vmem>>) target(%dma_start3A_505 : memref<32768xf32, #tpu.memory_space<hbm>>) target_semaphore(%arg10 : memref<!tpu.dma_semaphore, #tpu.memory_space<semaphore_mem>>)
    %add3A_508 = arith.constant 16 : i32
    %add3A_509 = arith.addi %add3A_33, %add3A_508 : i32
    %mul3A_510 = arith.constant 98304 : i32
    %mul3A_511 = arith.muli %add3A_509, %mul3A_510 : i32
    %add3A_512 = arith.constant 49152 : i32
    %add3A_513 = arith.addi %mul3A_511, %add3A_512 : i32
    %multiple_of3A_514 = tpu.assume_multiple %add3A_513, 8192 : i32
    %mul3A_515 = arith.constant 114688 : i32
    %mul3A_516 = arith.muli %add3A_509, %mul3A_515 : i32
    %add3A_517 = arith.constant 57344 : i32
    %add3A_518 = arith.addi %mul3A_516, %add3A_517 : i32
    %multiple_of3A_519 = tpu.assume_multiple %add3A_518, 8192 : i32
    %dma_wait3A_520 = arith.constant 0 : i32
    %dma_wait3A_521 = tpu.memref_slice %arg6[%dma_wait3A_520] : memref<49152xf32, #tpu.memory_space<vmem>> -> memref<32768xf32, #tpu.memory_space<vmem>>
    %dma_wait3A_522 = tpu.memref_slice %arg4[%multiple_of3A_407] : memref<29360128xf32, #tpu.memory_space<hbm>> -> memref<32768xf32, #tpu.memory_space<hbm>>
    %dma_wait3A_523 = tpu.memref_slice %arg4[%multiple_of3A_407] : memref<29360128xf32, #tpu.memory_space<hbm>> -> memref<32768xf32, #tpu.memory_space<hbm>>
    %dma_wait3A_524 = arith.constant 0 : i32
    %dma_wait3A_525 = tpu.memref_slice %arg6[%dma_wait3A_524] : memref<49152xf32, #tpu.memory_space<vmem>> -> memref<32768xf32, #tpu.memory_space<vmem>>
    tpu.wait_dma2 semaphore(%arg11 : memref<!tpu.dma_semaphore, #tpu.memory_space<semaphore_mem>>) src(%dma_wait3A_525 : memref<32768xf32, #tpu.memory_space<vmem>>) dst(%dma_wait3A_523 : memref<32768xf32, #tpu.memory_space<hbm>>)
    %dma_wait3A_526 = arith.constant 8192 : i32
    %dma_wait3A_527 = tpu.memref_slice %arg7[%dma_wait3A_526] : memref<16384xf32, #tpu.memory_space<vmem>> -> memref<8192xf32, #tpu.memory_space<vmem>>
    %dma_wait3A_528 = tpu.memref_slice %arg4[%add3A_437] : memref<29360128xf32, #tpu.memory_space<hbm>> -> memref<8192xf32, #tpu.memory_space<hbm>>
    %dma_wait3A_529 = tpu.memref_slice %arg4[%add3A_437] : memref<29360128xf32, #tpu.memory_space<hbm>> -> memref<8192xf32, #tpu.memory_space<hbm>>
    %dma_wait3A_530 = arith.constant 8192 : i32
    %dma_wait3A_531 = tpu.memref_slice %arg7[%dma_wait3A_530] : memref<16384xf32, #tpu.memory_space<vmem>> -> memref<8192xf32, #tpu.memory_space<vmem>>
    tpu.wait_dma2 semaphore(%arg11 : memref<!tpu.dma_semaphore, #tpu.memory_space<semaphore_mem>>) src(%dma_wait3A_531 : memref<8192xf32, #tpu.memory_space<vmem>>) dst(%dma_wait3A_529 : memref<8192xf32, #tpu.memory_space<hbm>>)
    %dma_wait3A_532 = arith.constant 32768 : i32
    %dma_wait3A_533 = tpu.memref_slice %arg6[%dma_wait3A_532] : memref<49152xf32, #tpu.memory_space<vmem>> -> memref<16384xf32, #tpu.memory_space<vmem>>
    %dma_wait3A_534 = tpu.memref_slice %arg4[%add3A_445] : memref<29360128xf32, #tpu.memory_space<hbm>> -> memref<16384xf32, #tpu.memory_space<hbm>>
    %dma_wait3A_535 = tpu.memref_slice %arg4[%add3A_445] : memref<29360128xf32, #tpu.memory_space<hbm>> -> memref<16384xf32, #tpu.memory_space<hbm>>
    %dma_wait3A_536 = arith.constant 32768 : i32
    %dma_wait3A_537 = tpu.memref_slice %arg6[%dma_wait3A_536] : memref<49152xf32, #tpu.memory_space<vmem>> -> memref<16384xf32, #tpu.memory_space<vmem>>
    tpu.wait_dma2 semaphore(%arg11 : memref<!tpu.dma_semaphore, #tpu.memory_space<semaphore_mem>>) src(%dma_wait3A_537 : memref<16384xf32, #tpu.memory_space<vmem>>) dst(%dma_wait3A_535 : memref<16384xf32, #tpu.memory_space<hbm>>)
    %dma_start3A_538 = tpu.memref_slice %arg2[%multiple_of3A_514] : memref<25165824xf32, #tpu.memory_space<hbm>> -> memref<49152xf32, #tpu.memory_space<hbm>>
    %dma_start3A_539 = tpu.memref_slice %arg2[%multiple_of3A_514] : memref<25165824xf32, #tpu.memory_space<hbm>> -> memref<49152xf32, #tpu.memory_space<hbm>>
    tpu.enqueue_dma source(%dma_start3A_539 : memref<49152xf32, #tpu.memory_space<hbm>>) target(%arg6 : memref<49152xf32, #tpu.memory_space<vmem>>) target_semaphore(%arg9 : memref<!tpu.dma_semaphore, #tpu.memory_space<semaphore_mem>>)
    %dma_wait3A_540 = tpu.memref_slice %arg2[%multiple_of3A_514] : memref<25165824xf32, #tpu.memory_space<hbm>> -> memref<49152xf32, #tpu.memory_space<hbm>>
    %dma_wait3A_541 = tpu.memref_slice %arg2[%multiple_of3A_514] : memref<25165824xf32, #tpu.memory_space<hbm>> -> memref<49152xf32, #tpu.memory_space<hbm>>
    tpu.wait_dma2 semaphore(%arg9 : memref<!tpu.dma_semaphore, #tpu.memory_space<semaphore_mem>>) src(%dma_wait3A_541 : memref<49152xf32, #tpu.memory_space<hbm>>) dst(%arg6 : memref<49152xf32, #tpu.memory_space<vmem>>)
    %dma_start3A_542 = arith.constant 0 : i32
    %dma_start3A_543 = tpu.memref_slice %arg6[%dma_start3A_542] : memref<49152xf32, #tpu.memory_space<vmem>> -> memref<32768xf32, #tpu.memory_space<vmem>>
    %dma_start3A_544 = tpu.memref_slice %arg4[%multiple_of3A_519] : memref<29360128xf32, #tpu.memory_space<hbm>> -> memref<32768xf32, #tpu.memory_space<hbm>>
    %dma_start3A_545 = tpu.memref_slice %arg4[%multiple_of3A_519] : memref<29360128xf32, #tpu.memory_space<hbm>> -> memref<32768xf32, #tpu.memory_space<hbm>>
    %dma_start3A_546 = arith.constant 0 : i32
    %dma_start3A_547 = tpu.memref_slice %arg6[%dma_start3A_546] : memref<49152xf32, #tpu.memory_space<vmem>> -> memref<32768xf32, #tpu.memory_space<vmem>>
    tpu.enqueue_dma source(%dma_start3A_547 : memref<32768xf32, #tpu.memory_space<vmem>>) target(%dma_start3A_545 : memref<32768xf32, #tpu.memory_space<hbm>>) target_semaphore(%arg11 : memref<!tpu.dma_semaphore, #tpu.memory_space<semaphore_mem>>)
    %add3A_548 = arith.constant 32768 : i32
    %add3A_549 = arith.addi %multiple_of3A_519, %add3A_548 : i32
    %dma_start3A_550 = arith.constant 8192 : i32
    %dma_start3A_551 = tpu.memref_slice %arg7[%dma_start3A_550] : memref<16384xf32, #tpu.memory_space<vmem>> -> memref<8192xf32, #tpu.memory_space<vmem>>
    %dma_start3A_552 = tpu.memref_slice %arg4[%add3A_549] : memref<29360128xf32, #tpu.memory_space<hbm>> -> memref<8192xf32, #tpu.memory_space<hbm>>
    %dma_start3A_553 = tpu.memref_slice %arg4[%add3A_549] : memref<29360128xf32, #tpu.memory_space<hbm>> -> memref<8192xf32, #tpu.memory_space<hbm>>
    %dma_start3A_554 = arith.constant 8192 : i32
    %dma_start3A_555 = tpu.memref_slice %arg7[%dma_start3A_554] : memref<16384xf32, #tpu.memory_space<vmem>> -> memref<8192xf32, #tpu.memory_space<vmem>>
    tpu.enqueue_dma source(%dma_start3A_555 : memref<8192xf32, #tpu.memory_space<vmem>>) target(%dma_start3A_553 : memref<8192xf32, #tpu.memory_space<hbm>>) target_semaphore(%arg11 : memref<!tpu.dma_semaphore, #tpu.memory_space<semaphore_mem>>)
    %add3A_556 = arith.constant 40960 : i32
    %add3A_557 = arith.addi %multiple_of3A_519, %add3A_556 : i32
    %dma_start3A_558 = arith.constant 32768 : i32
    %dma_start3A_559 = tpu.memref_slice %arg6[%dma_start3A_558] : memref<49152xf32, #tpu.memory_space<vmem>> -> memref<16384xf32, #tpu.memory_space<vmem>>
    %dma_start3A_560 = tpu.memref_slice %arg4[%add3A_557] : memref<29360128xf32, #tpu.memory_space<hbm>> -> memref<16384xf32, #tpu.memory_space<hbm>>
    %dma_start3A_561 = tpu.memref_slice %arg4[%add3A_557] : memref<29360128xf32, #tpu.memory_space<hbm>> -> memref<16384xf32, #tpu.memory_space<hbm>>
    %dma_start3A_562 = arith.constant 32768 : i32
    %dma_start3A_563 = tpu.memref_slice %arg6[%dma_start3A_562] : memref<49152xf32, #tpu.memory_space<vmem>> -> memref<16384xf32, #tpu.memory_space<vmem>>
    tpu.enqueue_dma source(%dma_start3A_563 : memref<16384xf32, #tpu.memory_space<vmem>>) target(%dma_start3A_561 : memref<16384xf32, #tpu.memory_space<hbm>>) target_semaphore(%arg11 : memref<!tpu.dma_semaphore, #tpu.memory_space<semaphore_mem>>)
    %add3A_564 = arith.constant 20 : i32
    %add3A_565 = arith.addi %add3A_33, %add3A_564 : i32
    %mul3A_566 = arith.constant 98304 : i32
    %mul3A_567 = arith.muli %add3A_565, %mul3A_566 : i32
    %add3A_568 = arith.constant 0 : i32
    %add3A_569 = arith.addi %mul3A_567, %add3A_568 : i32
    %multiple_of3A_570 = tpu.assume_multiple %add3A_569, 8192 : i32
    %mul3A_571 = arith.constant 114688 : i32
    %mul3A_572 = arith.muli %add3A_565, %mul3A_571 : i32
    %add3A_573 = arith.constant 0 : i32
    %add3A_574 = arith.addi %mul3A_572, %add3A_573 : i32
    %multiple_of3A_575 = tpu.assume_multiple %add3A_574, 8192 : i32
    %dma_wait3A_576 = arith.constant 0 : i32
    %dma_wait3A_577 = tpu.memref_slice %arg5[%dma_wait3A_576] : memref<49152xf32, #tpu.memory_space<vmem>> -> memref<16384xf32, #tpu.memory_space<vmem>>
    %dma_wait3A_578 = tpu.memref_slice %arg4[%multiple_of3A_463] : memref<29360128xf32, #tpu.memory_space<hbm>> -> memref<16384xf32, #tpu.memory_space<hbm>>
    %dma_wait3A_579 = tpu.memref_slice %arg4[%multiple_of3A_463] : memref<29360128xf32, #tpu.memory_space<hbm>> -> memref<16384xf32, #tpu.memory_space<hbm>>
    %dma_wait3A_580 = arith.constant 0 : i32
    %dma_wait3A_581 = tpu.memref_slice %arg5[%dma_wait3A_580] : memref<49152xf32, #tpu.memory_space<vmem>> -> memref<16384xf32, #tpu.memory_space<vmem>>
    tpu.wait_dma2 semaphore(%arg10 : memref<!tpu.dma_semaphore, #tpu.memory_space<semaphore_mem>>) src(%dma_wait3A_581 : memref<16384xf32, #tpu.memory_space<vmem>>) dst(%dma_wait3A_579 : memref<16384xf32, #tpu.memory_space<hbm>>)
    %dma_wait3A_582 = arith.constant 0 : i32
    %dma_wait3A_583 = tpu.memref_slice %arg7[%dma_wait3A_582] : memref<16384xf32, #tpu.memory_space<vmem>> -> memref<8192xf32, #tpu.memory_space<vmem>>
    %dma_wait3A_584 = tpu.memref_slice %arg4[%add3A_493] : memref<29360128xf32, #tpu.memory_space<hbm>> -> memref<8192xf32, #tpu.memory_space<hbm>>
    %dma_wait3A_585 = tpu.memref_slice %arg4[%add3A_493] : memref<29360128xf32, #tpu.memory_space<hbm>> -> memref<8192xf32, #tpu.memory_space<hbm>>
    %dma_wait3A_586 = arith.constant 0 : i32
    %dma_wait3A_587 = tpu.memref_slice %arg7[%dma_wait3A_586] : memref<16384xf32, #tpu.memory_space<vmem>> -> memref<8192xf32, #tpu.memory_space<vmem>>
    tpu.wait_dma2 semaphore(%arg10 : memref<!tpu.dma_semaphore, #tpu.memory_space<semaphore_mem>>) src(%dma_wait3A_587 : memref<8192xf32, #tpu.memory_space<vmem>>) dst(%dma_wait3A_585 : memref<8192xf32, #tpu.memory_space<hbm>>)
    %dma_wait3A_588 = arith.constant 16384 : i32
    %dma_wait3A_589 = tpu.memref_slice %arg5[%dma_wait3A_588] : memref<49152xf32, #tpu.memory_space<vmem>> -> memref<32768xf32, #tpu.memory_space<vmem>>
    %dma_wait3A_590 = tpu.memref_slice %arg4[%add3A_501] : memref<29360128xf32, #tpu.memory_space<hbm>> -> memref<32768xf32, #tpu.memory_space<hbm>>
    %dma_wait3A_591 = tpu.memref_slice %arg4[%add3A_501] : memref<29360128xf32, #tpu.memory_space<hbm>> -> memref<32768xf32, #tpu.memory_space<hbm>>
    %dma_wait3A_592 = arith.constant 16384 : i32
    %dma_wait3A_593 = tpu.memref_slice %arg5[%dma_wait3A_592] : memref<49152xf32, #tpu.memory_space<vmem>> -> memref<32768xf32, #tpu.memory_space<vmem>>
    tpu.wait_dma2 semaphore(%arg10 : memref<!tpu.dma_semaphore, #tpu.memory_space<semaphore_mem>>) src(%dma_wait3A_593 : memref<32768xf32, #tpu.memory_space<vmem>>) dst(%dma_wait3A_591 : memref<32768xf32, #tpu.memory_space<hbm>>)
    %dma_start3A_594 = tpu.memref_slice %arg2[%multiple_of3A_570] : memref<25165824xf32, #tpu.memory_space<hbm>> -> memref<49152xf32, #tpu.memory_space<hbm>>
    %dma_start3A_595 = tpu.memref_slice %arg2[%multiple_of3A_570] : memref<25165824xf32, #tpu.memory_space<hbm>> -> memref<49152xf32, #tpu.memory_space<hbm>>
    tpu.enqueue_dma source(%dma_start3A_595 : memref<49152xf32, #tpu.memory_space<hbm>>) target(%arg5 : memref<49152xf32, #tpu.memory_space<vmem>>) target_semaphore(%arg8 : memref<!tpu.dma_semaphore, #tpu.memory_space<semaphore_mem>>)
    %dma_wait3A_596 = tpu.memref_slice %arg2[%multiple_of3A_570] : memref<25165824xf32, #tpu.memory_space<hbm>> -> memref<49152xf32, #tpu.memory_space<hbm>>
    %dma_wait3A_597 = tpu.memref_slice %arg2[%multiple_of3A_570] : memref<25165824xf32, #tpu.memory_space<hbm>> -> memref<49152xf32, #tpu.memory_space<hbm>>
    tpu.wait_dma2 semaphore(%arg8 : memref<!tpu.dma_semaphore, #tpu.memory_space<semaphore_mem>>) src(%dma_wait3A_597 : memref<49152xf32, #tpu.memory_space<hbm>>) dst(%arg5 : memref<49152xf32, #tpu.memory_space<vmem>>)
    %dma_start3A_598 = arith.constant 0 : i32
    %dma_start3A_599 = tpu.memref_slice %arg5[%dma_start3A_598] : memref<49152xf32, #tpu.memory_space<vmem>> -> memref<16384xf32, #tpu.memory_space<vmem>>
    %dma_start3A_600 = tpu.memref_slice %arg4[%multiple_of3A_575] : memref<29360128xf32, #tpu.memory_space<hbm>> -> memref<16384xf32, #tpu.memory_space<hbm>>
    %dma_start3A_601 = tpu.memref_slice %arg4[%multiple_of3A_575] : memref<29360128xf32, #tpu.memory_space<hbm>> -> memref<16384xf32, #tpu.memory_space<hbm>>
    %dma_start3A_602 = arith.constant 0 : i32
    %dma_start3A_603 = tpu.memref_slice %arg5[%dma_start3A_602] : memref<49152xf32, #tpu.memory_space<vmem>> -> memref<16384xf32, #tpu.memory_space<vmem>>
    tpu.enqueue_dma source(%dma_start3A_603 : memref<16384xf32, #tpu.memory_space<vmem>>) target(%dma_start3A_601 : memref<16384xf32, #tpu.memory_space<hbm>>) target_semaphore(%arg10 : memref<!tpu.dma_semaphore, #tpu.memory_space<semaphore_mem>>)
    %add3A_604 = arith.constant 16384 : i32
    %add3A_605 = arith.addi %multiple_of3A_575, %add3A_604 : i32
    %dma_start3A_606 = arith.constant 0 : i32
    %dma_start3A_607 = tpu.memref_slice %arg7[%dma_start3A_606] : memref<16384xf32, #tpu.memory_space<vmem>> -> memref<8192xf32, #tpu.memory_space<vmem>>
    %dma_start3A_608 = tpu.memref_slice %arg4[%add3A_605] : memref<29360128xf32, #tpu.memory_space<hbm>> -> memref<8192xf32, #tpu.memory_space<hbm>>
    %dma_start3A_609 = tpu.memref_slice %arg4[%add3A_605] : memref<29360128xf32, #tpu.memory_space<hbm>> -> memref<8192xf32, #tpu.memory_space<hbm>>
    %dma_start3A_610 = arith.constant 0 : i32
    %dma_start3A_611 = tpu.memref_slice %arg7[%dma_start3A_610] : memref<16384xf32, #tpu.memory_space<vmem>> -> memref<8192xf32, #tpu.memory_space<vmem>>
    tpu.enqueue_dma source(%dma_start3A_611 : memref<8192xf32, #tpu.memory_space<vmem>>) target(%dma_start3A_609 : memref<8192xf32, #tpu.memory_space<hbm>>) target_semaphore(%arg10 : memref<!tpu.dma_semaphore, #tpu.memory_space<semaphore_mem>>)
    %add3A_612 = arith.constant 24576 : i32
    %add3A_613 = arith.addi %multiple_of3A_575, %add3A_612 : i32
    %dma_start3A_614 = arith.constant 16384 : i32
    %dma_start3A_615 = tpu.memref_slice %arg5[%dma_start3A_614] : memref<49152xf32, #tpu.memory_space<vmem>> -> memref<32768xf32, #tpu.memory_space<vmem>>
    %dma_start3A_616 = tpu.memref_slice %arg4[%add3A_613] : memref<29360128xf32, #tpu.memory_space<hbm>> -> memref<32768xf32, #tpu.memory_space<hbm>>
    %dma_start3A_617 = tpu.memref_slice %arg4[%add3A_613] : memref<29360128xf32, #tpu.memory_space<hbm>> -> memref<32768xf32, #tpu.memory_space<hbm>>
    %dma_start3A_618 = arith.constant 16384 : i32
    %dma_start3A_619 = tpu.memref_slice %arg5[%dma_start3A_618] : memref<49152xf32, #tpu.memory_space<vmem>> -> memref<32768xf32, #tpu.memory_space<vmem>>
    tpu.enqueue_dma source(%dma_start3A_619 : memref<32768xf32, #tpu.memory_space<vmem>>) target(%dma_start3A_617 : memref<32768xf32, #tpu.memory_space<hbm>>) target_semaphore(%arg10 : memref<!tpu.dma_semaphore, #tpu.memory_space<semaphore_mem>>)
    %add3A_620 = arith.constant 20 : i32
    %add3A_621 = arith.addi %add3A_33, %add3A_620 : i32
    %mul3A_622 = arith.constant 98304 : i32
    %mul3A_623 = arith.muli %add3A_621, %mul3A_622 : i32
    %add3A_624 = arith.constant 49152 : i32
    %add3A_625 = arith.addi %mul3A_623, %add3A_624 : i32
    %multiple_of3A_626 = tpu.assume_multiple %add3A_625, 8192 : i32
    %mul3A_627 = arith.constant 114688 : i32
    %mul3A_628 = arith.muli %add3A_621, %mul3A_627 : i32
    %add3A_629 = arith.constant 57344 : i32
    %add3A_630 = arith.addi %mul3A_628, %add3A_629 : i32
    %multiple_of3A_631 = tpu.assume_multiple %add3A_630, 8192 : i32
    %dma_wait3A_632 = arith.constant 0 : i32
    %dma_wait3A_633 = tpu.memref_slice %arg6[%dma_wait3A_632] : memref<49152xf32, #tpu.memory_space<vmem>> -> memref<32768xf32, #tpu.memory_space<vmem>>
    %dma_wait3A_634 = tpu.memref_slice %arg4[%multiple_of3A_519] : memref<29360128xf32, #tpu.memory_space<hbm>> -> memref<32768xf32, #tpu.memory_space<hbm>>
    %dma_wait3A_635 = tpu.memref_slice %arg4[%multiple_of3A_519] : memref<29360128xf32, #tpu.memory_space<hbm>> -> memref<32768xf32, #tpu.memory_space<hbm>>
    %dma_wait3A_636 = arith.constant 0 : i32
    %dma_wait3A_637 = tpu.memref_slice %arg6[%dma_wait3A_636] : memref<49152xf32, #tpu.memory_space<vmem>> -> memref<32768xf32, #tpu.memory_space<vmem>>
    tpu.wait_dma2 semaphore(%arg11 : memref<!tpu.dma_semaphore, #tpu.memory_space<semaphore_mem>>) src(%dma_wait3A_637 : memref<32768xf32, #tpu.memory_space<vmem>>) dst(%dma_wait3A_635 : memref<32768xf32, #tpu.memory_space<hbm>>)
    %dma_wait3A_638 = arith.constant 8192 : i32
    %dma_wait3A_639 = tpu.memref_slice %arg7[%dma_wait3A_638] : memref<16384xf32, #tpu.memory_space<vmem>> -> memref<8192xf32, #tpu.memory_space<vmem>>
    %dma_wait3A_640 = tpu.memref_slice %arg4[%add3A_549] : memref<29360128xf32, #tpu.memory_space<hbm>> -> memref<8192xf32, #tpu.memory_space<hbm>>
    %dma_wait3A_641 = tpu.memref_slice %arg4[%add3A_549] : memref<29360128xf32, #tpu.memory_space<hbm>> -> memref<8192xf32, #tpu.memory_space<hbm>>
    %dma_wait3A_642 = arith.constant 8192 : i32
    %dma_wait3A_643 = tpu.memref_slice %arg7[%dma_wait3A_642] : memref<16384xf32, #tpu.memory_space<vmem>> -> memref<8192xf32, #tpu.memory_space<vmem>>
    tpu.wait_dma2 semaphore(%arg11 : memref<!tpu.dma_semaphore, #tpu.memory_space<semaphore_mem>>) src(%dma_wait3A_643 : memref<8192xf32, #tpu.memory_space<vmem>>) dst(%dma_wait3A_641 : memref<8192xf32, #tpu.memory_space<hbm>>)
    %dma_wait3A_644 = arith.constant 32768 : i32
    %dma_wait3A_645 = tpu.memref_slice %arg6[%dma_wait3A_644] : memref<49152xf32, #tpu.memory_space<vmem>> -> memref<16384xf32, #tpu.memory_space<vmem>>
    %dma_wait3A_646 = tpu.memref_slice %arg4[%add3A_557] : memref<29360128xf32, #tpu.memory_space<hbm>> -> memref<16384xf32, #tpu.memory_space<hbm>>
    %dma_wait3A_647 = tpu.memref_slice %arg4[%add3A_557] : memref<29360128xf32, #tpu.memory_space<hbm>> -> memref<16384xf32, #tpu.memory_space<hbm>>
    %dma_wait3A_648 = arith.constant 32768 : i32
    %dma_wait3A_649 = tpu.memref_slice %arg6[%dma_wait3A_648] : memref<49152xf32, #tpu.memory_space<vmem>> -> memref<16384xf32, #tpu.memory_space<vmem>>
    tpu.wait_dma2 semaphore(%arg11 : memref<!tpu.dma_semaphore, #tpu.memory_space<semaphore_mem>>) src(%dma_wait3A_649 : memref<16384xf32, #tpu.memory_space<vmem>>) dst(%dma_wait3A_647 : memref<16384xf32, #tpu.memory_space<hbm>>)
    %dma_start3A_650 = tpu.memref_slice %arg2[%multiple_of3A_626] : memref<25165824xf32, #tpu.memory_space<hbm>> -> memref<49152xf32, #tpu.memory_space<hbm>>
    %dma_start3A_651 = tpu.memref_slice %arg2[%multiple_of3A_626] : memref<25165824xf32, #tpu.memory_space<hbm>> -> memref<49152xf32, #tpu.memory_space<hbm>>
    tpu.enqueue_dma source(%dma_start3A_651 : memref<49152xf32, #tpu.memory_space<hbm>>) target(%arg6 : memref<49152xf32, #tpu.memory_space<vmem>>) target_semaphore(%arg9 : memref<!tpu.dma_semaphore, #tpu.memory_space<semaphore_mem>>)
    %dma_wait3A_652 = tpu.memref_slice %arg2[%multiple_of3A_626] : memref<25165824xf32, #tpu.memory_space<hbm>> -> memref<49152xf32, #tpu.memory_space<hbm>>
    %dma_wait3A_653 = tpu.memref_slice %arg2[%multiple_of3A_626] : memref<25165824xf32, #tpu.memory_space<hbm>> -> memref<49152xf32, #tpu.memory_space<hbm>>
    tpu.wait_dma2 semaphore(%arg9 : memref<!tpu.dma_semaphore, #tpu.memory_space<semaphore_mem>>) src(%dma_wait3A_653 : memref<49152xf32, #tpu.memory_space<hbm>>) dst(%arg6 : memref<49152xf32, #tpu.memory_space<vmem>>)
    %dma_start3A_654 = arith.constant 0 : i32
    %dma_start3A_655 = tpu.memref_slice %arg6[%dma_start3A_654] : memref<49152xf32, #tpu.memory_space<vmem>> -> memref<32768xf32, #tpu.memory_space<vmem>>
    %dma_start3A_656 = tpu.memref_slice %arg4[%multiple_of3A_631] : memref<29360128xf32, #tpu.memory_space<hbm>> -> memref<32768xf32, #tpu.memory_space<hbm>>
    %dma_start3A_657 = tpu.memref_slice %arg4[%multiple_of3A_631] : memref<29360128xf32, #tpu.memory_space<hbm>> -> memref<32768xf32, #tpu.memory_space<hbm>>
    %dma_start3A_658 = arith.constant 0 : i32
    %dma_start3A_659 = tpu.memref_slice %arg6[%dma_start3A_658] : memref<49152xf32, #tpu.memory_space<vmem>> -> memref<32768xf32, #tpu.memory_space<vmem>>
    tpu.enqueue_dma source(%dma_start3A_659 : memref<32768xf32, #tpu.memory_space<vmem>>) target(%dma_start3A_657 : memref<32768xf32, #tpu.memory_space<hbm>>) target_semaphore(%arg11 : memref<!tpu.dma_semaphore, #tpu.memory_space<semaphore_mem>>)
    %add3A_660 = arith.constant 32768 : i32
    %add3A_661 = arith.addi %multiple_of3A_631, %add3A_660 : i32
    %dma_start3A_662 = arith.constant 8192 : i32
    %dma_start3A_663 = tpu.memref_slice %arg7[%dma_start3A_662] : memref<16384xf32, #tpu.memory_space<vmem>> -> memref<8192xf32, #tpu.memory_space<vmem>>
    %dma_start3A_664 = tpu.memref_slice %arg4[%add3A_661] : memref<29360128xf32, #tpu.memory_space<hbm>> -> memref<8192xf32, #tpu.memory_space<hbm>>
    %dma_start3A_665 = tpu.memref_slice %arg4[%add3A_661] : memref<29360128xf32, #tpu.memory_space<hbm>> -> memref<8192xf32, #tpu.memory_space<hbm>>
    %dma_start3A_666 = arith.constant 8192 : i32
    %dma_start3A_667 = tpu.memref_slice %arg7[%dma_start3A_666] : memref<16384xf32, #tpu.memory_space<vmem>> -> memref<8192xf32, #tpu.memory_space<vmem>>
    tpu.enqueue_dma source(%dma_start3A_667 : memref<8192xf32, #tpu.memory_space<vmem>>) target(%dma_start3A_665 : memref<8192xf32, #tpu.memory_space<hbm>>) target_semaphore(%arg11 : memref<!tpu.dma_semaphore, #tpu.memory_space<semaphore_mem>>)
    %add3A_668 = arith.constant 40960 : i32
    %add3A_669 = arith.addi %multiple_of3A_631, %add3A_668 : i32
    %dma_start3A_670 = arith.constant 32768 : i32
    %dma_start3A_671 = tpu.memref_slice %arg6[%dma_start3A_670] : memref<49152xf32, #tpu.memory_space<vmem>> -> memref<16384xf32, #tpu.memory_space<vmem>>
    %dma_start3A_672 = tpu.memref_slice %arg4[%add3A_669] : memref<29360128xf32, #tpu.memory_space<hbm>> -> memref<16384xf32, #tpu.memory_space<hbm>>
    %dma_start3A_673 = tpu.memref_slice %arg4[%add3A_669] : memref<29360128xf32, #tpu.memory_space<hbm>> -> memref<16384xf32, #tpu.memory_space<hbm>>
    %dma_start3A_674 = arith.constant 32768 : i32
    %dma_start3A_675 = tpu.memref_slice %arg6[%dma_start3A_674] : memref<49152xf32, #tpu.memory_space<vmem>> -> memref<16384xf32, #tpu.memory_space<vmem>>
    tpu.enqueue_dma source(%dma_start3A_675 : memref<16384xf32, #tpu.memory_space<vmem>>) target(%dma_start3A_673 : memref<16384xf32, #tpu.memory_space<hbm>>) target_semaphore(%arg11 : memref<!tpu.dma_semaphore, #tpu.memory_space<semaphore_mem>>)
    %add3A_676 = arith.constant 24 : i32
    %add3A_677 = arith.addi %add3A_33, %add3A_676 : i32
    %mul3A_678 = arith.constant 98304 : i32
    %mul3A_679 = arith.muli %add3A_677, %mul3A_678 : i32
    %add3A_680 = arith.constant 0 : i32
    %add3A_681 = arith.addi %mul3A_679, %add3A_680 : i32
    %multiple_of3A_682 = tpu.assume_multiple %add3A_681, 8192 : i32
    %mul3A_683 = arith.constant 114688 : i32
    %mul3A_684 = arith.muli %add3A_677, %mul3A_683 : i32
    %add3A_685 = arith.constant 0 : i32
    %add3A_686 = arith.addi %mul3A_684, %add3A_685 : i32
    %multiple_of3A_687 = tpu.assume_multiple %add3A_686, 8192 : i32
    %dma_wait3A_688 = arith.constant 0 : i32
    %dma_wait3A_689 = tpu.memref_slice %arg5[%dma_wait3A_688] : memref<49152xf32, #tpu.memory_space<vmem>> -> memref<16384xf32, #tpu.memory_space<vmem>>
    %dma_wait3A_690 = tpu.memref_slice %arg4[%multiple_of3A_575] : memref<29360128xf32, #tpu.memory_space<hbm>> -> memref<16384xf32, #tpu.memory_space<hbm>>
    %dma_wait3A_691 = tpu.memref_slice %arg4[%multiple_of3A_575] : memref<29360128xf32, #tpu.memory_space<hbm>> -> memref<16384xf32, #tpu.memory_space<hbm>>
    %dma_wait3A_692 = arith.constant 0 : i32
    %dma_wait3A_693 = tpu.memref_slice %arg5[%dma_wait3A_692] : memref<49152xf32, #tpu.memory_space<vmem>> -> memref<16384xf32, #tpu.memory_space<vmem>>
    tpu.wait_dma2 semaphore(%arg10 : memref<!tpu.dma_semaphore, #tpu.memory_space<semaphore_mem>>) src(%dma_wait3A_693 : memref<16384xf32, #tpu.memory_space<vmem>>) dst(%dma_wait3A_691 : memref<16384xf32, #tpu.memory_space<hbm>>)
    %dma_wait3A_694 = arith.constant 0 : i32
    %dma_wait3A_695 = tpu.memref_slice %arg7[%dma_wait3A_694] : memref<16384xf32, #tpu.memory_space<vmem>> -> memref<8192xf32, #tpu.memory_space<vmem>>
    %dma_wait3A_696 = tpu.memref_slice %arg4[%add3A_605] : memref<29360128xf32, #tpu.memory_space<hbm>> -> memref<8192xf32, #tpu.memory_space<hbm>>
    %dma_wait3A_697 = tpu.memref_slice %arg4[%add3A_605] : memref<29360128xf32, #tpu.memory_space<hbm>> -> memref<8192xf32, #tpu.memory_space<hbm>>
    %dma_wait3A_698 = arith.constant 0 : i32
    %dma_wait3A_699 = tpu.memref_slice %arg7[%dma_wait3A_698] : memref<16384xf32, #tpu.memory_space<vmem>> -> memref<8192xf32, #tpu.memory_space<vmem>>
    tpu.wait_dma2 semaphore(%arg10 : memref<!tpu.dma_semaphore, #tpu.memory_space<semaphore_mem>>) src(%dma_wait3A_699 : memref<8192xf32, #tpu.memory_space<vmem>>) dst(%dma_wait3A_697 : memref<8192xf32, #tpu.memory_space<hbm>>)
    %dma_wait3A_700 = arith.constant 16384 : i32
    %dma_wait3A_701 = tpu.memref_slice %arg5[%dma_wait3A_700] : memref<49152xf32, #tpu.memory_space<vmem>> -> memref<32768xf32, #tpu.memory_space<vmem>>
    %dma_wait3A_702 = tpu.memref_slice %arg4[%add3A_613] : memref<29360128xf32, #tpu.memory_space<hbm>> -> memref<32768xf32, #tpu.memory_space<hbm>>
    %dma_wait3A_703 = tpu.memref_slice %arg4[%add3A_613] : memref<29360128xf32, #tpu.memory_space<hbm>> -> memref<32768xf32, #tpu.memory_space<hbm>>
    %dma_wait3A_704 = arith.constant 16384 : i32
    %dma_wait3A_705 = tpu.memref_slice %arg5[%dma_wait3A_704] : memref<49152xf32, #tpu.memory_space<vmem>> -> memref<32768xf32, #tpu.memory_space<vmem>>
    tpu.wait_dma2 semaphore(%arg10 : memref<!tpu.dma_semaphore, #tpu.memory_space<semaphore_mem>>) src(%dma_wait3A_705 : memref<32768xf32, #tpu.memory_space<vmem>>) dst(%dma_wait3A_703 : memref<32768xf32, #tpu.memory_space<hbm>>)
    %dma_start3A_706 = tpu.memref_slice %arg2[%multiple_of3A_682] : memref<25165824xf32, #tpu.memory_space<hbm>> -> memref<49152xf32, #tpu.memory_space<hbm>>
    %dma_start3A_707 = tpu.memref_slice %arg2[%multiple_of3A_682] : memref<25165824xf32, #tpu.memory_space<hbm>> -> memref<49152xf32, #tpu.memory_space<hbm>>
    tpu.enqueue_dma source(%dma_start3A_707 : memref<49152xf32, #tpu.memory_space<hbm>>) target(%arg5 : memref<49152xf32, #tpu.memory_space<vmem>>) target_semaphore(%arg8 : memref<!tpu.dma_semaphore, #tpu.memory_space<semaphore_mem>>)
    %dma_wait3A_708 = tpu.memref_slice %arg2[%multiple_of3A_682] : memref<25165824xf32, #tpu.memory_space<hbm>> -> memref<49152xf32, #tpu.memory_space<hbm>>
    %dma_wait3A_709 = tpu.memref_slice %arg2[%multiple_of3A_682] : memref<25165824xf32, #tpu.memory_space<hbm>> -> memref<49152xf32, #tpu.memory_space<hbm>>
    tpu.wait_dma2 semaphore(%arg8 : memref<!tpu.dma_semaphore, #tpu.memory_space<semaphore_mem>>) src(%dma_wait3A_709 : memref<49152xf32, #tpu.memory_space<hbm>>) dst(%arg5 : memref<49152xf32, #tpu.memory_space<vmem>>)
    %dma_start3A_710 = arith.constant 0 : i32
    %dma_start3A_711 = tpu.memref_slice %arg5[%dma_start3A_710] : memref<49152xf32, #tpu.memory_space<vmem>> -> memref<16384xf32, #tpu.memory_space<vmem>>
    %dma_start3A_712 = tpu.memref_slice %arg4[%multiple_of3A_687] : memref<29360128xf32, #tpu.memory_space<hbm>> -> memref<16384xf32, #tpu.memory_space<hbm>>
    %dma_start3A_713 = tpu.memref_slice %arg4[%multiple_of3A_687] : memref<29360128xf32, #tpu.memory_space<hbm>> -> memref<16384xf32, #tpu.memory_space<hbm>>
    %dma_start3A_714 = arith.constant 0 : i32
    %dma_start3A_715 = tpu.memref_slice %arg5[%dma_start3A_714] : memref<49152xf32, #tpu.memory_space<vmem>> -> memref<16384xf32, #tpu.memory_space<vmem>>
    tpu.enqueue_dma source(%dma_start3A_715 : memref<16384xf32, #tpu.memory_space<vmem>>) target(%dma_start3A_713 : memref<16384xf32, #tpu.memory_space<hbm>>) target_semaphore(%arg10 : memref<!tpu.dma_semaphore, #tpu.memory_space<semaphore_mem>>)
    %add3A_716 = arith.constant 16384 : i32
    %add3A_717 = arith.addi %multiple_of3A_687, %add3A_716 : i32
    %dma_start3A_718 = arith.constant 0 : i32
    %dma_start3A_719 = tpu.memref_slice %arg7[%dma_start3A_718] : memref<16384xf32, #tpu.memory_space<vmem>> -> memref<8192xf32, #tpu.memory_space<vmem>>
    %dma_start3A_720 = tpu.memref_slice %arg4[%add3A_717] : memref<29360128xf32, #tpu.memory_space<hbm>> -> memref<8192xf32, #tpu.memory_space<hbm>>
    %dma_start3A_721 = tpu.memref_slice %arg4[%add3A_717] : memref<29360128xf32, #tpu.memory_space<hbm>> -> memref<8192xf32, #tpu.memory_space<hbm>>
    %dma_start3A_722 = arith.constant 0 : i32
    %dma_start3A_723 = tpu.memref_slice %arg7[%dma_start3A_722] : memref<16384xf32, #tpu.memory_space<vmem>> -> memref<8192xf32, #tpu.memory_space<vmem>>
    tpu.enqueue_dma source(%dma_start3A_723 : memref<8192xf32, #tpu.memory_space<vmem>>) target(%dma_start3A_721 : memref<8192xf32, #tpu.memory_space<hbm>>) target_semaphore(%arg10 : memref<!tpu.dma_semaphore, #tpu.memory_space<semaphore_mem>>)
    %add3A_724 = arith.constant 24576 : i32
    %add3A_725 = arith.addi %multiple_of3A_687, %add3A_724 : i32
    %dma_start3A_726 = arith.constant 16384 : i32
    %dma_start3A_727 = tpu.memref_slice %arg5[%dma_start3A_726] : memref<49152xf32, #tpu.memory_space<vmem>> -> memref<32768xf32, #tpu.memory_space<vmem>>
    %dma_start3A_728 = tpu.memref_slice %arg4[%add3A_725] : memref<29360128xf32, #tpu.memory_space<hbm>> -> memref<32768xf32, #tpu.memory_space<hbm>>
    %dma_start3A_729 = tpu.memref_slice %arg4[%add3A_725] : memref<29360128xf32, #tpu.memory_space<hbm>> -> memref<32768xf32, #tpu.memory_space<hbm>>
    %dma_start3A_730 = arith.constant 16384 : i32
    %dma_start3A_731 = tpu.memref_slice %arg5[%dma_start3A_730] : memref<49152xf32, #tpu.memory_space<vmem>> -> memref<32768xf32, #tpu.memory_space<vmem>>
    tpu.enqueue_dma source(%dma_start3A_731 : memref<32768xf32, #tpu.memory_space<vmem>>) target(%dma_start3A_729 : memref<32768xf32, #tpu.memory_space<hbm>>) target_semaphore(%arg10 : memref<!tpu.dma_semaphore, #tpu.memory_space<semaphore_mem>>)
    %add3A_732 = arith.constant 24 : i32
    %add3A_733 = arith.addi %add3A_33, %add3A_732 : i32
    %mul3A_734 = arith.constant 98304 : i32
    %mul3A_735 = arith.muli %add3A_733, %mul3A_734 : i32
    %add3A_736 = arith.constant 49152 : i32
    %add3A_737 = arith.addi %mul3A_735, %add3A_736 : i32
    %multiple_of3A_738 = tpu.assume_multiple %add3A_737, 8192 : i32
    %mul3A_739 = arith.constant 114688 : i32
    %mul3A_740 = arith.muli %add3A_733, %mul3A_739 : i32
    %add3A_741 = arith.constant 57344 : i32
    %add3A_742 = arith.addi %mul3A_740, %add3A_741 : i32
    %multiple_of3A_743 = tpu.assume_multiple %add3A_742, 8192 : i32
    %dma_wait3A_744 = arith.constant 0 : i32
    %dma_wait3A_745 = tpu.memref_slice %arg6[%dma_wait3A_744] : memref<49152xf32, #tpu.memory_space<vmem>> -> memref<32768xf32, #tpu.memory_space<vmem>>
    %dma_wait3A_746 = tpu.memref_slice %arg4[%multiple_of3A_631] : memref<29360128xf32, #tpu.memory_space<hbm>> -> memref<32768xf32, #tpu.memory_space<hbm>>
    %dma_wait3A_747 = tpu.memref_slice %arg4[%multiple_of3A_631] : memref<29360128xf32, #tpu.memory_space<hbm>> -> memref<32768xf32, #tpu.memory_space<hbm>>
    %dma_wait3A_748 = arith.constant 0 : i32
    %dma_wait3A_749 = tpu.memref_slice %arg6[%dma_wait3A_748] : memref<49152xf32, #tpu.memory_space<vmem>> -> memref<32768xf32, #tpu.memory_space<vmem>>
    tpu.wait_dma2 semaphore(%arg11 : memref<!tpu.dma_semaphore, #tpu.memory_space<semaphore_mem>>) src(%dma_wait3A_749 : memref<32768xf32, #tpu.memory_space<vmem>>) dst(%dma_wait3A_747 : memref<32768xf32, #tpu.memory_space<hbm>>)
    %dma_wait3A_750 = arith.constant 8192 : i32
    %dma_wait3A_751 = tpu.memref_slice %arg7[%dma_wait3A_750] : memref<16384xf32, #tpu.memory_space<vmem>> -> memref<8192xf32, #tpu.memory_space<vmem>>
    %dma_wait3A_752 = tpu.memref_slice %arg4[%add3A_661] : memref<29360128xf32, #tpu.memory_space<hbm>> -> memref<8192xf32, #tpu.memory_space<hbm>>
    %dma_wait3A_753 = tpu.memref_slice %arg4[%add3A_661] : memref<29360128xf32, #tpu.memory_space<hbm>> -> memref<8192xf32, #tpu.memory_space<hbm>>
    %dma_wait3A_754 = arith.constant 8192 : i32
    %dma_wait3A_755 = tpu.memref_slice %arg7[%dma_wait3A_754] : memref<16384xf32, #tpu.memory_space<vmem>> -> memref<8192xf32, #tpu.memory_space<vmem>>
    tpu.wait_dma2 semaphore(%arg11 : memref<!tpu.dma_semaphore, #tpu.memory_space<semaphore_mem>>) src(%dma_wait3A_755 : memref<8192xf32, #tpu.memory_space<vmem>>) dst(%dma_wait3A_753 : memref<8192xf32, #tpu.memory_space<hbm>>)
    %dma_wait3A_756 = arith.constant 32768 : i32
    %dma_wait3A_757 = tpu.memref_slice %arg6[%dma_wait3A_756] : memref<49152xf32, #tpu.memory_space<vmem>> -> memref<16384xf32, #tpu.memory_space<vmem>>
    %dma_wait3A_758 = tpu.memref_slice %arg4[%add3A_669] : memref<29360128xf32, #tpu.memory_space<hbm>> -> memref<16384xf32, #tpu.memory_space<hbm>>
    %dma_wait3A_759 = tpu.memref_slice %arg4[%add3A_669] : memref<29360128xf32, #tpu.memory_space<hbm>> -> memref<16384xf32, #tpu.memory_space<hbm>>
    %dma_wait3A_760 = arith.constant 32768 : i32
    %dma_wait3A_761 = tpu.memref_slice %arg6[%dma_wait3A_760] : memref<49152xf32, #tpu.memory_space<vmem>> -> memref<16384xf32, #tpu.memory_space<vmem>>
    tpu.wait_dma2 semaphore(%arg11 : memref<!tpu.dma_semaphore, #tpu.memory_space<semaphore_mem>>) src(%dma_wait3A_761 : memref<16384xf32, #tpu.memory_space<vmem>>) dst(%dma_wait3A_759 : memref<16384xf32, #tpu.memory_space<hbm>>)
    %dma_start3A_762 = tpu.memref_slice %arg2[%multiple_of3A_738] : memref<25165824xf32, #tpu.memory_space<hbm>> -> memref<49152xf32, #tpu.memory_space<hbm>>
    %dma_start3A_763 = tpu.memref_slice %arg2[%multiple_of3A_738] : memref<25165824xf32, #tpu.memory_space<hbm>> -> memref<49152xf32, #tpu.memory_space<hbm>>
    tpu.enqueue_dma source(%dma_start3A_763 : memref<49152xf32, #tpu.memory_space<hbm>>) target(%arg6 : memref<49152xf32, #tpu.memory_space<vmem>>) target_semaphore(%arg9 : memref<!tpu.dma_semaphore, #tpu.memory_space<semaphore_mem>>)
    %dma_wait3A_764 = tpu.memref_slice %arg2[%multiple_of3A_738] : memref<25165824xf32, #tpu.memory_space<hbm>> -> memref<49152xf32, #tpu.memory_space<hbm>>
    %dma_wait3A_765 = tpu.memref_slice %arg2[%multiple_of3A_738] : memref<25165824xf32, #tpu.memory_space<hbm>> -> memref<49152xf32, #tpu.memory_space<hbm>>
    tpu.wait_dma2 semaphore(%arg9 : memref<!tpu.dma_semaphore, #tpu.memory_space<semaphore_mem>>) src(%dma_wait3A_765 : memref<49152xf32, #tpu.memory_space<hbm>>) dst(%arg6 : memref<49152xf32, #tpu.memory_space<vmem>>)
    %dma_start3A_766 = arith.constant 0 : i32
    %dma_start3A_767 = tpu.memref_slice %arg6[%dma_start3A_766] : memref<49152xf32, #tpu.memory_space<vmem>> -> memref<32768xf32, #tpu.memory_space<vmem>>
    %dma_start3A_768 = tpu.memref_slice %arg4[%multiple_of3A_743] : memref<29360128xf32, #tpu.memory_space<hbm>> -> memref<32768xf32, #tpu.memory_space<hbm>>
    %dma_start3A_769 = tpu.memref_slice %arg4[%multiple_of3A_743] : memref<29360128xf32, #tpu.memory_space<hbm>> -> memref<32768xf32, #tpu.memory_space<hbm>>
    %dma_start3A_770 = arith.constant 0 : i32
    %dma_start3A_771 = tpu.memref_slice %arg6[%dma_start3A_770] : memref<49152xf32, #tpu.memory_space<vmem>> -> memref<32768xf32, #tpu.memory_space<vmem>>
    tpu.enqueue_dma source(%dma_start3A_771 : memref<32768xf32, #tpu.memory_space<vmem>>) target(%dma_start3A_769 : memref<32768xf32, #tpu.memory_space<hbm>>) target_semaphore(%arg11 : memref<!tpu.dma_semaphore, #tpu.memory_space<semaphore_mem>>)
    %add3A_772 = arith.constant 32768 : i32
    %add3A_773 = arith.addi %multiple_of3A_743, %add3A_772 : i32
    %dma_start3A_774 = arith.constant 8192 : i32
    %dma_start3A_775 = tpu.memref_slice %arg7[%dma_start3A_774] : memref<16384xf32, #tpu.memory_space<vmem>> -> memref<8192xf32, #tpu.memory_space<vmem>>
    %dma_start3A_776 = tpu.memref_slice %arg4[%add3A_773] : memref<29360128xf32, #tpu.memory_space<hbm>> -> memref<8192xf32, #tpu.memory_space<hbm>>
    %dma_start3A_777 = tpu.memref_slice %arg4[%add3A_773] : memref<29360128xf32, #tpu.memory_space<hbm>> -> memref<8192xf32, #tpu.memory_space<hbm>>
    %dma_start3A_778 = arith.constant 8192 : i32
    %dma_start3A_779 = tpu.memref_slice %arg7[%dma_start3A_778] : memref<16384xf32, #tpu.memory_space<vmem>> -> memref<8192xf32, #tpu.memory_space<vmem>>
    tpu.enqueue_dma source(%dma_start3A_779 : memref<8192xf32, #tpu.memory_space<vmem>>) target(%dma_start3A_777 : memref<8192xf32, #tpu.memory_space<hbm>>) target_semaphore(%arg11 : memref<!tpu.dma_semaphore, #tpu.memory_space<semaphore_mem>>)
    %add3A_780 = arith.constant 40960 : i32
    %add3A_781 = arith.addi %multiple_of3A_743, %add3A_780 : i32
    %dma_start3A_782 = arith.constant 32768 : i32
    %dma_start3A_783 = tpu.memref_slice %arg6[%dma_start3A_782] : memref<49152xf32, #tpu.memory_space<vmem>> -> memref<16384xf32, #tpu.memory_space<vmem>>
    %dma_start3A_784 = tpu.memref_slice %arg4[%add3A_781] : memref<29360128xf32, #tpu.memory_space<hbm>> -> memref<16384xf32, #tpu.memory_space<hbm>>
    %dma_start3A_785 = tpu.memref_slice %arg4[%add3A_781] : memref<29360128xf32, #tpu.memory_space<hbm>> -> memref<16384xf32, #tpu.memory_space<hbm>>
    %dma_start3A_786 = arith.constant 32768 : i32
    %dma_start3A_787 = tpu.memref_slice %arg6[%dma_start3A_786] : memref<49152xf32, #tpu.memory_space<vmem>> -> memref<16384xf32, #tpu.memory_space<vmem>>
    tpu.enqueue_dma source(%dma_start3A_787 : memref<16384xf32, #tpu.memory_space<vmem>>) target(%dma_start3A_785 : memref<16384xf32, #tpu.memory_space<hbm>>) target_semaphore(%arg11 : memref<!tpu.dma_semaphore, #tpu.memory_space<semaphore_mem>>)
    %add3A_788 = arith.constant 28 : i32
    %add3A_789 = arith.addi %add3A_33, %add3A_788 : i32
    %mul3A_790 = arith.constant 98304 : i32
    %mul3A_791 = arith.muli %add3A_789, %mul3A_790 : i32
    %add3A_792 = arith.constant 0 : i32
    %add3A_793 = arith.addi %mul3A_791, %add3A_792 : i32
    %multiple_of3A_794 = tpu.assume_multiple %add3A_793, 8192 : i32
    %mul3A_795 = arith.constant 114688 : i32
    %mul3A_796 = arith.muli %add3A_789, %mul3A_795 : i32
    %add3A_797 = arith.constant 0 : i32
    %add3A_798 = arith.addi %mul3A_796, %add3A_797 : i32
    %multiple_of3A_799 = tpu.assume_multiple %add3A_798, 8192 : i32
    %dma_wait3A_800 = arith.constant 0 : i32
    %dma_wait3A_801 = tpu.memref_slice %arg5[%dma_wait3A_800] : memref<49152xf32, #tpu.memory_space<vmem>> -> memref<16384xf32, #tpu.memory_space<vmem>>
    %dma_wait3A_802 = tpu.memref_slice %arg4[%multiple_of3A_687] : memref<29360128xf32, #tpu.memory_space<hbm>> -> memref<16384xf32, #tpu.memory_space<hbm>>
    %dma_wait3A_803 = tpu.memref_slice %arg4[%multiple_of3A_687] : memref<29360128xf32, #tpu.memory_space<hbm>> -> memref<16384xf32, #tpu.memory_space<hbm>>
    %dma_wait3A_804 = arith.constant 0 : i32
    %dma_wait3A_805 = tpu.memref_slice %arg5[%dma_wait3A_804] : memref<49152xf32, #tpu.memory_space<vmem>> -> memref<16384xf32, #tpu.memory_space<vmem>>
    tpu.wait_dma2 semaphore(%arg10 : memref<!tpu.dma_semaphore, #tpu.memory_space<semaphore_mem>>) src(%dma_wait3A_805 : memref<16384xf32, #tpu.memory_space<vmem>>) dst(%dma_wait3A_803 : memref<16384xf32, #tpu.memory_space<hbm>>)
    %dma_wait3A_806 = arith.constant 0 : i32
    %dma_wait3A_807 = tpu.memref_slice %arg7[%dma_wait3A_806] : memref<16384xf32, #tpu.memory_space<vmem>> -> memref<8192xf32, #tpu.memory_space<vmem>>
    %dma_wait3A_808 = tpu.memref_slice %arg4[%add3A_717] : memref<29360128xf32, #tpu.memory_space<hbm>> -> memref<8192xf32, #tpu.memory_space<hbm>>
    %dma_wait3A_809 = tpu.memref_slice %arg4[%add3A_717] : memref<29360128xf32, #tpu.memory_space<hbm>> -> memref<8192xf32, #tpu.memory_space<hbm>>
    %dma_wait3A_810 = arith.constant 0 : i32
    %dma_wait3A_811 = tpu.memref_slice %arg7[%dma_wait3A_810] : memref<16384xf32, #tpu.memory_space<vmem>> -> memref<8192xf32, #tpu.memory_space<vmem>>
    tpu.wait_dma2 semaphore(%arg10 : memref<!tpu.dma_semaphore, #tpu.memory_space<semaphore_mem>>) src(%dma_wait3A_811 : memref<8192xf32, #tpu.memory_space<vmem>>) dst(%dma_wait3A_809 : memref<8192xf32, #tpu.memory_space<hbm>>)
    %dma_wait3A_812 = arith.constant 16384 : i32
    %dma_wait3A_813 = tpu.memref_slice %arg5[%dma_wait3A_812] : memref<49152xf32, #tpu.memory_space<vmem>> -> memref<32768xf32, #tpu.memory_space<vmem>>
    %dma_wait3A_814 = tpu.memref_slice %arg4[%add3A_725] : memref<29360128xf32, #tpu.memory_space<hbm>> -> memref<32768xf32, #tpu.memory_space<hbm>>
    %dma_wait3A_815 = tpu.memref_slice %arg4[%add3A_725] : memref<29360128xf32, #tpu.memory_space<hbm>> -> memref<32768xf32, #tpu.memory_space<hbm>>
    %dma_wait3A_816 = arith.constant 16384 : i32
    %dma_wait3A_817 = tpu.memref_slice %arg5[%dma_wait3A_816] : memref<49152xf32, #tpu.memory_space<vmem>> -> memref<32768xf32, #tpu.memory_space<vmem>>
    tpu.wait_dma2 semaphore(%arg10 : memref<!tpu.dma_semaphore, #tpu.memory_space<semaphore_mem>>) src(%dma_wait3A_817 : memref<32768xf32, #tpu.memory_space<vmem>>) dst(%dma_wait3A_815 : memref<32768xf32, #tpu.memory_space<hbm>>)
    %dma_start3A_818 = tpu.memref_slice %arg2[%multiple_of3A_794] : memref<25165824xf32, #tpu.memory_space<hbm>> -> memref<49152xf32, #tpu.memory_space<hbm>>
    %dma_start3A_819 = tpu.memref_slice %arg2[%multiple_of3A_794] : memref<25165824xf32, #tpu.memory_space<hbm>> -> memref<49152xf32, #tpu.memory_space<hbm>>
    tpu.enqueue_dma source(%dma_start3A_819 : memref<49152xf32, #tpu.memory_space<hbm>>) target(%arg5 : memref<49152xf32, #tpu.memory_space<vmem>>) target_semaphore(%arg8 : memref<!tpu.dma_semaphore, #tpu.memory_space<semaphore_mem>>)
    %dma_wait3A_820 = tpu.memref_slice %arg2[%multiple_of3A_794] : memref<25165824xf32, #tpu.memory_space<hbm>> -> memref<49152xf32, #tpu.memory_space<hbm>>
    %dma_wait3A_821 = tpu.memref_slice %arg2[%multiple_of3A_794] : memref<25165824xf32, #tpu.memory_space<hbm>> -> memref<49152xf32, #tpu.memory_space<hbm>>
    tpu.wait_dma2 semaphore(%arg8 : memref<!tpu.dma_semaphore, #tpu.memory_space<semaphore_mem>>) src(%dma_wait3A_821 : memref<49152xf32, #tpu.memory_space<hbm>>) dst(%arg5 : memref<49152xf32, #tpu.memory_space<vmem>>)
    %dma_start3A_822 = arith.constant 0 : i32
    %dma_start3A_823 = tpu.memref_slice %arg5[%dma_start3A_822] : memref<49152xf32, #tpu.memory_space<vmem>> -> memref<16384xf32, #tpu.memory_space<vmem>>
    %dma_start3A_824 = tpu.memref_slice %arg4[%multiple_of3A_799] : memref<29360128xf32, #tpu.memory_space<hbm>> -> memref<16384xf32, #tpu.memory_space<hbm>>
    %dma_start3A_825 = tpu.memref_slice %arg4[%multiple_of3A_799] : memref<29360128xf32, #tpu.memory_space<hbm>> -> memref<16384xf32, #tpu.memory_space<hbm>>
    %dma_start3A_826 = arith.constant 0 : i32
    %dma_start3A_827 = tpu.memref_slice %arg5[%dma_start3A_826] : memref<49152xf32, #tpu.memory_space<vmem>> -> memref<16384xf32, #tpu.memory_space<vmem>>
    tpu.enqueue_dma source(%dma_start3A_827 : memref<16384xf32, #tpu.memory_space<vmem>>) target(%dma_start3A_825 : memref<16384xf32, #tpu.memory_space<hbm>>) target_semaphore(%arg10 : memref<!tpu.dma_semaphore, #tpu.memory_space<semaphore_mem>>)
    %add3A_828 = arith.constant 16384 : i32
    %add3A_829 = arith.addi %multiple_of3A_799, %add3A_828 : i32
    %dma_start3A_830 = arith.constant 0 : i32
    %dma_start3A_831 = tpu.memref_slice %arg7[%dma_start3A_830] : memref<16384xf32, #tpu.memory_space<vmem>> -> memref<8192xf32, #tpu.memory_space<vmem>>
    %dma_start3A_832 = tpu.memref_slice %arg4[%add3A_829] : memref<29360128xf32, #tpu.memory_space<hbm>> -> memref<8192xf32, #tpu.memory_space<hbm>>
    %dma_start3A_833 = tpu.memref_slice %arg4[%add3A_829] : memref<29360128xf32, #tpu.memory_space<hbm>> -> memref<8192xf32, #tpu.memory_space<hbm>>
    %dma_start3A_834 = arith.constant 0 : i32
    %dma_start3A_835 = tpu.memref_slice %arg7[%dma_start3A_834] : memref<16384xf32, #tpu.memory_space<vmem>> -> memref<8192xf32, #tpu.memory_space<vmem>>
    tpu.enqueue_dma source(%dma_start3A_835 : memref<8192xf32, #tpu.memory_space<vmem>>) target(%dma_start3A_833 : memref<8192xf32, #tpu.memory_space<hbm>>) target_semaphore(%arg10 : memref<!tpu.dma_semaphore, #tpu.memory_space<semaphore_mem>>)
    %add3A_836 = arith.constant 24576 : i32
    %add3A_837 = arith.addi %multiple_of3A_799, %add3A_836 : i32
    %dma_start3A_838 = arith.constant 16384 : i32
    %dma_start3A_839 = tpu.memref_slice %arg5[%dma_start3A_838] : memref<49152xf32, #tpu.memory_space<vmem>> -> memref<32768xf32, #tpu.memory_space<vmem>>
    %dma_start3A_840 = tpu.memref_slice %arg4[%add3A_837] : memref<29360128xf32, #tpu.memory_space<hbm>> -> memref<32768xf32, #tpu.memory_space<hbm>>
    %dma_start3A_841 = tpu.memref_slice %arg4[%add3A_837] : memref<29360128xf32, #tpu.memory_space<hbm>> -> memref<32768xf32, #tpu.memory_space<hbm>>
    %dma_start3A_842 = arith.constant 16384 : i32
    %dma_start3A_843 = tpu.memref_slice %arg5[%dma_start3A_842] : memref<49152xf32, #tpu.memory_space<vmem>> -> memref<32768xf32, #tpu.memory_space<vmem>>
    tpu.enqueue_dma source(%dma_start3A_843 : memref<32768xf32, #tpu.memory_space<vmem>>) target(%dma_start3A_841 : memref<32768xf32, #tpu.memory_space<hbm>>) target_semaphore(%arg10 : memref<!tpu.dma_semaphore, #tpu.memory_space<semaphore_mem>>)
    %add3A_844 = arith.constant 28 : i32
    %add3A_845 = arith.addi %add3A_33, %add3A_844 : i32
    %mul3A_846 = arith.constant 98304 : i32
    %mul3A_847 = arith.muli %add3A_845, %mul3A_846 : i32
    %add3A_848 = arith.constant 49152 : i32
    %add3A_849 = arith.addi %mul3A_847, %add3A_848 : i32
    %multiple_of3A_850 = tpu.assume_multiple %add3A_849, 8192 : i32
    %mul3A_851 = arith.constant 114688 : i32
    %mul3A_852 = arith.muli %add3A_845, %mul3A_851 : i32
    %add3A_853 = arith.constant 57344 : i32
    %add3A_854 = arith.addi %mul3A_852, %add3A_853 : i32
    %multiple_of3A_855 = tpu.assume_multiple %add3A_854, 8192 : i32
    %dma_wait3A_856 = arith.constant 0 : i32
    %dma_wait3A_857 = tpu.memref_slice %arg6[%dma_wait3A_856] : memref<49152xf32, #tpu.memory_space<vmem>> -> memref<32768xf32, #tpu.memory_space<vmem>>
    %dma_wait3A_858 = tpu.memref_slice %arg4[%multiple_of3A_743] : memref<29360128xf32, #tpu.memory_space<hbm>> -> memref<32768xf32, #tpu.memory_space<hbm>>
    %dma_wait3A_859 = tpu.memref_slice %arg4[%multiple_of3A_743] : memref<29360128xf32, #tpu.memory_space<hbm>> -> memref<32768xf32, #tpu.memory_space<hbm>>
    %dma_wait3A_860 = arith.constant 0 : i32
    %dma_wait3A_861 = tpu.memref_slice %arg6[%dma_wait3A_860] : memref<49152xf32, #tpu.memory_space<vmem>> -> memref<32768xf32, #tpu.memory_space<vmem>>
    tpu.wait_dma2 semaphore(%arg11 : memref<!tpu.dma_semaphore, #tpu.memory_space<semaphore_mem>>) src(%dma_wait3A_861 : memref<32768xf32, #tpu.memory_space<vmem>>) dst(%dma_wait3A_859 : memref<32768xf32, #tpu.memory_space<hbm>>)
    %dma_wait3A_862 = arith.constant 8192 : i32
    %dma_wait3A_863 = tpu.memref_slice %arg7[%dma_wait3A_862] : memref<16384xf32, #tpu.memory_space<vmem>> -> memref<8192xf32, #tpu.memory_space<vmem>>
    %dma_wait3A_864 = tpu.memref_slice %arg4[%add3A_773] : memref<29360128xf32, #tpu.memory_space<hbm>> -> memref<8192xf32, #tpu.memory_space<hbm>>
    %dma_wait3A_865 = tpu.memref_slice %arg4[%add3A_773] : memref<29360128xf32, #tpu.memory_space<hbm>> -> memref<8192xf32, #tpu.memory_space<hbm>>
    %dma_wait3A_866 = arith.constant 8192 : i32
    %dma_wait3A_867 = tpu.memref_slice %arg7[%dma_wait3A_866] : memref<16384xf32, #tpu.memory_space<vmem>> -> memref<8192xf32, #tpu.memory_space<vmem>>
    tpu.wait_dma2 semaphore(%arg11 : memref<!tpu.dma_semaphore, #tpu.memory_space<semaphore_mem>>) src(%dma_wait3A_867 : memref<8192xf32, #tpu.memory_space<vmem>>) dst(%dma_wait3A_865 : memref<8192xf32, #tpu.memory_space<hbm>>)
    %dma_wait3A_868 = arith.constant 32768 : i32
    %dma_wait3A_869 = tpu.memref_slice %arg6[%dma_wait3A_868] : memref<49152xf32, #tpu.memory_space<vmem>> -> memref<16384xf32, #tpu.memory_space<vmem>>
    %dma_wait3A_870 = tpu.memref_slice %arg4[%add3A_781] : memref<29360128xf32, #tpu.memory_space<hbm>> -> memref<16384xf32, #tpu.memory_space<hbm>>
    %dma_wait3A_871 = tpu.memref_slice %arg4[%add3A_781] : memref<29360128xf32, #tpu.memory_space<hbm>> -> memref<16384xf32, #tpu.memory_space<hbm>>
    %dma_wait3A_872 = arith.constant 32768 : i32
    %dma_wait3A_873 = tpu.memref_slice %arg6[%dma_wait3A_872] : memref<49152xf32, #tpu.memory_space<vmem>> -> memref<16384xf32, #tpu.memory_space<vmem>>
    tpu.wait_dma2 semaphore(%arg11 : memref<!tpu.dma_semaphore, #tpu.memory_space<semaphore_mem>>) src(%dma_wait3A_873 : memref<16384xf32, #tpu.memory_space<vmem>>) dst(%dma_wait3A_871 : memref<16384xf32, #tpu.memory_space<hbm>>)
    %dma_start3A_874 = tpu.memref_slice %arg2[%multiple_of3A_850] : memref<25165824xf32, #tpu.memory_space<hbm>> -> memref<49152xf32, #tpu.memory_space<hbm>>
    %dma_start3A_875 = tpu.memref_slice %arg2[%multiple_of3A_850] : memref<25165824xf32, #tpu.memory_space<hbm>> -> memref<49152xf32, #tpu.memory_space<hbm>>
    tpu.enqueue_dma source(%dma_start3A_875 : memref<49152xf32, #tpu.memory_space<hbm>>) target(%arg6 : memref<49152xf32, #tpu.memory_space<vmem>>) target_semaphore(%arg9 : memref<!tpu.dma_semaphore, #tpu.memory_space<semaphore_mem>>)
    %dma_wait3A_876 = tpu.memref_slice %arg2[%multiple_of3A_850] : memref<25165824xf32, #tpu.memory_space<hbm>> -> memref<49152xf32, #tpu.memory_space<hbm>>
    %dma_wait3A_877 = tpu.memref_slice %arg2[%multiple_of3A_850] : memref<25165824xf32, #tpu.memory_space<hbm>> -> memref<49152xf32, #tpu.memory_space<hbm>>
    tpu.wait_dma2 semaphore(%arg9 : memref<!tpu.dma_semaphore, #tpu.memory_space<semaphore_mem>>) src(%dma_wait3A_877 : memref<49152xf32, #tpu.memory_space<hbm>>) dst(%arg6 : memref<49152xf32, #tpu.memory_space<vmem>>)
    %dma_start3A_878 = arith.constant 0 : i32
    %dma_start3A_879 = tpu.memref_slice %arg6[%dma_start3A_878] : memref<49152xf32, #tpu.memory_space<vmem>> -> memref<32768xf32, #tpu.memory_space<vmem>>
    %dma_start3A_880 = tpu.memref_slice %arg4[%multiple_of3A_855] : memref<29360128xf32, #tpu.memory_space<hbm>> -> memref<32768xf32, #tpu.memory_space<hbm>>
    %dma_start3A_881 = tpu.memref_slice %arg4[%multiple_of3A_855] : memref<29360128xf32, #tpu.memory_space<hbm>> -> memref<32768xf32, #tpu.memory_space<hbm>>
    %dma_start3A_882 = arith.constant 0 : i32
    %dma_start3A_883 = tpu.memref_slice %arg6[%dma_start3A_882] : memref<49152xf32, #tpu.memory_space<vmem>> -> memref<32768xf32, #tpu.memory_space<vmem>>
    tpu.enqueue_dma source(%dma_start3A_883 : memref<32768xf32, #tpu.memory_space<vmem>>) target(%dma_start3A_881 : memref<32768xf32, #tpu.memory_space<hbm>>) target_semaphore(%arg11 : memref<!tpu.dma_semaphore, #tpu.memory_space<semaphore_mem>>)
    %add3A_884 = arith.constant 32768 : i32
    %add3A_885 = arith.addi %multiple_of3A_855, %add3A_884 : i32
    %dma_start3A_886 = arith.constant 8192 : i32
    %dma_start3A_887 = tpu.memref_slice %arg7[%dma_start3A_886] : memref<16384xf32, #tpu.memory_space<vmem>> -> memref<8192xf32, #tpu.memory_space<vmem>>
    %dma_start3A_888 = tpu.memref_slice %arg4[%add3A_885] : memref<29360128xf32, #tpu.memory_space<hbm>> -> memref<8192xf32, #tpu.memory_space<hbm>>
    %dma_start3A_889 = tpu.memref_slice %arg4[%add3A_885] : memref<29360128xf32, #tpu.memory_space<hbm>> -> memref<8192xf32, #tpu.memory_space<hbm>>
    %dma_start3A_890 = arith.constant 8192 : i32
    %dma_start3A_891 = tpu.memref_slice %arg7[%dma_start3A_890] : memref<16384xf32, #tpu.memory_space<vmem>> -> memref<8192xf32, #tpu.memory_space<vmem>>
    tpu.enqueue_dma source(%dma_start3A_891 : memref<8192xf32, #tpu.memory_space<vmem>>) target(%dma_start3A_889 : memref<8192xf32, #tpu.memory_space<hbm>>) target_semaphore(%arg11 : memref<!tpu.dma_semaphore, #tpu.memory_space<semaphore_mem>>)
    %add3A_892 = arith.constant 40960 : i32
    %add3A_893 = arith.addi %multiple_of3A_855, %add3A_892 : i32
    %dma_start3A_894 = arith.constant 32768 : i32
    %dma_start3A_895 = tpu.memref_slice %arg6[%dma_start3A_894] : memref<49152xf32, #tpu.memory_space<vmem>> -> memref<16384xf32, #tpu.memory_space<vmem>>
    %dma_start3A_896 = tpu.memref_slice %arg4[%add3A_893] : memref<29360128xf32, #tpu.memory_space<hbm>> -> memref<16384xf32, #tpu.memory_space<hbm>>
    %dma_start3A_897 = tpu.memref_slice %arg4[%add3A_893] : memref<29360128xf32, #tpu.memory_space<hbm>> -> memref<16384xf32, #tpu.memory_space<hbm>>
    %dma_start3A_898 = arith.constant 32768 : i32
    %dma_start3A_899 = tpu.memref_slice %arg6[%dma_start3A_898] : memref<49152xf32, #tpu.memory_space<vmem>> -> memref<16384xf32, #tpu.memory_space<vmem>>
    tpu.enqueue_dma source(%dma_start3A_899 : memref<16384xf32, #tpu.memory_space<vmem>>) target(%dma_start3A_897 : memref<16384xf32, #tpu.memory_space<hbm>>) target_semaphore(%arg11 : memref<!tpu.dma_semaphore, #tpu.memory_space<semaphore_mem>>)
    %dma_wait3A_900 = arith.constant 0 : i32
    %dma_wait3A_901 = tpu.memref_slice %arg5[%dma_wait3A_900] : memref<49152xf32, #tpu.memory_space<vmem>> -> memref<16384xf32, #tpu.memory_space<vmem>>
    %dma_wait3A_902 = tpu.memref_slice %arg4[%multiple_of3A_799] : memref<29360128xf32, #tpu.memory_space<hbm>> -> memref<16384xf32, #tpu.memory_space<hbm>>
    %dma_wait3A_903 = tpu.memref_slice %arg4[%multiple_of3A_799] : memref<29360128xf32, #tpu.memory_space<hbm>> -> memref<16384xf32, #tpu.memory_space<hbm>>
    %dma_wait3A_904 = arith.constant 0 : i32
    %dma_wait3A_905 = tpu.memref_slice %arg5[%dma_wait3A_904] : memref<49152xf32, #tpu.memory_space<vmem>> -> memref<16384xf32, #tpu.memory_space<vmem>>
    tpu.wait_dma2 semaphore(%arg10 : memref<!tpu.dma_semaphore, #tpu.memory_space<semaphore_mem>>) src(%dma_wait3A_905 : memref<16384xf32, #tpu.memory_space<vmem>>) dst(%dma_wait3A_903 : memref<16384xf32, #tpu.memory_space<hbm>>)
    %dma_wait3A_906 = arith.constant 0 : i32
    %dma_wait3A_907 = tpu.memref_slice %arg7[%dma_wait3A_906] : memref<16384xf32, #tpu.memory_space<vmem>> -> memref<8192xf32, #tpu.memory_space<vmem>>
    %dma_wait3A_908 = tpu.memref_slice %arg4[%add3A_829] : memref<29360128xf32, #tpu.memory_space<hbm>> -> memref<8192xf32, #tpu.memory_space<hbm>>
    %dma_wait3A_909 = tpu.memref_slice %arg4[%add3A_829] : memref<29360128xf32, #tpu.memory_space<hbm>> -> memref<8192xf32, #tpu.memory_space<hbm>>
    %dma_wait3A_910 = arith.constant 0 : i32
    %dma_wait3A_911 = tpu.memref_slice %arg7[%dma_wait3A_910] : memref<16384xf32, #tpu.memory_space<vmem>> -> memref<8192xf32, #tpu.memory_space<vmem>>
    tpu.wait_dma2 semaphore(%arg10 : memref<!tpu.dma_semaphore, #tpu.memory_space<semaphore_mem>>) src(%dma_wait3A_911 : memref<8192xf32, #tpu.memory_space<vmem>>) dst(%dma_wait3A_909 : memref<8192xf32, #tpu.memory_space<hbm>>)
    %dma_wait3A_912 = arith.constant 16384 : i32
    %dma_wait3A_913 = tpu.memref_slice %arg5[%dma_wait3A_912] : memref<49152xf32, #tpu.memory_space<vmem>> -> memref<32768xf32, #tpu.memory_space<vmem>>
    %dma_wait3A_914 = tpu.memref_slice %arg4[%add3A_837] : memref<29360128xf32, #tpu.memory_space<hbm>> -> memref<32768xf32, #tpu.memory_space<hbm>>
    %dma_wait3A_915 = tpu.memref_slice %arg4[%add3A_837] : memref<29360128xf32, #tpu.memory_space<hbm>> -> memref<32768xf32, #tpu.memory_space<hbm>>
    %dma_wait3A_916 = arith.constant 16384 : i32
    %dma_wait3A_917 = tpu.memref_slice %arg5[%dma_wait3A_916] : memref<49152xf32, #tpu.memory_space<vmem>> -> memref<32768xf32, #tpu.memory_space<vmem>>
    tpu.wait_dma2 semaphore(%arg10 : memref<!tpu.dma_semaphore, #tpu.memory_space<semaphore_mem>>) src(%dma_wait3A_917 : memref<32768xf32, #tpu.memory_space<vmem>>) dst(%dma_wait3A_915 : memref<32768xf32, #tpu.memory_space<hbm>>)
    %dma_wait3A_918 = arith.constant 0 : i32
    %dma_wait3A_919 = tpu.memref_slice %arg6[%dma_wait3A_918] : memref<49152xf32, #tpu.memory_space<vmem>> -> memref<32768xf32, #tpu.memory_space<vmem>>
    %dma_wait3A_920 = tpu.memref_slice %arg4[%multiple_of3A_855] : memref<29360128xf32, #tpu.memory_space<hbm>> -> memref<32768xf32, #tpu.memory_space<hbm>>
    %dma_wait3A_921 = tpu.memref_slice %arg4[%multiple_of3A_855] : memref<29360128xf32, #tpu.memory_space<hbm>> -> memref<32768xf32, #tpu.memory_space<hbm>>
    %dma_wait3A_922 = arith.constant 0 : i32
    %dma_wait3A_923 = tpu.memref_slice %arg6[%dma_wait3A_922] : memref<49152xf32, #tpu.memory_space<vmem>> -> memref<32768xf32, #tpu.memory_space<vmem>>
    tpu.wait_dma2 semaphore(%arg11 : memref<!tpu.dma_semaphore, #tpu.memory_space<semaphore_mem>>) src(%dma_wait3A_923 : memref<32768xf32, #tpu.memory_space<vmem>>) dst(%dma_wait3A_921 : memref<32768xf32, #tpu.memory_space<hbm>>)
    %dma_wait3A_924 = arith.constant 8192 : i32
    %dma_wait3A_925 = tpu.memref_slice %arg7[%dma_wait3A_924] : memref<16384xf32, #tpu.memory_space<vmem>> -> memref<8192xf32, #tpu.memory_space<vmem>>
    %dma_wait3A_926 = tpu.memref_slice %arg4[%add3A_885] : memref<29360128xf32, #tpu.memory_space<hbm>> -> memref<8192xf32, #tpu.memory_space<hbm>>
    %dma_wait3A_927 = tpu.memref_slice %arg4[%add3A_885] : memref<29360128xf32, #tpu.memory_space<hbm>> -> memref<8192xf32, #tpu.memory_space<hbm>>
    %dma_wait3A_928 = arith.constant 8192 : i32
    %dma_wait3A_929 = tpu.memref_slice %arg7[%dma_wait3A_928] : memref<16384xf32, #tpu.memory_space<vmem>> -> memref<8192xf32, #tpu.memory_space<vmem>>
    tpu.wait_dma2 semaphore(%arg11 : memref<!tpu.dma_semaphore, #tpu.memory_space<semaphore_mem>>) src(%dma_wait3A_929 : memref<8192xf32, #tpu.memory_space<vmem>>) dst(%dma_wait3A_927 : memref<8192xf32, #tpu.memory_space<hbm>>)
    %dma_wait3A_930 = arith.constant 32768 : i32
    %dma_wait3A_931 = tpu.memref_slice %arg6[%dma_wait3A_930] : memref<49152xf32, #tpu.memory_space<vmem>> -> memref<16384xf32, #tpu.memory_space<vmem>>
    %dma_wait3A_932 = tpu.memref_slice %arg4[%add3A_893] : memref<29360128xf32, #tpu.memory_space<hbm>> -> memref<16384xf32, #tpu.memory_space<hbm>>
    %dma_wait3A_933 = tpu.memref_slice %arg4[%add3A_893] : memref<29360128xf32, #tpu.memory_space<hbm>> -> memref<16384xf32, #tpu.memory_space<hbm>>
    %dma_wait3A_934 = arith.constant 32768 : i32
    %dma_wait3A_935 = tpu.memref_slice %arg6[%dma_wait3A_934] : memref<49152xf32, #tpu.memory_space<vmem>> -> memref<16384xf32, #tpu.memory_space<vmem>>
    tpu.wait_dma2 semaphore(%arg11 : memref<!tpu.dma_semaphore, #tpu.memory_space<semaphore_mem>>) src(%dma_wait3A_935 : memref<16384xf32, #tpu.memory_space<vmem>>) dst(%dma_wait3A_933 : memref<16384xf32, #tpu.memory_space<hbm>>)
    return
  }
}

</mosaic_0001>

<sc_bundles>
// kernel: kernel.3.cloned.1.call-start
scs
__scs_entry_jumppad:
0x0: {  	(pc) =	sbr.rel $0x88, $3  }
0x1: {  	(tag) =	ssettag $0x0;
	lr =	simm.s32 $0x1  }
0x2: {  	[smem:$0x3F9F] =	sst lr;
	_ =	strace $0xD0000000  }
0x3: {  	_ = 	snop  }
0x4: {  	_ = 	snop  }
0x5: {  	_ = 	snop  }
0x6: {  	_ = 	snop  }
0x7: {  	_ = 	snop  }
__scs_overlays_trampoline_lowered:
0x8: {  	[smem:$0x3FAE] =	sst s0  }
0x9: {  	[smem:$0x3FAF] =	sst s1  }
0xa: {  	[smem:$0x3FB0] =	sst s2  }
0xb: {  	[smem:$0x3FB1] =	sst s3  }
0xc: {  	[smem:$0x3FB2] =	sst s4  }
0xd: {  	[smem:$0x3FB3] =	sst s5  }
0xe: {  	[smem:$0x3FB4] =	sst s6  }
0xf: {  	[smem:$0x3FB5] =	sst s7  }
0x10: {  	[smem:$0x3FB6] =	sst s8  }
0x11: {  	[smem:$0x3FB7] =	sst s9;
	s0 =	simm.s32 @!p0 $0x0  }
0x12: {  	s1 =	sld [smem:$0x3F9D];
	s0 =	simm.s32 @p0 $0x1  }
0x13: {  	[smem:$0x3FB8] =	sst s0;
	s0 =	simm.s32 @!p1 $0x0  }
0x14: {  	s2 =	sld [smem:$0x3F9C];
	s0 =	simm.s32 @p1 $0x1  }
0x15: {  	[smem:$0x3FB9] =	sst s0;
	s0 =	simm.s32 @!p2 $0x0  }
0x16: {  	s3 =	sld [smem:$0x3FDB];
	s0 =	simm.s32 @p2 $0x1  }
0x17: {  	s4 =	simm.s32 $0x1BF5;
	[smem:$0x3FBB] =	sst s0  }
0x18: {  	s0 =	sld [smem:$0x3F9E];
	_ =	swait.ge [sflag:s4], $0x0  }
0x19: {  	s7 =	sld [smem:$0x3F9F]  }
0x1a: {  	s8 =	sadd.s32 $0xFFFFE003, lr  }
0x1b: {  	s9 =	sadd.s32 $0xFFFFFEF7, lr;
	s5 =	simm.s32 $0xFFFFFFFF;
	p2 =	slt.u32 s8, $0xFFFFF086  }
0x1c: {  	p1 =	slt.u32 s9, $0xF7A;
	s5 =	simm.s32 @!p2 $0x0  }
0x1d: {  	s5 =	simm.s32 @p1 $0x1;
	p0 =	seq.s32 s7, s2  }
0x1e: {  	s7 =	smul.u32 @!p0 $0xF7A, s2;
	p2 =	seq.s32 @!p0 s5, $0x0  }
0x1f: {  	s9 =	smul.u32 $0xF7A, s1;
	s8 =	simm.s32 @!p0 $0x1BF5;
	p2 =	por !p2, p0  }
0x20: {  	[sflag:s8] =	ssyncset.s32 @!p0 $0xFFFFF086;
	s6 =	sadd.s32 @!p0 s3, s7;
	s7 =	simm.s32 @!p0 $0x108  }
0x21: {  	s3 =	sadd.s32 s3, s9;
	s6 =	sadd.s32 @!p0 $0x88, s6;
	s7 =	simm.s32 @p2 $0x1082  }
0x22: {  	[simem:s7], [sflag:s8] =	dma.local @!p0 [hbm:s6], $0xF7A  }
0x23: {  	s9 =	sor.u32 $0xD0000000, s2;
	s6 =	simm.s32 $0x108;
	_ =	swait.ge @!p0 [sflag:s8], $0x0  }
0x24: {  	s3 =	sadd.s32 $0x88, s3;
	s6 =	simm.s32 @!p1 $0x1082;
	[sflag:s4] =	ssyncset.s32 $0xFFFFF086  }
0x25: {  	[simem:s6], [sflag:s4] =	dma.local [hbm:s3], $0xF7A  }
0x26: {  	[smem:$0x3F9F] =	sst s1;
	(tag) =	ssettag s2;
	_ =	strace s9  }
0x27: {  	s1 =	sld [smem:$0x3FAF]  }
0x28: {  	s2 =	sld [smem:$0x3FB0]  }
0x29: {  	s4 =	sld [smem:$0x3FB2]  }
0x2a: {  	p0 =	seq.s32 s5, $0x0;
	s5 =	sld [smem:$0x3FB3]  }
0x2b: {  	s6 =	sld [smem:$0x3FB4]  }
0x2c: {  	s7 =	sld [smem:$0x3FB5]  }
0x2d: {  	s3 =	simm.s32 $0x108;
	s8 =	sld [smem:$0x3FB6]  }
0x2e: {  	s3 =	simm.s32 @!p0 $0x1082;
	s9 =	sld [smem:$0x3FB7]  }
0x2f: {  	lr =	sadd.s32 s0, s3;
	s0 =	sld [smem:$0x3FAE]  }
0x30: {  	s3 =	sld [smem:$0x3FB1]  }
0x31: {  	[smem:$0x3FBA] =	sst s10  }
0x32: {  	s10 =	sld [smem:$0x3FB8];
	_ =	sdelay $0x3  }
0x33: {  	p0 =	seq.s32 s10, $0x1;
	s10 =	sld [smem:$0x3FBA];
	_ =	sdelay $0x3  }
0x34: {  	[smem:$0x3FBA] =	sst s10  }
0x35: {  	s10 =	sld [smem:$0x3FB9];
	_ =	sdelay $0x3  }
0x36: {  	p1 =	seq.s32 s10, $0x1;
	s10 =	sld [smem:$0x3FBA];
	_ =	sdelay $0x3  }
0x37: {  	[smem:$0x3FBA] =	sst s10  }
0x38: {  	s10 =	sld [smem:$0x3FBB]  }
0x39: {  	_ = 	snop;
	(pc) =	sbr.ind lr, $3  }
0x3a: {  	_ = 	snop  }
0x3b: {  	_ = 	snop  }
0x3c: {  	p2 =	seq.s32 s10, $0x1;
	s10 =	sld [smem:$0x3FBA]  }
0x3d: {  	_ =	shalt  }
0x3e: {  	_ =	shalt  }
0x3f: {  	_ =	shalt  }
0x40: {  	_ =	shalt  }
0x41: {  	_ =	shalt  }
0x42: {  	_ =	shalt  }
0x43: {  	_ =	shalt  }
0x44: {  	_ =	shalt  }
0x45: {  	_ =	shalt  }
0x46: {  	_ =	shalt  }
0x47: {  	_ =	shalt  }
0x48: {  	_ =	shalt  }
0x49: {  	_ =	shalt  }
0x4a: {  	_ =	shalt  }
0x4b: {  	_ =	shalt  }
0x4c: {  	_ =	shalt  }
0x4d: {  	_ =	shalt  }
0x4e: {  	_ =	shalt  }
0x4f: {  	_ =	shalt  }
0x50: {  	_ =	shalt  }
0x51: {  	_ =	shalt  }
0x52: {  	_ =	shalt  }
0x53: {  	_ =	shalt  }
0x54: {  	_ =	shalt  }
0x55: {  	_ =	shalt  }
0x56: {  	_ =	shalt  }
0x57: {  	_ =	shalt  }
0x58: {  	_ =	shalt  }
0x59: {  	_ =	shalt  }
0x5a: {  	_ =	shalt  }
0x5b: {  	_ =	shalt  }
0x5c: {  	_ =	shalt  }
0x5d: {  	_ =	shalt  }
0x5e: {  	_ =	shalt  }
0x5f: {  	_ =	shalt  }
0x60: {  	_ =	shalt  }
0x61: {  	_ =	shalt  }
0x62: {  	_ =	shalt  }
0x63: {  	_ =	shalt  }
0x64: {  	_ =	shalt  }
0x65: {  	_ =	shalt  }
0x66: {  	_ =	shalt  }
0x67: {  	_ =	shalt  }
0x68: {  	_ =	shalt  }
0x69: {  	_ =	shalt  }
0x6a: {  	_ =	shalt  }
0x6b: {  	_ =	shalt  }
0x6c: {  	_ =	shalt  }
0x6d: {  	_ =	shalt  }
0x6e: {  	_ =	shalt  }
0x6f: {  	_ =	shalt  }
0x70: {  	_ =	shalt  }
0x71: {  	_ =	shalt  }
0x72: {  	_ =	shalt  }
0x73: {  	_ =	shalt  }
0x74: {  	_ =	shalt  }
0x75: {  	_ =	shalt  }
0x76: {  	_ =	shalt  }
0x77: {  	_ =	shalt  }
0x78: {  	_ =	shalt  }
0x79: {  	_ =	shalt  }
0x7a: {  	_ =	shalt  }
0x7b: {  	_ =	shalt  }
0x7c: {  	_ =	shalt  }
0x7d: {  	_ =	shalt  }
0x7e: {  	_ =	shalt  }
0x7f: {  	_ =	shalt  }
0x80: {  	_ =	shalt  }
0x81: {  	_ =	shalt  }
0x82: {  	_ =	shalt  }
0x83: {  	_ =	shalt  }
0x84: {  	_ =	shalt  }
0x85: {  	_ =	shalt  }
0x86: {  	_ =	shalt  }
0x87: {  	_ =	shalt  }
.Lfunc_end0:
.L_simem_size_0:
called_computation_lowered:
.L_overlay_start_0:
0x88: {  	s2 =	sld [smem:$0x3FD9]  }
0x89: {  	s3 =	sld [smem:$0x3FFE];
	_ =	sdelay $0x1  }
0x8a: {  	s1 =	srdreg.scid  }
0x8b: {  	s0 =	sand.u32 $0x1, s1  }
0x8c: {  	s17 =	sshll.u32 s0, $0xA;
	s2 =	sadd.s32 s3, s2  }
0x8d: {  	s2 =	sadd.s32 s2, s17  }
0x8e: {  	[smem:$0x3FC6] =	sst s2  }
0x8f: {  	_ = 	snop  }
0x90: {  	s2 =	sld [smem:$0x3FC9]  }
0x91: {  	s18 =	sld [smem:$0x3FD0];
	(tm) =	ssettm $0x1  }
0x92: {  	s4 =	sld [smem:$0x3FFB];
	_ =	sdelay $0x3  }
0x93: {  	_ =	strace s4  }
0x94: {  	s4 =	sld [smem:$0x3FFC];
	_ =	sdelay $0x3  }
0x95: {  	_ =	strace s4  }
0x96: {  	s4 =	sld [smem:$0x3FFD];
	_ =	sdelay $0x3  }
0x97: {  	_ =	strace s4  }
0x98: {  	_ =	strace $0x8FFFFFFF  }
0x99: {  	s19 =	sld [smem:$0x3FDB];
	_ =	sdelay $0x1  }
0x9a: {  	s5 =	simm.s32 $_scs_section_size  }
0x9b: {  	s6 =	simm.s32 $_size__tile_overlayer_lowered;
	s7 =	simm.s32 $_tile_overlayer_lowered  }
0x9c: {  	s22 =	simm.s32 $0x1BFF;
	s21 =	sshll.u32 s7, $0x1;
	s4 =	sadd.s32 s5, s19  }
0x9d: {  	s8 =	simm.s32 $0x0;
	s20 =	sshll.u32 s6, $0x1;
	s6 =	sadd.s32 s21, s4  }
0x9e: {  	[timem:s8], [sflag:s22] =	dma.local [hbm:s6], s20  }
0x9f: {  	_ =	swait.ge [sflag:s22], s20  }
0xa0: {  	s5 =	ssub.s32 $0x0, s20;
	[sflag:s22] =	ssyncset.done $0x0  }
0xa1: {  	[sflag:s22] =	ssyncadd.s32 s5;
	_ =	sdelay $0x1  }
0xa2: {  	s23 =	simm.s32 $0x1B8B  }
0xa3: {  	_ =	swait.ge [sflag:s23], $0x1  }
0xa4: {  	[sflag:s23] =	ssyncset.done $0x0  }
0xa5: {  	s25 =	simm.s32 $0x1B8E;
	s24 =	sld [smem:$0x3FFE];
	[sflag:s23] =	ssyncadd.s32 $0xFFFFFFFF  }
0xa6: {  	s26 =	simm.s32 $execute0_lowered;
	[smem:$0x3FD2] =	sst s25  }
0xa7: {  	s6 =	sshll.u32 s26, $0x1;
	_ =	strace $0x80000046;
	[dreg:$0x1] =	wrdreg $0xFFFFFFFF  }
0xa8: {  	s28 =	simm.s32 $_size_execute0_lowered;
	s4 =	sadd.s32 s4, s6;
	[dreg:$0x0] =	wrdreg $0x0  }
0xa9: {  	s6 =	sshll.u32 s28, $0x1;
	[dreg:$0x2] =	wrdreg s4  }
0xaa: {  	[dreg:$0x3] =	wrdreg s6  }
0xab: {  	[dreg:$0x4] =	wrdreg $0xC0  }
0xac: {  	_ =	task [dreg:s8], $0x5FFFF  }
0xad: {  	[dreg:$0x1] =	wrdreg $0xFFFFFFFF  }
0xae: {  	[dreg:$0x0] =	wrdreg $0x60  }
0xaf: {  	[dreg:$0x2] =	wrdreg s2  }
0xb0: {  	[dreg:$0x3] =	wrdreg s24  }
0xb1: {  	[dreg:$0x4] =	wrdreg s18  }
0xb2: {  	[dreg:$0x5] =	wrdreg $0x9  }
0xb3: {  	_ =	task.clear_ibuf [dreg:s8], $0x6FFFF;
	_ =	strace $0x90000046  }
0xb4: {  	s29 =	simm.s32 $0x9;
	_ =	strace $0x80000048  }
0xb5: {  	_ =	swait.ge [sflag:s29], $0x1  }
0xb6: {  	[sflag:s29] =	ssyncadd.s32 $0xFFFFFFFF  }
0xb7: {  	_ =	strace $0x90000048  }
0xb8: {  	_ =	sfence  }
0xb9: {  	s30 =	sld [smem:$0x0];
	_ =	sdelay $0x2  }
0xba: {  	s31 =	sshll.u32 s1, $0xD;
	s1 =	sshrl.u32 s1, $0x2  }
0xbb: {  	s3 =	sand.u32 $0x4000, s31;
	s1 =	sadd.s32 s1, s30  }
0xbc: {  	s0 =	sor.u32 s3, s0;
	s1 =	sshll.u32 s1, $0x11  }
0xbd: {  	s0 =	sor.u32 s1, s0  }
0xbe: {  	s0 =	sadd.s32 $0x8F2B, s0  }
0xbf: {  	[sflag:s0] =	ssyncadd.remote.s32 $0x1  }
0xc0: {  	_ =	sfence.sel $0xFFFF  }
0xc1: {  	[dreg:$0x0] =	wrdreg $0xFFFFFFFF;
	(pc) =	sbr.abs _section_cstart, $3  }
0xc2: {  	[dreg:$0x1] =	wrdreg $0xFFFFFFFF  }
0xc3: {  	_ =	task.clear_ibuf [dreg:s8], $0x2FFFF;
	_ =	strace $0x9FFFFFFF  }
0xc4: {  	(tm) =	ssettm $0x7FFFFFFF  }
0xc5: {  	_ =	shalt  }
tec
execute0_lowered:
.L_overlay_start_1:
0x0: {  	(tag) =	ssettag $0x1  }
0x1: {  	s3 =	stileid.u32;
	s1 =	rddreg [dreg:$0x0]  }
0x2: {  	s0 =	srdreg.scid;
	s6 =	rddreg [dreg:$0x1];
	s2 =	sshll.u32 s3, $0x1  }
0x3: {  	s5 =	sand.u32 $0x1, s0;
	s17 =	sshll.u32 s3, $0x4;
	s16 =	sand.u32 $0x2, s2  }
0x4: {  	p0 =	por $0x0, $0x0;
	s2 =	sand.u32 $0xE0, s17;
	s0 =	sor.u32 s5, s16  }
0x5: {  	s3 =	rddreg [dreg:$0x2];
	s5 =	ssub.s32 $0x2, s5;
	s4 =	sor.u32 s2, s0  }
0x6: {  	s2 =	simm.s32 $0x0;
	s0 =	sshll.u32 s0, $0xB;
	s7 =	smul.u32 $0x1C000, s4  }
0x7: {  	[smem:$0x7FF] =	sst s2;
	s0 =	sadd.s32 s0, s6;
	s18 =	smul.u32 $0x18000, s4  }
0x8: {  	s23 =	sor.u32 $0x4, s4;
	s14 =	sor.u32 $0x8, s4;
	_ =	strace $0x80000047  }
0x9: {  	s0 =	sadd.s32 $0x400, s0;
	s25 =	smul.u32 $0x1C000, s23;
	s7 =	sshrl.u32 s7, $0x3  }
0xa: {  	s6 =	smul.u32 $0x18000, s23;
	[dreg:$0x4] =	wrdreg s0;
	s8 =	sadd.s32 s3, s7  }
0xb: {  	s19 =	sshrl.u32 s18, $0x3;
	s0 =	rddreg [dreg:$0x4];
	s20 =	sadd.s32 $0x800, s8  }
0xc: {  	s31 =	sadd.s32 s1, s19;
	s21 =	sadd.s32 $0xC00, s8;
	[dreg:$0x5] =	wrdreg s20  }
0xd: {  	s16 =	smul.u32 $0x1C000, s14;
	s22 =	sadd.s32 $0x1800, s31;
	[dreg:$0x6] =	wrdreg s21  }
0xe: {  	s23 =	sor.u32 $0xC, s4;
	s24 =	sadd.s32 $0x1C00, s8;
	[dreg:$0x7] =	wrdreg s22  }
0xf: {  	s7 =	sshrl.u32 s25, $0x3;
	s26 =	sadd.s32 $0x2C00, s8;
	[dreg:$0x8] =	wrdreg s24  }
0x10: {  	s9 =	sadd.s32 $0x3000, s8;
	s29 =	sadd.s32 s3, s7;
	[dreg:$0x9] =	wrdreg s26  }
0x11: {  	s10 =	sshrl.u32 s6, $0x3;
	[dreg:$0xa] =	wrdreg s9;
	s11 =	sadd.s32 $0x800, s29  }
0x12: {  	s30 =	sadd.s32 s1, s10;
	s12 =	sadd.s32 $0xC00, s29;
	[dreg:$0xb] =	wrdreg s11  }
0x13: {  	s6 =	smul.u32 $0x18000, s14;
	s13 =	sadd.s32 $0x1800, s30;
	[dreg:$0xc] =	wrdreg s12  }
0x14: {  	s25 =	smul.u32 $0x1C000, s23;
	s15 =	sadd.s32 $0x1C00, s29;
	[dreg:$0xd] =	wrdreg s13  }
0x15: {  	s7 =	sshrl.u32 s16, $0x3;
	s17 =	sadd.s32 $0x2C00, s29;
	[dreg:$0xe] =	wrdreg s15  }
0x16: {  	s18 =	sadd.s32 $0x3000, s29;
	s26 =	sadd.s32 s3, s7;
	[dreg:$0xf] =	wrdreg s17  }
0x17: {  	s19 =	sshrl.u32 s6, $0x3;
	[dreg:$0x10] =	wrdreg s18;
	s20 =	sadd.s32 $0x800, s26  }
0x18: {  	s6 =	smul.u32 $0x18000, s23;
	s21 =	sadd.s32 $0xC00, s26;
	[dreg:$0x11] =	wrdreg s20  }
0x19: {  	s7 =	sshrl.u32 s25, $0x3;
	s24 =	sadd.s32 $0x1C00, s26;
	[dreg:$0x12] =	wrdreg s21  }
0x1a: {  	s28 =	sadd.s32 s1, s19;
	s9 =	sadd.s32 $0x2C00, s26;
	[dreg:$0x14] =	wrdreg s24  }
0x1b: {  	s10 =	sadd.s32 $0x3000, s26;
	s15 =	sor.u32 $0x10, s4;
	[dreg:$0x15] =	wrdreg s9  }
0x1c: {  	s22 =	sadd.s32 $0x1800, s28;
	s24 =	sadd.s32 s3, s7;
	[dreg:$0x16] =	wrdreg s10  }
0x1d: {  	s11 =	sshrl.u32 s6, $0x3;
	[dreg:$0x13] =	wrdreg s22;
	s12 =	sadd.s32 $0x800, s24  }
0x1e: {  	s17 =	smul.u32 $0x1C000, s15;
	s13 =	sadd.s32 $0xC00, s24;
	[dreg:$0x17] =	wrdreg s12  }
0x1f: {  	s6 =	smul.u32 $0x18000, s15;
	s16 =	sadd.s32 $0x1C00, s24;
	[dreg:$0x18] =	wrdreg s13  }
0x20: {  	s10 =	sor.u32 $0x14, s4;
	s18 =	sadd.s32 $0x2C00, s24;
	[dreg:$0x1a] =	wrdreg s16  }
0x21: {  	s25 =	sadd.s32 s1, s11;
	s19 =	sadd.s32 $0x3000, s24;
	[dreg:$0x1b] =	wrdreg s18  }
0x22: {  	s14 =	sadd.s32 $0x1800, s25;
	s7 =	sshrl.u32 s17, $0x3;
	[dreg:$0x1c] =	wrdreg s19  }
0x23: {  	s20 =	sshrl.u32 s6, $0x3;
	s12 =	smul.u32 $0x1C000, s10;
	s22 =	sadd.s32 s3, s7  }
0x24: {  	s6 =	smul.u32 $0x18000, s10;
	[dreg:$0x19] =	wrdreg s14;
	s21 =	sadd.s32 $0x800, s22  }
0x25: {  	s23 =	sadd.s32 s1, s20;
	s7 =	sadd.s32 $0xC00, s22;
	[dreg:$0x1d] =	wrdreg s21  }
0x26: {  	s19 =	sor.u32 $0x18, s4;
	s9 =	sadd.s32 $0x1800, s23;
	[dreg:$0x1e] =	wrdreg s7  }
0x27: {  	s11 =	sadd.s32 $0x1C00, s22;
	s13 =	sadd.s32 $0x2C00, s22;
	[dreg:$0x1f] =	wrdreg s9  }
0x28: {  	s14 =	sadd.s32 $0x3000, s22;
	s15 =	sshrl.u32 s6, $0x3;
	[smem:$0x7EC] =	sst s11  }
0x29: {  	s7 =	sshrl.u32 s12, $0x3;
	[smem:$0x7ED] =	sst s13;
	s21 =	sadd.s32 s1, s15  }
0x2a: {  	[smem:$0x7EE] =	sst s14;
	s20 =	sadd.s32 s3, s7;
	s18 =	sadd.s32 $0x1800, s21  }
0x2b: {  	s4 =	sor.u32 $0x1C, s4;
	s16 =	sadd.s32 $0x800, s20;
	[smem:$0x7F1] =	sst s18  }
0x2c: {  	s6 =	smul.u32 $0x18000, s19;
	s17 =	sadd.s32 $0xC00, s20;
	[smem:$0x7EF] =	sst s16  }
0x2d: {  	s9 =	smul.u32 $0x1C000, s19;
	s7 =	sadd.s32 $0x1C00, s20;
	[smem:$0x7F0] =	sst s17  }
0x2e: {  	s19 =	sshrl.u32 s5, $0x1;
	s10 =	sadd.s32 $0x2C00, s20;
	[smem:$0x7F2] =	sst s7  }
0x2f: {  	s12 =	sshrl.u32 s6, $0x3;
	s11 =	sadd.s32 $0x3000, s20;
	[smem:$0x7F3] =	sst s10  }
0x30: {  	s7 =	sshrl.u32 s9, $0x3;
	[smem:$0x7F4] =	sst s11;
	s10 =	sadd.s32 s1, s12  }
0x31: {  	s17 =	smul.u32 $0x1C000, s4;
	s18 =	sadd.s32 s3, s7;
	s15 =	sadd.s32 $0x1800, s10  }
0x32: {  	s4 =	smul.u32 $0x18000, s4;
	s13 =	sadd.s32 $0x800, s18;
	[smem:$0x7F7] =	sst s15  }
0x33: {  	s7 =	simm.s32 $0x3;
	s14 =	sadd.s32 $0xC00, s18;
	[smem:$0x7F5] =	sst s13  }
0x34: {  	s16 =	sadd.s32 $0x1C00, s18;
	s9 =	sadd.s32 $0x2C00, s18;
	[smem:$0x7F6] =	sst s14  }
0x35: {  	s6 =	sshrl.u32 s17, $0x3;
	s11 =	sadd.s32 $0x3000, s18;
	[smem:$0x7F8] =	sst s16  }
0x36: {  	s12 =	sshrl.u32 s4, $0x3;
	s15 =	ssub.s32 s5, s19;
	[smem:$0x7F9] =	sst s9  }
0x37: {  	s13 =	sadd.s32 s3, s6;
	[smem:$0x7FA] =	sst s11;
	s16 =	sadd.s32 s1, s12  }
0x38: {  	s19 =	smax.u32 s15, $0x1;
	s15 =	simm.s32 $0x4000;
	s9 =	simm.s32 $0xC000  }
0x39: {  	s12 =	simm.s32 $0x2;
	s11 =	simm.s32 $0x14000;
	p1 =	sne.s32 s19, $0x1  }
.Ltmp0:
0x3a: {  	s3 =	sadd.s32 $0x800, s13;
	s14 =	sadd.s32 $0xC00, s13;
	(pc) =	sbr.rel @!p1 .LBB2_5-.Ltmp0, $4  }
0x3b: {  	s17 =	sadd.s32 $0x1800, s16;
	s4 =	sadd.s32 $0x1C00, s13;
	[smem:$0x7FB] =	sst s3  }
0x3c: {  	s5 =	sadd.s32 $0x2C00, s13;
	s6 =	sadd.s32 $0x3000, s13;
	[smem:$0x7FC] =	sst s14  }
0x3d: {  	s1 =	sadd.s32 $0xFFFFFFFF, s19;
	s19 =	simm.s32 $0x1A000;
	[smem:$0x7FD] =	sst s17  }
0x3e: {  	s14 =	simm.s32 $0x18000;
	s17 =	simm.s32 $0x1;
	s3 =	simm.s32 $0x4  }
0x3f: {  	[tilespmem:s14], [sflag:$0x1] =	stream.linear.gather [hbm4b:s0+s2], $0x4000, $0x38;
	[tilespmem:$0x1C000] =	vst v63  }
0x40: {  	_ =	swait.ge [sflag:s17], $0x4000  }
0x41: {  	[sflag:s17] =	ssyncset.done $0x0  }
0x42: {  	[sflag:s17] =	ssyncadd.s32 $0xFFFFC000  }
0x43: {  	[tilespmem:s2], [sflag:$0x1] =	stream.linear.gather [hbm4b:s31+s2], $0xC000, $0x38;
	[tilespmem:$0x1C000] =	vst v63  }
0x44: {  	_ =	swait.ge [sflag:s17], $0xC000  }
0x45: {  	[sflag:s17] =	ssyncset.done $0x0  }
0x46: {  	s0 =	rddreg [dreg:$0x5];
	[sflag:s17] =	ssyncadd.s32 $0xFFFF4000  }
0x47: {  	[hbm4b:s8+s2] =	stream.linear.scatter [tilespmem:s2], [sflag:$0x3], $0x4000, $0x38;
	[tilespmem:$0x1C000] =	vst v63  }
0x48: {  	[smem:$0x7EA] =	sst s1  }
0x49: {  	[hbm4b:s0+s2] =	stream.linear.scatter [tilespmem:s14], [sflag:$0x3], $0x2000, $0x38;
	[tilespmem:$0x1C000] =	vst v63  }
0x4a: {  	s1 =	rddreg [dreg:$0x6]  }
0x4b: {  	[hbm4b:s1+s2] =	stream.linear.scatter [tilespmem:s15], [sflag:$0x3], $0x8000, $0x38;
	[tilespmem:$0x1C000] =	vst v63  }
0x4c: {  	s0 =	rddreg [dreg:$0x7]  }
0x4d: {  	[tilespmem:s9], [sflag:$0x2] =	stream.linear.gather [hbm4b:s0+s2], $0xC000, $0x38;
	[tilespmem:$0x1C000] =	vst v63  }
0x4e: {  	_ =	swait.ge [sflag:s12], $0xC000  }
0x4f: {  	[sflag:s12] =	ssyncset.done $0x0  }
0x50: {  	s0 =	rddreg [dreg:$0x8];
	[sflag:s12] =	ssyncadd.s32 $0xFFFF4000  }
0x51: {  	[hbm4b:s0+s2] =	stream.linear.scatter [tilespmem:s9], [sflag:$0x4], $0x8000, $0x38;
	[tilespmem:$0x1C000] =	vst v63  }
0x52: {  	s1 =	rddreg [dreg:$0x9]  }
0x53: {  	[hbm4b:s1+s2] =	stream.linear.scatter [tilespmem:s19], [sflag:$0x4], $0x2000, $0x38;
	[tilespmem:$0x1C000] =	vst v63  }
0x54: {  	s0 =	rddreg [dreg:$0xa]  }
0x55: {  	[hbm4b:s0+s2] =	stream.linear.scatter [tilespmem:s11], [sflag:$0x4], $0x4000, $0x38;
	[tilespmem:$0x1C000] =	vst v63  }
0x56: {  	_ =	swait.ge [sflag:s7], $0x4000  }
0x57: {  	[sflag:s7] =	ssyncset.done $0x0  }
0x58: {  	[sflag:s7] =	ssyncadd.s32 $0xFFFFC000  }
0x59: {  	_ =	swait.ge [sflag:s7], $0x2000  }
0x5a: {  	[sflag:s7] =	ssyncset.done $0x0  }
0x5b: {  	[sflag:s7] =	ssyncadd.s32 $0xFFFFE000  }
0x5c: {  	_ =	swait.ge [sflag:s7], $0x8000  }
0x5d: {  	[sflag:s7] =	ssyncset.done $0x0  }
0x5e: {  	[sflag:s7] =	ssyncadd.s32 $0xFFFF8000  }
0x5f: {  	[tilespmem:s2], [sflag:$0x1] =	stream.linear.gather [hbm4b:s30+s2], $0xC000, $0x38;
	[tilespmem:$0x1C000] =	vst v63  }
0x60: {  	_ =	swait.ge [sflag:s17], $0xC000  }
0x61: {  	[sflag:s17] =	ssyncset.done $0x0  }
0x62: {  	[sflag:s17] =	ssyncadd.s32 $0xFFFF4000  }
0x63: {  	[hbm4b:s29+s2] =	stream.linear.scatter [tilespmem:s2], [sflag:$0x3], $0x4000, $0x38;
	[tilespmem:$0x1C000] =	vst v63  }
0x64: {  	s0 =	rddreg [dreg:$0xb]  }
0x65: {  	[hbm4b:s0+s2] =	stream.linear.scatter [tilespmem:s14], [sflag:$0x3], $0x2000, $0x38;
	[tilespmem:$0x1C000] =	vst v63  }
0x66: {  	s1 =	rddreg [dreg:$0xc]  }
0x67: {  	[hbm4b:s1+s2] =	stream.linear.scatter [tilespmem:s15], [sflag:$0x3], $0x8000, $0x38;
	[tilespmem:$0x1C000] =	vst v63  }
0x68: {  	_ =	swait.ge [sflag:s3], $0x8000  }
0x69: {  	[sflag:s3] =	ssyncset.done $0x0  }
0x6a: {  	[sflag:s3] =	ssyncadd.s32 $0xFFFF8000  }
0x6b: {  	_ =	swait.ge [sflag:s3], $0x2000  }
0x6c: {  	[sflag:s3] =	ssyncset.done $0x0  }
0x6d: {  	[sflag:s3] =	ssyncadd.s32 $0xFFFFE000  }
0x6e: {  	_ =	swait.ge [sflag:s3], $0x4000  }
0x6f: {  	[sflag:s3] =	ssyncset.done $0x0  }
0x70: {  	s1 =	rddreg [dreg:$0xd];
	[sflag:s3] =	ssyncadd.s32 $0xFFFFC000  }
0x71: {  	[tilespmem:s9], [sflag:$0x2] =	stream.linear.gather [hbm4b:s1+s2], $0xC000, $0x38;
	[tilespmem:$0x1C000] =	vst v63  }
0x72: {  	_ =	swait.ge [sflag:s12], $0xC000  }
0x73: {  	[sflag:s12] =	ssyncset.done $0x0  }
0x74: {  	s0 =	rddreg [dreg:$0xe];
	[sflag:s12] =	ssyncadd.s32 $0xFFFF4000  }
0x75: {  	[hbm4b:s0+s2] =	stream.linear.scatter [tilespmem:s9], [sflag:$0x4], $0x8000, $0x38;
	[tilespmem:$0x1C000] =	vst v63  }
0x76: {  	s1 =	rddreg [dreg:$0xf]  }
0x77: {  	[hbm4b:s1+s2] =	stream.linear.scatter [tilespmem:s19], [sflag:$0x4], $0x2000, $0x38;
	[tilespmem:$0x1C000] =	vst v63  }
0x78: {  	s0 =	rddreg [dreg:$0x10]  }
0x79: {  	[hbm4b:s0+s2] =	stream.linear.scatter [tilespmem:s11], [sflag:$0x4], $0x4000, $0x38;
	[tilespmem:$0x1C000] =	vst v63  }
0x7a: {  	_ =	swait.ge [sflag:s7], $0x4000  }
0x7b: {  	[sflag:s7] =	ssyncset.done $0x0  }
0x7c: {  	[sflag:s7] =	ssyncadd.s32 $0xFFFFC000  }
0x7d: {  	_ =	swait.ge [sflag:s7], $0x2000  }
0x7e: {  	[sflag:s7] =	ssyncset.done $0x0  }
0x7f: {  	[sflag:s7] =	ssyncadd.s32 $0xFFFFE000  }
0x80: {  	_ =	swait.ge [sflag:s7], $0x8000  }
0x81: {  	[sflag:s7] =	ssyncset.done $0x0  }
0x82: {  	[sflag:s7] =	ssyncadd.s32 $0xFFFF8000  }
0x83: {  	[tilespmem:s2], [sflag:$0x1] =	stream.linear.gather [hbm4b:s28+s2], $0xC000, $0x38;
	[tilespmem:$0x1C000] =	vst v63  }
0x84: {  	_ =	swait.ge [sflag:s17], $0xC000  }
0x85: {  	[sflag:s17] =	ssyncset.done $0x0  }
0x86: {  	[sflag:s17] =	ssyncadd.s32 $0xFFFF4000  }
0x87: {  	[hbm4b:s26+s2] =	stream.linear.scatter [tilespmem:s2], [sflag:$0x3], $0x4000, $0x38;
	[tilespmem:$0x1C000] =	vst v63  }
0x88: {  	s0 =	rddreg [dreg:$0x11]  }
0x89: {  	[hbm4b:s0+s2] =	stream.linear.scatter [tilespmem:s14], [sflag:$0x3], $0x2000, $0x38;
	[tilespmem:$0x1C000] =	vst v63  }
0x8a: {  	s1 =	rddreg [dreg:$0x12]  }
0x8b: {  	[hbm4b:s1+s2] =	stream.linear.scatter [tilespmem:s15], [sflag:$0x3], $0x8000, $0x38;
	[tilespmem:$0x1C000] =	vst v63  }
0x8c: {  	_ =	swait.ge [sflag:s3], $0x8000  }
0x8d: {  	[sflag:s3] =	ssyncset.done $0x0  }
0x8e: {  	[sflag:s3] =	ssyncadd.s32 $0xFFFF8000  }
0x8f: {  	_ =	swait.ge [sflag:s3], $0x2000  }
0x90: {  	[sflag:s3] =	ssyncset.done $0x0  }
0x91: {  	[sflag:s3] =	ssyncadd.s32 $0xFFFFE000  }
0x92: {  	_ =	swait.ge [sflag:s3], $0x4000  }
0x93: {  	[sflag:s3] =	ssyncset.done $0x0  }
0x94: {  	s1 =	rddreg [dreg:$0x13];
	[sflag:s3] =	ssyncadd.s32 $0xFFFFC000  }
0x95: {  	[tilespmem:s9], [sflag:$0x2] =	stream.linear.gather [hbm4b:s1+s2], $0xC000, $0x38;
	[tilespmem:$0x1C000] =	vst v63  }
0x96: {  	_ =	swait.ge [sflag:s12], $0xC000  }
0x97: {  	[sflag:s12] =	ssyncset.done $0x0  }
0x98: {  	s0 =	rddreg [dreg:$0x14];
	[sflag:s12] =	ssyncadd.s32 $0xFFFF4000  }
0x99: {  	[hbm4b:s0+s2] =	stream.linear.scatter [tilespmem:s9], [sflag:$0x4], $0x8000, $0x38;
	[tilespmem:$0x1C000] =	vst v63  }
0x9a: {  	s1 =	rddreg [dreg:$0x15]  }
0x9b: {  	[hbm4b:s1+s2] =	stream.linear.scatter [tilespmem:s19], [sflag:$0x4], $0x2000, $0x38;
	[tilespmem:$0x1C000] =	vst v63  }
0x9c: {  	s0 =	rddreg [dreg:$0x16]  }
0x9d: {  	[hbm4b:s0+s2] =	stream.linear.scatter [tilespmem:s11], [sflag:$0x4], $0x4000, $0x38;
	[tilespmem:$0x1C000] =	vst v63  }
0x9e: {  	_ =	swait.ge [sflag:s7], $0x4000  }
0x9f: {  	[sflag:s7] =	ssyncset.done $0x0  }
0xa0: {  	[sflag:s7] =	ssyncadd.s32 $0xFFFFC000  }
0xa1: {  	_ =	swait.ge [sflag:s7], $0x2000  }
0xa2: {  	[sflag:s7] =	ssyncset.done $0x0  }
0xa3: {  	[sflag:s7] =	ssyncadd.s32 $0xFFFFE000  }
0xa4: {  	_ =	swait.ge [sflag:s7], $0x8000  }
0xa5: {  	[sflag:s7] =	ssyncset.done $0x0  }
0xa6: {  	[sflag:s7] =	ssyncadd.s32 $0xFFFF8000  }
0xa7: {  	[tilespmem:s2], [sflag:$0x1] =	stream.linear.gather [hbm4b:s25+s2], $0xC000, $0x38;
	[tilespmem:$0x1C000] =	vst v63  }
0xa8: {  	_ =	swait.ge [sflag:s17], $0xC000  }
0xa9: {  	[sflag:s17] =	ssyncset.done $0x0  }
0xaa: {  	[sflag:s17] =	ssyncadd.s32 $0xFFFF4000  }
0xab: {  	[hbm4b:s24+s2] =	stream.linear.scatter [tilespmem:s2], [sflag:$0x3], $0x4000, $0x38;
	[tilespmem:$0x1C000] =	vst v63  }
0xac: {  	s0 =	rddreg [dreg:$0x17]  }
0xad: {  	[hbm4b:s0+s2] =	stream.linear.scatter [tilespmem:s14], [sflag:$0x3], $0x2000, $0x38;
	[tilespmem:$0x1C000] =	vst v63  }
0xae: {  	s1 =	rddreg [dreg:$0x18]  }
0xaf: {  	[hbm4b:s1+s2] =	stream.linear.scatter [tilespmem:s15], [sflag:$0x3], $0x8000, $0x38;
	[tilespmem:$0x1C000] =	vst v63  }
0xb0: {  	_ =	swait.ge [sflag:s3], $0x8000  }
0xb1: {  	[sflag:s3] =	ssyncset.done $0x0  }
0xb2: {  	[sflag:s3] =	ssyncadd.s32 $0xFFFF8000  }
0xb3: {  	_ =	swait.ge [sflag:s3], $0x2000  }
0xb4: {  	[sflag:s3] =	ssyncset.done $0x0  }
0xb5: {  	[sflag:s3] =	ssyncadd.s32 $0xFFFFE000  }
0xb6: {  	_ =	swait.ge [sflag:s3], $0x4000  }
0xb7: {  	[sflag:s3] =	ssyncset.done $0x0  }
0xb8: {  	s1 =	rddreg [dreg:$0x19];
	[sflag:s3] =	ssyncadd.s32 $0xFFFFC000  }
0xb9: {  	[tilespmem:s9], [sflag:$0x2] =	stream.linear.gather [hbm4b:s1+s2], $0xC000, $0x38;
	[tilespmem:$0x1C000] =	vst v63  }
0xba: {  	_ =	swait.ge [sflag:s12], $0xC000  }
0xbb: {  	[sflag:s12] =	ssyncset.done $0x0  }
0xbc: {  	s0 =	rddreg [dreg:$0x1a];
	[sflag:s12] =	ssyncadd.s32 $0xFFFF4000  }
0xbd: {  	[hbm4b:s0+s2] =	stream.linear.scatter [tilespmem:s9], [sflag:$0x4], $0x8000, $0x38;
	[tilespmem:$0x1C000] =	vst v63  }
0xbe: {  	s1 =	rddreg [dreg:$0x1b]  }
0xbf: {  	[hbm4b:s1+s2] =	stream.linear.scatter [tilespmem:s19], [sflag:$0x4], $0x2000, $0x38;
	[tilespmem:$0x1C000] =	vst v63  }
0xc0: {  	s0 =	rddreg [dreg:$0x1c]  }
0xc1: {  	[hbm4b:s0+s2] =	stream.linear.scatter [tilespmem:s11], [sflag:$0x4], $0x4000, $0x38;
	[tilespmem:$0x1C000] =	vst v63  }
0xc2: {  	_ =	swait.ge [sflag:s7], $0x4000  }
0xc3: {  	[sflag:s7] =	ssyncset.done $0x0  }
0xc4: {  	[sflag:s7] =	ssyncadd.s32 $0xFFFFC000  }
0xc5: {  	_ =	swait.ge [sflag:s7], $0x2000  }
0xc6: {  	[sflag:s7] =	ssyncset.done $0x0  }
0xc7: {  	[sflag:s7] =	ssyncadd.s32 $0xFFFFE000  }
0xc8: {  	_ =	swait.ge [sflag:s7], $0x8000  }
0xc9: {  	[sflag:s7] =	ssyncset.done $0x0  }
0xca: {  	[sflag:s7] =	ssyncadd.s32 $0xFFFF8000  }
0xcb: {  	[tilespmem:s2], [sflag:$0x1] =	stream.linear.gather [hbm4b:s23+s2], $0xC000, $0x38;
	[tilespmem:$0x1C000] =	vst v63  }
0xcc: {  	_ =	swait.ge [sflag:s17], $0xC000  }
0xcd: {  	[sflag:s17] =	ssyncset.done $0x0  }
0xce: {  	[sflag:s17] =	ssyncadd.s32 $0xFFFF4000  }
0xcf: {  	[hbm4b:s22+s2] =	stream.linear.scatter [tilespmem:s2], [sflag:$0x3], $0x4000, $0x38;
	[tilespmem:$0x1C000] =	vst v63  }
0xd0: {  	s0 =	rddreg [dreg:$0x1d]  }
0xd1: {  	[hbm4b:s0+s2] =	stream.linear.scatter [tilespmem:s14], [sflag:$0x3], $0x2000, $0x38;
	[tilespmem:$0x1C000] =	vst v63  }
0xd2: {  	s1 =	rddreg [dreg:$0x1e]  }
0xd3: {  	[hbm4b:s1+s2] =	stream.linear.scatter [tilespmem:s15], [sflag:$0x3], $0x8000, $0x38;
	[tilespmem:$0x1C000] =	vst v63  }
0xd4: {  	_ =	swait.ge [sflag:s3], $0x8000  }
0xd5: {  	[sflag:s3] =	ssyncset.done $0x0  }
0xd6: {  	[sflag:s3] =	ssyncadd.s32 $0xFFFF8000  }
0xd7: {  	_ =	swait.ge [sflag:s3], $0x2000  }
0xd8: {  	[sflag:s3] =	ssyncset.done $0x0  }
0xd9: {  	[sflag:s3] =	ssyncadd.s32 $0xFFFFE000  }
0xda: {  	_ =	swait.ge [sflag:s3], $0x4000  }
0xdb: {  	[sflag:s3] =	ssyncset.done $0x0  }
0xdc: {  	s1 =	rddreg [dreg:$0x1f];
	[sflag:s3] =	ssyncadd.s32 $0xFFFFC000  }
0xdd: {  	[tilespmem:s9], [sflag:$0x2] =	stream.linear.gather [hbm4b:s1+s2], $0xC000, $0x38;
	[tilespmem:$0x1C000] =	vst v63  }
0xde: {  	_ =	swait.ge [sflag:s12], $0xC000  }
0xdf: {  	s0 =	sld [smem:$0x7EC]  }
0xe0: {  	[sflag:s12] =	ssyncset.done $0x0  }
0xe1: {  	s1 =	sld [smem:$0x7ED];
	[sflag:s12] =	ssyncadd.s32 $0xFFFF4000  }
0xe2: {  	[hbm4b:s0+s2] =	stream.linear.scatter [tilespmem:s9], [sflag:$0x4], $0x8000, $0x38;
	[tilespmem:$0x1C000] =	vst v63  }
0xe3: {  	s0 =	sld [smem:$0x7EE]  }
0xe4: {  	[hbm4b:s1+s2] =	stream.linear.scatter [tilespmem:s19], [sflag:$0x4], $0x2000, $0x38;
	[tilespmem:$0x1C000] =	vst v63  }
0xe5: {  	_ = 	snop  }
0xe6: {  	[hbm4b:s0+s2] =	stream.linear.scatter [tilespmem:s11], [sflag:$0x4], $0x4000, $0x38;
	[tilespmem:$0x1C000] =	vst v63  }
0xe7: {  	_ =	swait.ge [sflag:s7], $0x4000  }
0xe8: {  	[sflag:s7] =	ssyncset.done $0x0  }
0xe9: {  	[sflag:s7] =	ssyncadd.s32 $0xFFFFC000  }
0xea: {  	_ =	swait.ge [sflag:s7], $0x2000  }
0xeb: {  	[sflag:s7] =	ssyncset.done $0x0  }
0xec: {  	[sflag:s7] =	ssyncadd.s32 $0xFFFFE000  }
0xed: {  	_ =	swait.ge [sflag:s7], $0x8000  }
0xee: {  	[sflag:s7] =	ssyncset.done $0x0  }
0xef: {  	[sflag:s7] =	ssyncadd.s32 $0xFFFF8000  }
0xf0: {  	[tilespmem:s2], [sflag:$0x1] =	stream.linear.gather [hbm4b:s21+s2], $0xC000, $0x38;
	[tilespmem:$0x1C000] =	vst v63  }
0xf1: {  	_ =	swait.ge [sflag:s17], $0xC000  }
0xf2: {  	[sflag:s17] =	ssyncset.done $0x0  }
0xf3: {  	s0 =	sld [smem:$0x7EF];
	[sflag:s17] =	ssyncadd.s32 $0xFFFF4000  }
0xf4: {  	[hbm4b:s20+s2] =	stream.linear.scatter [tilespmem:s2], [sflag:$0x3], $0x4000, $0x38;
	[tilespmem:$0x1C000] =	vst v63  }
0xf5: {  	s1 =	sld [smem:$0x7F0]  }
0xf6: {  	[hbm4b:s0+s2] =	stream.linear.scatter [tilespmem:s14], [sflag:$0x3], $0x2000, $0x38;
	[tilespmem:$0x1C000] =	vst v63  }
0xf7: {  	_ = 	snop  }
0xf8: {  	[hbm4b:s1+s2] =	stream.linear.scatter [tilespmem:s15], [sflag:$0x3], $0x8000, $0x38;
	[tilespmem:$0x1C000] =	vst v63  }
0xf9: {  	_ =	swait.ge [sflag:s3], $0x8000  }
0xfa: {  	[sflag:s3] =	ssyncset.done $0x0  }
0xfb: {  	[sflag:s3] =	ssyncadd.s32 $0xFFFF8000  }
0xfc: {  	_ =	swait.ge [sflag:s3], $0x2000  }
0xfd: {  	[sflag:s3] =	ssyncset.done $0x0  }
0xfe: {  	[sflag:s3] =	ssyncadd.s32 $0xFFFFE000  }
0xff: {  	_ =	swait.ge [sflag:s3], $0x4000  }
0x100: {  	s1 =	sld [smem:$0x7F1]  }
0x101: {  	[sflag:s3] =	ssyncset.done $0x0  }
0x102: {  	[sflag:s3] =	ssyncadd.s32 $0xFFFFC000  }
0x103: {  	[tilespmem:s9], [sflag:$0x2] =	stream.linear.gather [hbm4b:s1+s2], $0xC000, $0x38;
	[tilespmem:$0x1C000] =	vst v63  }
0x104: {  	_ =	swait.ge [sflag:s12], $0xC000  }
0x105: {  	s0 =	sld [smem:$0x7F2]  }
0x106: {  	[sflag:s12] =	ssyncset.done $0x0  }
0x107: {  	s1 =	sld [smem:$0x7F3];
	[sflag:s12] =	ssyncadd.s32 $0xFFFF4000  }
0x108: {  	[hbm4b:s0+s2] =	stream.linear.scatter [tilespmem:s9], [sflag:$0x4], $0x8000, $0x38;
	[tilespmem:$0x1C000] =	vst v63  }
0x109: {  	s0 =	sld [smem:$0x7F4]  }
0x10a: {  	[hbm4b:s1+s2] =	stream.linear.scatter [tilespmem:s19], [sflag:$0x4], $0x2000, $0x38;
	[tilespmem:$0x1C000] =	vst v63  }
0x10b: {  	_ = 	snop  }
0x10c: {  	[hbm4b:s0+s2] =	stream.linear.scatter [tilespmem:s11], [sflag:$0x4], $0x4000, $0x38;
	[tilespmem:$0x1C000] =	vst v63  }
0x10d: {  	_ =	swait.ge [sflag:s7], $0x4000  }
0x10e: {  	[sflag:s7] =	ssyncset.done $0x0  }
0x10f: {  	[sflag:s7] =	ssyncadd.s32 $0xFFFFC000  }
0x110: {  	_ =	swait.ge [sflag:s7], $0x2000  }
0x111: {  	[sflag:s7] =	ssyncset.done $0x0  }
0x112: {  	[sflag:s7] =	ssyncadd.s32 $0xFFFFE000  }
0x113: {  	_ =	swait.ge [sflag:s7], $0x8000  }
0x114: {  	[sflag:s7] =	ssyncset.done $0x0  }
0x115: {  	[sflag:s7] =	ssyncadd.s32 $0xFFFF8000  }
0x116: {  	[tilespmem:s2], [sflag:$0x1] =	stream.linear.gather [hbm4b:s10+s2], $0xC000, $0x38;
	[tilespmem:$0x1C000] =	vst v63  }
0x117: {  	_ =	swait.ge [sflag:s17], $0xC000  }
0x118: {  	[sflag:s17] =	ssyncset.done $0x0  }
0x119: {  	s0 =	sld [smem:$0x7F5];
	[sflag:s17] =	ssyncadd.s32 $0xFFFF4000  }
0x11a: {  	[hbm4b:s18+s2] =	stream.linear.scatter [tilespmem:s2], [sflag:$0x3], $0x4000, $0x38;
	[tilespmem:$0x1C000] =	vst v63  }
0x11b: {  	s1 =	sld [smem:$0x7F6]  }
0x11c: {  	[hbm4b:s0+s2] =	stream.linear.scatter [tilespmem:s14], [sflag:$0x3], $0x2000, $0x38;
	[tilespmem:$0x1C000] =	vst v63  }
0x11d: {  	_ = 	snop  }
0x11e: {  	[hbm4b:s1+s2] =	stream.linear.scatter [tilespmem:s15], [sflag:$0x3], $0x8000, $0x38;
	[tilespmem:$0x1C000] =	vst v63  }
0x11f: {  	_ =	swait.ge [sflag:s3], $0x8000  }
0x120: {  	[sflag:s3] =	ssyncset.done $0x0  }
0x121: {  	[sflag:s3] =	ssyncadd.s32 $0xFFFF8000  }
0x122: {  	_ =	swait.ge [sflag:s3], $0x2000  }
0x123: {  	[sflag:s3] =	ssyncset.done $0x0  }
0x124: {  	[sflag:s3] =	ssyncadd.s32 $0xFFFFE000  }
0x125: {  	_ =	swait.ge [sflag:s3], $0x4000  }
0x126: {  	s1 =	sld [smem:$0x7F7]  }
0x127: {  	[sflag:s3] =	ssyncset.done $0x0  }
0x128: {  	[sflag:s3] =	ssyncadd.s32 $0xFFFFC000  }
0x129: {  	[tilespmem:s9], [sflag:$0x2] =	stream.linear.gather [hbm4b:s1+s2], $0xC000, $0x38;
	[tilespmem:$0x1C000] =	vst v63  }
0x12a: {  	_ =	swait.ge [sflag:s12], $0xC000  }
0x12b: {  	s0 =	sld [smem:$0x7F8]  }
0x12c: {  	[sflag:s12] =	ssyncset.done $0x0  }
0x12d: {  	s1 =	sld [smem:$0x7F9];
	[sflag:s12] =	ssyncadd.s32 $0xFFFF4000  }
0x12e: {  	[hbm4b:s0+s2] =	stream.linear.scatter [tilespmem:s9], [sflag:$0x4], $0x8000, $0x38;
	[tilespmem:$0x1C000] =	vst v63  }
0x12f: {  	s0 =	sld [smem:$0x7FA]  }
0x130: {  	[hbm4b:s1+s2] =	stream.linear.scatter [tilespmem:s19], [sflag:$0x4], $0x2000, $0x38;
	[tilespmem:$0x1C000] =	vst v63  }
0x131: {  	_ = 	snop  }
0x132: {  	[hbm4b:s0+s2] =	stream.linear.scatter [tilespmem:s11], [sflag:$0x4], $0x4000, $0x38;
	[tilespmem:$0x1C000] =	vst v63  }
0x133: {  	_ =	swait.ge [sflag:s7], $0x4000  }
0x134: {  	[sflag:s7] =	ssyncset.done $0x0  }
0x135: {  	[sflag:s7] =	ssyncadd.s32 $0xFFFFC000  }
0x136: {  	_ =	swait.ge [sflag:s7], $0x2000  }
0x137: {  	[sflag:s7] =	ssyncset.done $0x0  }
0x138: {  	[sflag:s7] =	ssyncadd.s32 $0xFFFFE000  }
0x139: {  	_ =	swait.ge [sflag:s7], $0x8000  }
0x13a: {  	[sflag:s7] =	ssyncset.done $0x0  }
0x13b: {  	[sflag:s7] =	ssyncadd.s32 $0xFFFF8000  }
0x13c: {  	[tilespmem:s2], [sflag:$0x1] =	stream.linear.gather [hbm4b:s16+s2], $0xC000, $0x38;
	[tilespmem:$0x1C000] =	vst v63  }
0x13d: {  	_ =	swait.ge [sflag:s17], $0xC000  }
0x13e: {  	[sflag:s17] =	ssyncset.done $0x0  }
0x13f: {  	s0 =	sld [smem:$0x7FB];
	[sflag:s17] =	ssyncadd.s32 $0xFFFF4000  }
0x140: {  	[hbm4b:s13+s2] =	stream.linear.scatter [tilespmem:s2], [sflag:$0x3], $0x4000, $0x38;
	[tilespmem:$0x1C000] =	vst v63  }
0x141: {  	s1 =	sld [smem:$0x7FC]  }
0x142: {  	[hbm4b:s0+s2] =	stream.linear.scatter [tilespmem:s14], [sflag:$0x3], $0x2000, $0x38;
	[tilespmem:$0x1C000] =	vst v63  }
0x143: {  	_ = 	snop  }
0x144: {  	[hbm4b:s1+s2] =	stream.linear.scatter [tilespmem:s15], [sflag:$0x3], $0x8000, $0x38;
	[tilespmem:$0x1C000] =	vst v63  }
0x145: {  	_ =	swait.ge [sflag:s3], $0x8000  }
0x146: {  	[sflag:s3] =	ssyncset.done $0x0  }
0x147: {  	[sflag:s3] =	ssyncadd.s32 $0xFFFF8000  }
0x148: {  	_ =	swait.ge [sflag:s3], $0x2000  }
0x149: {  	[sflag:s3] =	ssyncset.done $0x0  }
0x14a: {  	[sflag:s3] =	ssyncadd.s32 $0xFFFFE000  }
0x14b: {  	_ =	swait.ge [sflag:s3], $0x4000  }
0x14c: {  	s1 =	sld [smem:$0x7FD]  }
0x14d: {  	[sflag:s3] =	ssyncset.done $0x0  }
0x14e: {  	[sflag:s3] =	ssyncadd.s32 $0xFFFFC000  }
0x14f: {  	[tilespmem:s9], [sflag:$0x2] =	stream.linear.gather [hbm4b:s1+s2], $0xC000, $0x38;
	[tilespmem:$0x1C000] =	vst v63  }
0x150: {  	_ =	swait.ge [sflag:s12], $0xC000  }
0x151: {  	[sflag:s12] =	ssyncset.done $0x0  }
0x152: {  	[sflag:s12] =	ssyncadd.s32 $0xFFFF4000  }
0x153: {  	[hbm4b:s4+s2] =	stream.linear.scatter [tilespmem:s9], [sflag:$0x4], $0x8000, $0x38;
	[tilespmem:$0x1C000] =	vst v63  }
0x154: {  	_ = 	snop  }
0x155: {  	[hbm4b:s5+s2] =	stream.linear.scatter [tilespmem:s19], [sflag:$0x4], $0x2000, $0x38;
	[tilespmem:$0x1C000] =	vst v63  }
0x156: {  	_ = 	snop  }
0x157: {  	[hbm4b:s6+s2] =	stream.linear.scatter [tilespmem:s11], [sflag:$0x4], $0x4000, $0x38;
	[tilespmem:$0x1C000] =	vst v63  }
0x158: {  	_ =	swait.ge [sflag:s7], $0x4000  }
0x159: {  	[sflag:s7] =	ssyncset.done $0x0  }
0x15a: {  	[sflag:s7] =	ssyncadd.s32 $0xFFFFC000  }
0x15b: {  	_ =	swait.ge [sflag:s7], $0x2000  }
0x15c: {  	[sflag:s7] =	ssyncset.done $0x0  }
0x15d: {  	[sflag:s7] =	ssyncadd.s32 $0xFFFFE000  }
0x15e: {  	_ =	swait.ge [sflag:s7], $0x8000  }
0x15f: {  	[sflag:s7] =	ssyncset.done $0x0  }
0x160: {  	[sflag:s7] =	ssyncadd.s32 $0xFFFF8000  }
0x161: {  	_ =	swait.ge [sflag:s3], $0x8000  }
0x162: {  	[sflag:s3] =	ssyncset.done $0x0  }
0x163: {  	[sflag:s3] =	ssyncadd.s32 $0xFFFF8000  }
0x164: {  	_ =	swait.ge [sflag:s3], $0x2000  }
0x165: {  	s1 =	sld [smem:$0x7EA];
	_ =	sdelay $0x2  }
0x166: {  	p1 =	sne.s32 s1, $0x1  }
.Ltmp1:
0x167: {  	[sflag:s3] =	ssyncset.done $0x0;
	(pc) =	sbr.rel @!p1 .LBB2_2-.Ltmp1, $4  }
0x168: {  	[sflag:s3] =	ssyncadd.s32 $0xFFFFE000  }
0x169: {  	_ =	swait.ge [sflag:s3], $0x4000  }
0x16a: {  	p0 =	por $0x1, $0x1;
	s0 =	rddreg [dreg:$0x4]  }
0x16b: {  	s1 =	sadd.s32 $0xFFFFFFFF, s1;
	[sflag:s3] =	ssyncset.done $0x0;
	[smem:$0x7EB] =	sst s10  }
.LBB2_3:
0x16c: {  	[sflag:s3] =	ssyncadd.s32 $0xFFFFC000  }
0x16d: {  	[tilespmem:s14], [sflag:$0x1] =	stream.linear.gather [hbm4b:s0+s2], $0x4000, $0x38;
	[tilespmem:$0x1C000] =	vst v63  }
0x16e: {  	_ =	swait.ge [sflag:s17], $0x4000  }
0x16f: {  	[sflag:s17] =	ssyncset.done $0x0  }
0x170: {  	[sflag:s17] =	ssyncadd.s32 $0xFFFFC000  }
0x171: {  	[tilespmem:s2], [sflag:$0x1] =	stream.linear.gather [hbm4b:s31+s2], $0xC000, $0x38;
	[tilespmem:$0x1C000] =	vst v63  }
0x172: {  	_ =	swait.ge [sflag:s17], $0xC000  }
0x173: {  	[sflag:s17] =	ssyncset.done $0x0  }
0x174: {  	s10 =	smov.u32 s31;
	[sflag:s17] =	ssyncadd.s32 $0xFFFF4000  }
0x175: {  	[hbm4b:s8+s2] =	stream.linear.scatter [tilespmem:s2], [sflag:$0x3], $0x4000, $0x38;
	[tilespmem:$0x1C000] =	vst v63  }
0x176: {  	s31 =	smov.u32 s8;
	s0 =	rddreg [dreg:$0x5];
	s8 =	smov.u32 s6  }
0x177: {  	[hbm4b:s0+s2] =	stream.linear.scatter [tilespmem:s14], [sflag:$0x3], $0x2000, $0x38;
	[tilespmem:$0x1C000] =	vst v63  }
0x178: {  	s6 =	smov.u32 s5;
	s5 =	smov.u32 s4;
	s4 =	rddreg [dreg:$0x6]  }
0x179: {  	[hbm4b:s4+s2] =	stream.linear.scatter [tilespmem:s15], [sflag:$0x3], $0x8000, $0x38;
	[tilespmem:$0x1C000] =	vst v63  }
0x17a: {  	s0 =	rddreg [dreg:$0x7]  }
0x17b: {  	[tilespmem:s9], [sflag:$0x2] =	stream.linear.gather [hbm4b:s0+s2], $0xC000, $0x38;
	[tilespmem:$0x1C000] =	vst v63  }
0x17c: {  	_ =	swait.ge [sflag:s12], $0xC000  }
0x17d: {  	[sflag:s12] =	ssyncset.done $0x0  }
0x17e: {  	s0 =	rddreg [dreg:$0x8];
	[sflag:s12] =	ssyncadd.s32 $0xFFFF4000  }
0x17f: {  	[hbm4b:s0+s2] =	stream.linear.scatter [tilespmem:s9], [sflag:$0x4], $0x8000, $0x38;
	[tilespmem:$0x1C000] =	vst v63  }
0x180: {  	s4 =	rddreg [dreg:$0x9]  }
0x181: {  	[hbm4b:s4+s2] =	stream.linear.scatter [tilespmem:s19], [sflag:$0x4], $0x2000, $0x38;
	[tilespmem:$0x1C000] =	vst v63  }
0x182: {  	s0 =	rddreg [dreg:$0xa]  }
0x183: {  	[hbm4b:s0+s2] =	stream.linear.scatter [tilespmem:s11], [sflag:$0x4], $0x4000, $0x38;
	[tilespmem:$0x1C000] =	vst v63  }
0x184: {  	_ =	swait.ge [sflag:s7], $0x4000  }
0x185: {  	[sflag:s7] =	ssyncset.done $0x0  }
0x186: {  	[sflag:s7] =	ssyncadd.s32 $0xFFFFC000  }
0x187: {  	_ =	swait.ge [sflag:s7], $0x2000  }
0x188: {  	[sflag:s7] =	ssyncset.done $0x0  }
0x189: {  	[sflag:s7] =	ssyncadd.s32 $0xFFFFE000  }
0x18a: {  	_ =	swait.ge [sflag:s7], $0x8000  }
0x18b: {  	[sflag:s7] =	ssyncset.done $0x0  }
0x18c: {  	[sflag:s7] =	ssyncadd.s32 $0xFFFF8000  }
0x18d: {  	[tilespmem:s2], [sflag:$0x1] =	stream.linear.gather [hbm4b:s30+s2], $0xC000, $0x38;
	[tilespmem:$0x1C000] =	vst v63  }
0x18e: {  	_ =	swait.ge [sflag:s17], $0xC000  }
0x18f: {  	[sflag:s17] =	ssyncset.done $0x0  }
0x190: {  	[sflag:s17] =	ssyncadd.s32 $0xFFFF4000  }
0x191: {  	[hbm4b:s29+s2] =	stream.linear.scatter [tilespmem:s2], [sflag:$0x3], $0x4000, $0x38;
	[tilespmem:$0x1C000] =	vst v63  }
0x192: {  	s0 =	rddreg [dreg:$0xb]  }
0x193: {  	[hbm4b:s0+s2] =	stream.linear.scatter [tilespmem:s14], [sflag:$0x3], $0x2000, $0x38;
	[tilespmem:$0x1C000] =	vst v63  }
0x194: {  	s4 =	rddreg [dreg:$0xc]  }
0x195: {  	[hbm4b:s4+s2] =	stream.linear.scatter [tilespmem:s15], [sflag:$0x3], $0x8000, $0x38;
	[tilespmem:$0x1C000] =	vst v63  }
0x196: {  	_ =	swait.ge [sflag:s3], $0x8000  }
0x197: {  	[sflag:s3] =	ssyncset.done $0x0  }
0x198: {  	[sflag:s3] =	ssyncadd.s32 $0xFFFF8000  }
0x199: {  	_ =	swait.ge [sflag:s3], $0x2000  }
0x19a: {  	[sflag:s3] =	ssyncset.done $0x0  }
0x19b: {  	[sflag:s3] =	ssyncadd.s32 $0xFFFFE000  }
0x19c: {  	_ =	swait.ge [sflag:s3], $0x4000  }
0x19d: {  	[sflag:s3] =	ssyncset.done $0x0  }
0x19e: {  	s4 =	rddreg [dreg:$0xd];
	[sflag:s3] =	ssyncadd.s32 $0xFFFFC000  }
0x19f: {  	[tilespmem:s9], [sflag:$0x2] =	stream.linear.gather [hbm4b:s4+s2], $0xC000, $0x38;
	[tilespmem:$0x1C000] =	vst v63  }
0x1a0: {  	_ =	swait.ge [sflag:s12], $0xC000  }
0x1a1: {  	[sflag:s12] =	ssyncset.done $0x0  }
0x1a2: {  	s0 =	rddreg [dreg:$0xe];
	[sflag:s12] =	ssyncadd.s32 $0xFFFF4000  }
0x1a3: {  	[hbm4b:s0+s2] =	stream.linear.scatter [tilespmem:s9], [sflag:$0x4], $0x8000, $0x38;
	[tilespmem:$0x1C000] =	vst v63  }
0x1a4: {  	s4 =	rddreg [dreg:$0xf]  }
0x1a5: {  	[hbm4b:s4+s2] =	stream.linear.scatter [tilespmem:s19], [sflag:$0x4], $0x2000, $0x38;
	[tilespmem:$0x1C000] =	vst v63  }
0x1a6: {  	s0 =	rddreg [dreg:$0x10]  }
0x1a7: {  	[hbm4b:s0+s2] =	stream.linear.scatter [tilespmem:s11], [sflag:$0x4], $0x4000, $0x38;
	[tilespmem:$0x1C000] =	vst v63  }
0x1a8: {  	_ =	swait.ge [sflag:s7], $0x4000  }
0x1a9: {  	[sflag:s7] =	ssyncset.done $0x0  }
0x1aa: {  	[sflag:s7] =	ssyncadd.s32 $0xFFFFC000  }
0x1ab: {  	_ =	swait.ge [sflag:s7], $0x2000  }
0x1ac: {  	[sflag:s7] =	ssyncset.done $0x0  }
0x1ad: {  	[sflag:s7] =	ssyncadd.s32 $0xFFFFE000  }
0x1ae: {  	_ =	swait.ge [sflag:s7], $0x8000  }
0x1af: {  	[sflag:s7] =	ssyncset.done $0x0  }
0x1b0: {  	[sflag:s7] =	ssyncadd.s32 $0xFFFF8000  }
0x1b1: {  	[tilespmem:s2], [sflag:$0x1] =	stream.linear.gather [hbm4b:s28+s2], $0xC000, $0x38;
	[tilespmem:$0x1C000] =	vst v63  }
0x1b2: {  	_ =	swait.ge [sflag:s17], $0xC000  }
0x1b3: {  	[sflag:s17] =	ssyncset.done $0x0  }
0x1b4: {  	[sflag:s17] =	ssyncadd.s32 $0xFFFF4000  }
0x1b5: {  	[hbm4b:s26+s2] =	stream.linear.scatter [tilespmem:s2], [sflag:$0x3], $0x4000, $0x38;
	[tilespmem:$0x1C000] =	vst v63  }
0x1b6: {  	s0 =	rddreg [dreg:$0x11]  }
0x1b7: {  	[hbm4b:s0+s2] =	stream.linear.scatter [tilespmem:s14], [sflag:$0x3], $0x2000, $0x38;
	[tilespmem:$0x1C000] =	vst v63  }
0x1b8: {  	s4 =	rddreg [dreg:$0x12]  }
0x1b9: {  	[hbm4b:s4+s2] =	stream.linear.scatter [tilespmem:s15], [sflag:$0x3], $0x8000, $0x38;
	[tilespmem:$0x1C000] =	vst v63  }
0x1ba: {  	_ =	swait.ge [sflag:s3], $0x8000  }
0x1bb: {  	[sflag:s3] =	ssyncset.done $0x0  }
0x1bc: {  	[sflag:s3] =	ssyncadd.s32 $0xFFFF8000  }
0x1bd: {  	_ =	swait.ge [sflag:s3], $0x2000  }
0x1be: {  	[sflag:s3] =	ssyncset.done $0x0  }
0x1bf: {  	[sflag:s3] =	ssyncadd.s32 $0xFFFFE000  }
0x1c0: {  	_ =	swait.ge [sflag:s3], $0x4000  }
0x1c1: {  	[sflag:s3] =	ssyncset.done $0x0  }
0x1c2: {  	s4 =	rddreg [dreg:$0x13];
	[sflag:s3] =	ssyncadd.s32 $0xFFFFC000  }
0x1c3: {  	[tilespmem:s9], [sflag:$0x2] =	stream.linear.gather [hbm4b:s4+s2], $0xC000, $0x38;
	[tilespmem:$0x1C000] =	vst v63  }
0x1c4: {  	_ =	swait.ge [sflag:s12], $0xC000  }
0x1c5: {  	[sflag:s12] =	ssyncset.done $0x0  }
0x1c6: {  	s0 =	rddreg [dreg:$0x14];
	[sflag:s12] =	ssyncadd.s32 $0xFFFF4000  }
0x1c7: {  	[hbm4b:s0+s2] =	stream.linear.scatter [tilespmem:s9], [sflag:$0x4], $0x8000, $0x38;
	[tilespmem:$0x1C000] =	vst v63  }
0x1c8: {  	s4 =	rddreg [dreg:$0x15]  }
0x1c9: {  	[hbm4b:s4+s2] =	stream.linear.scatter [tilespmem:s19], [sflag:$0x4], $0x2000, $0x38;
	[tilespmem:$0x1C000] =	vst v63  }
0x1ca: {  	s0 =	rddreg [dreg:$0x16]  }
0x1cb: {  	[hbm4b:s0+s2] =	stream.linear.scatter [tilespmem:s11], [sflag:$0x4], $0x4000, $0x38;
	[tilespmem:$0x1C000] =	vst v63  }
0x1cc: {  	_ =	swait.ge [sflag:s7], $0x4000  }
0x1cd: {  	[sflag:s7] =	ssyncset.done $0x0  }
0x1ce: {  	[sflag:s7] =	ssyncadd.s32 $0xFFFFC000  }
0x1cf: {  	_ =	swait.ge [sflag:s7], $0x2000  }
0x1d0: {  	[sflag:s7] =	ssyncset.done $0x0  }
0x1d1: {  	[sflag:s7] =	ssyncadd.s32 $0xFFFFE000  }
0x1d2: {  	_ =	swait.ge [sflag:s7], $0x8000  }
0x1d3: {  	[sflag:s7] =	ssyncset.done $0x0  }
0x1d4: {  	[sflag:s7] =	ssyncadd.s32 $0xFFFF8000  }
0x1d5: {  	[tilespmem:s2], [sflag:$0x1] =	stream.linear.gather [hbm4b:s25+s2], $0xC000, $0x38;
	[tilespmem:$0x1C000] =	vst v63  }
0x1d6: {  	_ =	swait.ge [sflag:s17], $0xC000  }
0x1d7: {  	[sflag:s17] =	ssyncset.done $0x0  }
0x1d8: {  	[sflag:s17] =	ssyncadd.s32 $0xFFFF4000  }
0x1d9: {  	[hbm4b:s24+s2] =	stream.linear.scatter [tilespmem:s2], [sflag:$0x3], $0x4000, $0x38;
	[tilespmem:$0x1C000] =	vst v63  }
0x1da: {  	s0 =	rddreg [dreg:$0x17]  }
0x1db: {  	[hbm4b:s0+s2] =	stream.linear.scatter [tilespmem:s14], [sflag:$0x3], $0x2000, $0x38;
	[tilespmem:$0x1C000] =	vst v63  }
0x1dc: {  	s4 =	rddreg [dreg:$0x18]  }
0x1dd: {  	[hbm4b:s4+s2] =	stream.linear.scatter [tilespmem:s15], [sflag:$0x3], $0x8000, $0x38;
	[tilespmem:$0x1C000] =	vst v63  }
0x1de: {  	_ =	swait.ge [sflag:s3], $0x8000  }
0x1df: {  	[sflag:s3] =	ssyncset.done $0x0  }
0x1e0: {  	[sflag:s3] =	ssyncadd.s32 $0xFFFF8000  }
0x1e1: {  	_ =	swait.ge [sflag:s3], $0x2000  }
0x1e2: {  	[sflag:s3] =	ssyncset.done $0x0  }
0x1e3: {  	[sflag:s3] =	ssyncadd.s32 $0xFFFFE000  }
0x1e4: {  	_ =	swait.ge [sflag:s3], $0x4000  }
0x1e5: {  	[sflag:s3] =	ssyncset.done $0x0  }
0x1e6: {  	s4 =	rddreg [dreg:$0x19];
	[sflag:s3] =	ssyncadd.s32 $0xFFFFC000  }
0x1e7: {  	[tilespmem:s9], [sflag:$0x2] =	stream.linear.gather [hbm4b:s4+s2], $0xC000, $0x38;
	[tilespmem:$0x1C000] =	vst v63  }
0x1e8: {  	_ =	swait.ge [sflag:s12], $0xC000  }
0x1e9: {  	[sflag:s12] =	ssyncset.done $0x0  }
0x1ea: {  	s0 =	rddreg [dreg:$0x1a];
	[sflag:s12] =	ssyncadd.s32 $0xFFFF4000  }
0x1eb: {  	[hbm4b:s0+s2] =	stream.linear.scatter [tilespmem:s9], [sflag:$0x4], $0x8000, $0x38;
	[tilespmem:$0x1C000] =	vst v63  }
0x1ec: {  	s4 =	rddreg [dreg:$0x1b]  }
0x1ed: {  	[hbm4b:s4+s2] =	stream.linear.scatter [tilespmem:s19], [sflag:$0x4], $0x2000, $0x38;
	[tilespmem:$0x1C000] =	vst v63  }
0x1ee: {  	s0 =	rddreg [dreg:$0x1c]  }
0x1ef: {  	[hbm4b:s0+s2] =	stream.linear.scatter [tilespmem:s11], [sflag:$0x4], $0x4000, $0x38;
	[tilespmem:$0x1C000] =	vst v63  }
0x1f0: {  	_ =	swait.ge [sflag:s7], $0x4000  }
0x1f1: {  	[sflag:s7] =	ssyncset.done $0x0  }
0x1f2: {  	[sflag:s7] =	ssyncadd.s32 $0xFFFFC000  }
0x1f3: {  	_ =	swait.ge [sflag:s7], $0x2000  }
0x1f4: {  	[sflag:s7] =	ssyncset.done $0x0  }
0x1f5: {  	[sflag:s7] =	ssyncadd.s32 $0xFFFFE000  }
0x1f6: {  	_ =	swait.ge [sflag:s7], $0x8000  }
0x1f7: {  	[sflag:s7] =	ssyncset.done $0x0  }
0x1f8: {  	[sflag:s7] =	ssyncadd.s32 $0xFFFF8000  }
0x1f9: {  	[tilespmem:s2], [sflag:$0x1] =	stream.linear.gather [hbm4b:s23+s2], $0xC000, $0x38;
	[tilespmem:$0x1C000] =	vst v63  }
0x1fa: {  	_ =	swait.ge [sflag:s17], $0xC000  }
0x1fb: {  	[sflag:s17] =	ssyncset.done $0x0  }
0x1fc: {  	[sflag:s17] =	ssyncadd.s32 $0xFFFF4000  }
0x1fd: {  	[hbm4b:s22+s2] =	stream.linear.scatter [tilespmem:s2], [sflag:$0x3], $0x4000, $0x38;
	[tilespmem:$0x1C000] =	vst v63  }
0x1fe: {  	s0 =	rddreg [dreg:$0x1d]  }
0x1ff: {  	[hbm4b:s0+s2] =	stream.linear.scatter [tilespmem:s14], [sflag:$0x3], $0x2000, $0x38;
	[tilespmem:$0x1C000] =	vst v63  }
0x200: {  	s4 =	rddreg [dreg:$0x1e]  }
0x201: {  	[hbm4b:s4+s2] =	stream.linear.scatter [tilespmem:s15], [sflag:$0x3], $0x8000, $0x38;
	[tilespmem:$0x1C000] =	vst v63  }
0x202: {  	_ =	swait.ge [sflag:s3], $0x8000  }
0x203: {  	[sflag:s3] =	ssyncset.done $0x0  }
0x204: {  	[sflag:s3] =	ssyncadd.s32 $0xFFFF8000  }
0x205: {  	_ =	swait.ge [sflag:s3], $0x2000  }
0x206: {  	[sflag:s3] =	ssyncset.done $0x0  }
0x207: {  	[sflag:s3] =	ssyncadd.s32 $0xFFFFE000  }
0x208: {  	_ =	swait.ge [sflag:s3], $0x4000  }
0x209: {  	[sflag:s3] =	ssyncset.done $0x0  }
0x20a: {  	s4 =	rddreg [dreg:$0x1f];
	[sflag:s3] =	ssyncadd.s32 $0xFFFFC000  }
0x20b: {  	[tilespmem:s9], [sflag:$0x2] =	stream.linear.gather [hbm4b:s4+s2], $0xC000, $0x38;
	[tilespmem:$0x1C000] =	vst v63  }
0x20c: {  	_ =	swait.ge [sflag:s12], $0xC000  }
0x20d: {  	s0 =	sld [smem:$0x7EC]  }
0x20e: {  	[sflag:s12] =	ssyncset.done $0x0  }
0x20f: {  	s4 =	sld [smem:$0x7ED];
	[sflag:s12] =	ssyncadd.s32 $0xFFFF4000  }
0x210: {  	[hbm4b:s0+s2] =	stream.linear.scatter [tilespmem:s9], [sflag:$0x4], $0x8000, $0x38;
	[tilespmem:$0x1C000] =	vst v63  }
0x211: {  	s0 =	sld [smem:$0x7EE]  }
0x212: {  	[hbm4b:s4+s2] =	stream.linear.scatter [tilespmem:s19], [sflag:$0x4], $0x2000, $0x38;
	[tilespmem:$0x1C000] =	vst v63  }
0x213: {  	_ = 	snop  }
0x214: {  	[hbm4b:s0+s2] =	stream.linear.scatter [tilespmem:s11], [sflag:$0x4], $0x4000, $0x38;
	[tilespmem:$0x1C000] =	vst v63  }
0x215: {  	_ =	swait.ge [sflag:s7], $0x4000  }
0x216: {  	[sflag:s7] =	ssyncset.done $0x0  }
0x217: {  	[sflag:s7] =	ssyncadd.s32 $0xFFFFC000  }
0x218: {  	_ =	swait.ge [sflag:s7], $0x2000  }
0x219: {  	[sflag:s7] =	ssyncset.done $0x0  }
0x21a: {  	[sflag:s7] =	ssyncadd.s32 $0xFFFFE000  }
0x21b: {  	_ =	swait.ge [sflag:s7], $0x8000  }
0x21c: {  	[sflag:s7] =	ssyncset.done $0x0  }
0x21d: {  	[sflag:s7] =	ssyncadd.s32 $0xFFFF8000  }
0x21e: {  	[tilespmem:s2], [sflag:$0x1] =	stream.linear.gather [hbm4b:s21+s2], $0xC000, $0x38;
	[tilespmem:$0x1C000] =	vst v63  }
0x21f: {  	_ =	swait.ge [sflag:s17], $0xC000  }
0x220: {  	[sflag:s17] =	ssyncset.done $0x0  }
0x221: {  	s0 =	sld [smem:$0x7EF];
	[sflag:s17] =	ssyncadd.s32 $0xFFFF4000  }
0x222: {  	[hbm4b:s20+s2] =	stream.linear.scatter [tilespmem:s2], [sflag:$0x3], $0x4000, $0x38;
	[tilespmem:$0x1C000] =	vst v63  }
0x223: {  	s4 =	sld [smem:$0x7F0]  }
0x224: {  	[hbm4b:s0+s2] =	stream.linear.scatter [tilespmem:s14], [sflag:$0x3], $0x2000, $0x38;
	[tilespmem:$0x1C000] =	vst v63  }
0x225: {  	_ = 	snop  }
0x226: {  	[hbm4b:s4+s2] =	stream.linear.scatter [tilespmem:s15], [sflag:$0x3], $0x8000, $0x38;
	[tilespmem:$0x1C000] =	vst v63  }
0x227: {  	_ =	swait.ge [sflag:s3], $0x8000  }
0x228: {  	[sflag:s3] =	ssyncset.done $0x0  }
0x229: {  	[sflag:s3] =	ssyncadd.s32 $0xFFFF8000  }
0x22a: {  	_ =	swait.ge [sflag:s3], $0x2000  }
0x22b: {  	[sflag:s3] =	ssyncset.done $0x0  }
0x22c: {  	[sflag:s3] =	ssyncadd.s32 $0xFFFFE000  }
0x22d: {  	_ =	swait.ge [sflag:s3], $0x4000  }
0x22e: {  	s4 =	sld [smem:$0x7F1]  }
0x22f: {  	[sflag:s3] =	ssyncset.done $0x0  }
0x230: {  	[sflag:s3] =	ssyncadd.s32 $0xFFFFC000  }
0x231: {  	[tilespmem:s9], [sflag:$0x2] =	stream.linear.gather [hbm4b:s4+s2], $0xC000, $0x38;
	[tilespmem:$0x1C000] =	vst v63  }
0x232: {  	_ =	swait.ge [sflag:s12], $0xC000  }
0x233: {  	s0 =	sld [smem:$0x7F2]  }
0x234: {  	[sflag:s12] =	ssyncset.done $0x0  }
0x235: {  	s4 =	sld [smem:$0x7F3];
	[sflag:s12] =	ssyncadd.s32 $0xFFFF4000  }
0x236: {  	[hbm4b:s0+s2] =	stream.linear.scatter [tilespmem:s9], [sflag:$0x4], $0x8000, $0x38;
	[tilespmem:$0x1C000] =	vst v63  }
0x237: {  	s0 =	sld [smem:$0x7F4]  }
0x238: {  	[hbm4b:s4+s2] =	stream.linear.scatter [tilespmem:s19], [sflag:$0x4], $0x2000, $0x38;
	[tilespmem:$0x1C000] =	vst v63  }
0x239: {  	_ = 	snop  }
0x23a: {  	[hbm4b:s0+s2] =	stream.linear.scatter [tilespmem:s11], [sflag:$0x4], $0x4000, $0x38;
	[tilespmem:$0x1C000] =	vst v63  }
0x23b: {  	_ =	swait.ge [sflag:s7], $0x4000  }
0x23c: {  	[sflag:s7] =	ssyncset.done $0x0  }
0x23d: {  	[sflag:s7] =	ssyncadd.s32 $0xFFFFC000  }
0x23e: {  	_ =	swait.ge [sflag:s7], $0x2000  }
0x23f: {  	[sflag:s7] =	ssyncset.done $0x0  }
0x240: {  	[sflag:s7] =	ssyncadd.s32 $0xFFFFE000  }
0x241: {  	_ =	swait.ge [sflag:s7], $0x8000  }
0x242: {  	s4 =	sld [smem:$0x7EB]  }
0x243: {  	[sflag:s7] =	ssyncset.done $0x0  }
0x244: {  	[sflag:s7] =	ssyncadd.s32 $0xFFFF8000  }
0x245: {  	[tilespmem:s2], [sflag:$0x1] =	stream.linear.gather [hbm4b:s4+s2], $0xC000, $0x38;
	[tilespmem:$0x1C000] =	vst v63  }
0x246: {  	_ =	swait.ge [sflag:s17], $0xC000  }
0x247: {  	[sflag:s17] =	ssyncset.done $0x0  }
0x248: {  	s0 =	sld [smem:$0x7F5];
	[sflag:s17] =	ssyncadd.s32 $0xFFFF4000  }
0x249: {  	[hbm4b:s18+s2] =	stream.linear.scatter [tilespmem:s2], [sflag:$0x3], $0x4000, $0x38;
	[tilespmem:$0x1C000] =	vst v63  }
0x24a: {  	s4 =	sld [smem:$0x7F6]  }
0x24b: {  	[hbm4b:s0+s2] =	stream.linear.scatter [tilespmem:s14], [sflag:$0x3], $0x2000, $0x38;
	[tilespmem:$0x1C000] =	vst v63  }
0x24c: {  	_ = 	snop  }
0x24d: {  	[hbm4b:s4+s2] =	stream.linear.scatter [tilespmem:s15], [sflag:$0x3], $0x8000, $0x38;
	[tilespmem:$0x1C000] =	vst v63  }
0x24e: {  	_ =	swait.ge [sflag:s3], $0x8000  }
0x24f: {  	[sflag:s3] =	ssyncset.done $0x0  }
0x250: {  	[sflag:s3] =	ssyncadd.s32 $0xFFFF8000  }
0x251: {  	_ =	swait.ge [sflag:s3], $0x2000  }
0x252: {  	[sflag:s3] =	ssyncset.done $0x0  }
0x253: {  	[sflag:s3] =	ssyncadd.s32 $0xFFFFE000  }
0x254: {  	_ =	swait.ge [sflag:s3], $0x4000  }
0x255: {  	s4 =	sld [smem:$0x7F7]  }
0x256: {  	[sflag:s3] =	ssyncset.done $0x0  }
0x257: {  	[sflag:s3] =	ssyncadd.s32 $0xFFFFC000  }
0x258: {  	[tilespmem:s9], [sflag:$0x2] =	stream.linear.gather [hbm4b:s4+s2], $0xC000, $0x38;
	[tilespmem:$0x1C000] =	vst v63  }
0x259: {  	_ =	swait.ge [sflag:s12], $0xC000  }
0x25a: {  	s0 =	sld [smem:$0x7F8]  }
0x25b: {  	[sflag:s12] =	ssyncset.done $0x0  }
0x25c: {  	s4 =	sld [smem:$0x7F9];
	[sflag:s12] =	ssyncadd.s32 $0xFFFF4000  }
0x25d: {  	[hbm4b:s0+s2] =	stream.linear.scatter [tilespmem:s9], [sflag:$0x4], $0x8000, $0x38;
	[tilespmem:$0x1C000] =	vst v63  }
0x25e: {  	s0 =	sld [smem:$0x7FA]  }
0x25f: {  	[hbm4b:s4+s2] =	stream.linear.scatter [tilespmem:s19], [sflag:$0x4], $0x2000, $0x38;
	[tilespmem:$0x1C000] =	vst v63  }
0x260: {  	_ = 	snop  }
0x261: {  	[hbm4b:s0+s2] =	stream.linear.scatter [tilespmem:s11], [sflag:$0x4], $0x4000, $0x38;
	[tilespmem:$0x1C000] =	vst v63  }
0x262: {  	_ =	swait.ge [sflag:s7], $0x4000  }
0x263: {  	[sflag:s7] =	ssyncset.done $0x0  }
0x264: {  	[sflag:s7] =	ssyncadd.s32 $0xFFFFC000  }
0x265: {  	_ =	swait.ge [sflag:s7], $0x2000  }
0x266: {  	[sflag:s7] =	ssyncset.done $0x0  }
0x267: {  	[sflag:s7] =	ssyncadd.s32 $0xFFFFE000  }
0x268: {  	_ =	swait.ge [sflag:s7], $0x8000  }
0x269: {  	[sflag:s7] =	ssyncset.done $0x0  }
0x26a: {  	[sflag:s7] =	ssyncadd.s32 $0xFFFF8000  }
0x26b: {  	[tilespmem:s2], [sflag:$0x1] =	stream.linear.gather [hbm4b:s16+s2], $0xC000, $0x38;
	[tilespmem:$0x1C000] =	vst v63  }
0x26c: {  	_ =	swait.ge [sflag:s17], $0xC000  }
0x26d: {  	[sflag:s17] =	ssyncset.done $0x0  }
0x26e: {  	s0 =	sld [smem:$0x7FB];
	[sflag:s17] =	ssyncadd.s32 $0xFFFF4000  }
0x26f: {  	[hbm4b:s13+s2] =	stream.linear.scatter [tilespmem:s2], [sflag:$0x3], $0x4000, $0x38;
	[tilespmem:$0x1C000] =	vst v63  }
0x270: {  	s4 =	sld [smem:$0x7FC]  }
0x271: {  	[hbm4b:s0+s2] =	stream.linear.scatter [tilespmem:s14], [sflag:$0x3], $0x2000, $0x38;
	[tilespmem:$0x1C000] =	vst v63  }
0x272: {  	_ = 	snop  }
0x273: {  	[hbm4b:s4+s2] =	stream.linear.scatter [tilespmem:s15], [sflag:$0x3], $0x8000, $0x38;
	[tilespmem:$0x1C000] =	vst v63  }
0x274: {  	_ =	swait.ge [sflag:s3], $0x8000  }
0x275: {  	[sflag:s3] =	ssyncset.done $0x0  }
0x276: {  	[sflag:s3] =	ssyncadd.s32 $0xFFFF8000  }
0x277: {  	_ =	swait.ge [sflag:s3], $0x2000  }
0x278: {  	[sflag:s3] =	ssyncset.done $0x0  }
0x279: {  	s4 =	smov.u32 s5;
	[sflag:s3] =	ssyncadd.s32 $0xFFFFE000  }
0x27a: {  	s5 =	smov.u32 s6;
	s6 =	smov.u32 s8;
	_ =	swait.ge [sflag:s3], $0x4000  }
0x27b: {  	s8 =	smov.u32 s31;
	s31 =	smov.u32 s10;
	s10 =	sld [smem:$0x7FD]  }
0x27c: {  	[sflag:s3] =	ssyncset.done $0x0  }
0x27d: {  	[sflag:s3] =	ssyncadd.s32 $0xFFFFC000  }
0x27e: {  	[tilespmem:s9], [sflag:$0x2] =	stream.linear.gather [hbm4b:s10+s2], $0xC000, $0x38;
	[tilespmem:$0x1C000] =	vst v63  }
0x27f: {  	_ =	swait.ge [sflag:s12], $0xC000  }
0x280: {  	[sflag:s12] =	ssyncset.done $0x0  }
0x281: {  	[sflag:s12] =	ssyncadd.s32 $0xFFFF4000  }
0x282: {  	[hbm4b:s4+s2] =	stream.linear.scatter [tilespmem:s9], [sflag:$0x4], $0x8000, $0x38;
	[tilespmem:$0x1C000] =	vst v63  }
0x283: {  	_ = 	snop  }
0x284: {  	[hbm4b:s5+s2] =	stream.linear.scatter [tilespmem:s19], [sflag:$0x4], $0x2000, $0x38;
	[tilespmem:$0x1C000] =	vst v63  }
0x285: {  	_ = 	snop  }
0x286: {  	[hbm4b:s6+s2] =	stream.linear.scatter [tilespmem:s11], [sflag:$0x4], $0x4000, $0x38;
	[tilespmem:$0x1C000] =	vst v63  }
0x287: {  	_ =	swait.ge [sflag:s7], $0x4000  }
0x288: {  	[sflag:s7] =	ssyncset.done $0x0  }
0x289: {  	[sflag:s7] =	ssyncadd.s32 $0xFFFFC000  }
0x28a: {  	_ =	swait.ge [sflag:s7], $0x2000  }
0x28b: {  	[sflag:s7] =	ssyncset.done $0x0  }
0x28c: {  	[sflag:s7] =	ssyncadd.s32 $0xFFFFE000  }
0x28d: {  	_ =	swait.ge [sflag:s7], $0x8000  }
0x28e: {  	[sflag:s7] =	ssyncset.done $0x0  }
0x28f: {  	[sflag:s7] =	ssyncadd.s32 $0xFFFF8000  }
0x290: {  	_ =	swait.ge [sflag:s3], $0x8000  }
0x291: {  	[sflag:s3] =	ssyncset.done $0x0  }
0x292: {  	p1 =	sne.s32 s1, $0x1;
	[sflag:s3] =	ssyncadd.s32 $0xFFFF8000  }
.Ltmp2:
0x293: {  	_ =	swait.ge [sflag:s3], $0x2000;
	(pc) =	sbr.rel @p1 .LBB2_3-.Ltmp2, $4  }
0x294: {  	[sflag:s3] =	ssyncset.done $0x0  }
0x295: {  	[sflag:s3] =	ssyncadd.s32 $0xFFFFE000  }
0x296: {  	_ =	swait.ge [sflag:s3], $0x4000  }
0x297: {  	s1 =	sadd.s32 $0xFFFFFFFF, s1;
	s0 =	rddreg [dreg:$0x4];
	[sflag:s3] =	ssyncset.done $0x0  }
0x298: {  	s10 =	sld [smem:$0x7EB]  }
.LBB2_5:
0x299: {  	[sflag:s3] =	ssyncadd.s32 @p0 $0xFFFFC000  }
0x29a: {  	[tilespmem:s14], [sflag:$0x1] =	stream.linear.gather [hbm4b:s0+s2], $0x4000, $0x38;
	[tilespmem:$0x1C000] =	vst v63  }
0x29b: {  	_ =	swait.ge [sflag:s17], $0x4000  }
0x29c: {  	[sflag:s17] =	ssyncset.done $0x0  }
0x29d: {  	[sflag:s17] =	ssyncadd.s32 $0xFFFFC000  }
0x29e: {  	[tilespmem:s2], [sflag:$0x1] =	stream.linear.gather [hbm4b:s31+s2], $0xC000, $0x38;
	[tilespmem:$0x1C000] =	vst v63  }
0x29f: {  	_ =	swait.ge [sflag:s17], $0xC000  }
0x2a0: {  	[sflag:s17] =	ssyncset.done $0x0  }
0x2a1: {  	[sflag:s17] =	ssyncadd.s32 $0xFFFF4000  }
0x2a2: {  	[hbm4b:s8+s2] =	stream.linear.scatter [tilespmem:s2], [sflag:$0x3], $0x4000, $0x38;
	[tilespmem:$0x1C000] =	vst v63  }
0x2a3: {  	s31 =	rddreg [dreg:$0x5]  }
0x2a4: {  	[hbm4b:s31+s2] =	stream.linear.scatter [tilespmem:s14], [sflag:$0x3], $0x2000, $0x38;
	[tilespmem:$0x1C000] =	vst v63  }
0x2a5: {  	s1 =	rddreg [dreg:$0x6]  }
0x2a6: {  	[hbm4b:s1+s2] =	stream.linear.scatter [tilespmem:s15], [sflag:$0x3], $0x8000, $0x38;
	[tilespmem:$0x1C000] =	vst v63  }
0x2a7: {  	s31 =	rddreg [dreg:$0x7]  }
0x2a8: {  	[tilespmem:s9], [sflag:$0x2] =	stream.linear.gather [hbm4b:s31+s2], $0xC000, $0x38;
	[tilespmem:$0x1C000] =	vst v63  }
0x2a9: {  	_ =	swait.ge [sflag:s12], $0xC000  }
0x2aa: {  	[sflag:s12] =	ssyncset.done $0x0  }
0x2ab: {  	s8 =	rddreg [dreg:$0x8];
	[sflag:s12] =	ssyncadd.s32 $0xFFFF4000  }
0x2ac: {  	[hbm4b:s8+s2] =	stream.linear.scatter [tilespmem:s9], [sflag:$0x4], $0x8000, $0x38;
	[tilespmem:$0x1C000] =	vst v63  }
0x2ad: {  	s31 =	rddreg [dreg:$0x9]  }
0x2ae: {  	[hbm4b:s31+s2] =	stream.linear.scatter [tilespmem:s19], [sflag:$0x4], $0x2000, $0x38;
	[tilespmem:$0x1C000] =	vst v63  }
0x2af: {  	s8 =	rddreg [dreg:$0xa]  }
0x2b0: {  	[hbm4b:s8+s2] =	stream.linear.scatter [tilespmem:s11], [sflag:$0x4], $0x4000, $0x38;
	[tilespmem:$0x1C000] =	vst v63  }
0x2b1: {  	_ =	swait.ge [sflag:s7], $0x4000  }
0x2b2: {  	[sflag:s7] =	ssyncset.done $0x0  }
0x2b3: {  	[sflag:s7] =	ssyncadd.s32 $0xFFFFC000  }
0x2b4: {  	_ =	swait.ge [sflag:s7], $0x2000  }
0x2b5: {  	[sflag:s7] =	ssyncset.done $0x0  }
0x2b6: {  	[sflag:s7] =	ssyncadd.s32 $0xFFFFE000  }
0x2b7: {  	_ =	swait.ge [sflag:s7], $0x8000  }
0x2b8: {  	[sflag:s7] =	ssyncset.done $0x0  }
0x2b9: {  	[sflag:s7] =	ssyncadd.s32 $0xFFFF8000  }
0x2ba: {  	[tilespmem:s2], [sflag:$0x1] =	stream.linear.gather [hbm4b:s30+s2], $0xC000, $0x38;
	[tilespmem:$0x1C000] =	vst v63  }
0x2bb: {  	_ =	swait.ge [sflag:s17], $0xC000  }
0x2bc: {  	[sflag:s17] =	ssyncset.done $0x0  }
0x2bd: {  	[sflag:s17] =	ssyncadd.s32 $0xFFFF4000  }
0x2be: {  	[hbm4b:s29+s2] =	stream.linear.scatter [tilespmem:s2], [sflag:$0x3], $0x4000, $0x38;
	[tilespmem:$0x1C000] =	vst v63  }
0x2bf: {  	s30 =	rddreg [dreg:$0xb]  }
0x2c0: {  	[hbm4b:s30+s2] =	stream.linear.scatter [tilespmem:s14], [sflag:$0x3], $0x2000, $0x38;
	[tilespmem:$0x1C000] =	vst v63  }
0x2c1: {  	s31 =	rddreg [dreg:$0xc]  }
0x2c2: {  	[hbm4b:s31+s2] =	stream.linear.scatter [tilespmem:s15], [sflag:$0x3], $0x8000, $0x38;
	[tilespmem:$0x1C000] =	vst v63  }
0x2c3: {  	_ =	swait.ge [sflag:s3], $0x8000  }
0x2c4: {  	[sflag:s3] =	ssyncset.done $0x0  }
0x2c5: {  	[sflag:s3] =	ssyncadd.s32 $0xFFFF8000  }
0x2c6: {  	_ =	swait.ge [sflag:s3], $0x2000  }
0x2c7: {  	[sflag:s3] =	ssyncset.done $0x0  }
0x2c8: {  	[sflag:s3] =	ssyncadd.s32 $0xFFFFE000  }
0x2c9: {  	_ =	swait.ge [sflag:s3], $0x4000  }
0x2ca: {  	[sflag:s3] =	ssyncset.done $0x0  }
0x2cb: {  	s8 =	rddreg [dreg:$0xd];
	[sflag:s3] =	ssyncadd.s32 $0xFFFFC000  }
0x2cc: {  	[tilespmem:s9], [sflag:$0x2] =	stream.linear.gather [hbm4b:s8+s2], $0xC000, $0x38;
	[tilespmem:$0x1C000] =	vst v63  }
0x2cd: {  	_ =	swait.ge [sflag:s12], $0xC000  }
0x2ce: {  	[sflag:s12] =	ssyncset.done $0x0  }
0x2cf: {  	s29 =	rddreg [dreg:$0xe];
	[sflag:s12] =	ssyncadd.s32 $0xFFFF4000  }
0x2d0: {  	[hbm4b:s29+s2] =	stream.linear.scatter [tilespmem:s9], [sflag:$0x4], $0x8000, $0x38;
	[tilespmem:$0x1C000] =	vst v63  }
0x2d1: {  	s30 =	rddreg [dreg:$0xf]  }
0x2d2: {  	[hbm4b:s30+s2] =	stream.linear.scatter [tilespmem:s19], [sflag:$0x4], $0x2000, $0x38;
	[tilespmem:$0x1C000] =	vst v63  }
0x2d3: {  	s31 =	rddreg [dreg:$0x10]  }
0x2d4: {  	[hbm4b:s31+s2] =	stream.linear.scatter [tilespmem:s11], [sflag:$0x4], $0x4000, $0x38;
	[tilespmem:$0x1C000] =	vst v63  }
0x2d5: {  	_ =	swait.ge [sflag:s7], $0x4000  }
0x2d6: {  	[sflag:s7] =	ssyncset.done $0x0  }
0x2d7: {  	[sflag:s7] =	ssyncadd.s32 $0xFFFFC000  }
0x2d8: {  	_ =	swait.ge [sflag:s7], $0x2000  }
0x2d9: {  	[sflag:s7] =	ssyncset.done $0x0  }
0x2da: {  	[sflag:s7] =	ssyncadd.s32 $0xFFFFE000  }
0x2db: {  	_ =	swait.ge [sflag:s7], $0x8000  }
0x2dc: {  	[sflag:s7] =	ssyncset.done $0x0  }
0x2dd: {  	[sflag:s7] =	ssyncadd.s32 $0xFFFF8000  }
0x2de: {  	[tilespmem:s2], [sflag:$0x1] =	stream.linear.gather [hbm4b:s28+s2], $0xC000, $0x38;
	[tilespmem:$0x1C000] =	vst v63  }
0x2df: {  	_ =	swait.ge [sflag:s17], $0xC000  }
0x2e0: {  	[sflag:s17] =	ssyncset.done $0x0  }
0x2e1: {  	[sflag:s17] =	ssyncadd.s32 $0xFFFF4000  }
0x2e2: {  	[hbm4b:s26+s2] =	stream.linear.scatter [tilespmem:s2], [sflag:$0x3], $0x4000, $0x38;
	[tilespmem:$0x1C000] =	vst v63  }
0x2e3: {  	s8 =	rddreg [dreg:$0x11]  }
0x2e4: {  	[hbm4b:s8+s2] =	stream.linear.scatter [tilespmem:s14], [sflag:$0x3], $0x2000, $0x38;
	[tilespmem:$0x1C000] =	vst v63  }
0x2e5: {  	s28 =	rddreg [dreg:$0x12]  }
0x2e6: {  	[hbm4b:s28+s2] =	stream.linear.scatter [tilespmem:s15], [sflag:$0x3], $0x8000, $0x38;
	[tilespmem:$0x1C000] =	vst v63  }
0x2e7: {  	_ =	swait.ge [sflag:s3], $0x8000  }
0x2e8: {  	[sflag:s3] =	ssyncset.done $0x0  }
0x2e9: {  	[sflag:s3] =	ssyncadd.s32 $0xFFFF8000  }
0x2ea: {  	_ =	swait.ge [sflag:s3], $0x2000  }
0x2eb: {  	[sflag:s3] =	ssyncset.done $0x0  }
0x2ec: {  	[sflag:s3] =	ssyncadd.s32 $0xFFFFE000  }
0x2ed: {  	_ =	swait.ge [sflag:s3], $0x4000  }
0x2ee: {  	[sflag:s3] =	ssyncset.done $0x0  }
0x2ef: {  	s29 =	rddreg [dreg:$0x13];
	[sflag:s3] =	ssyncadd.s32 $0xFFFFC000  }
0x2f0: {  	[tilespmem:s9], [sflag:$0x2] =	stream.linear.gather [hbm4b:s29+s2], $0xC000, $0x38;
	[tilespmem:$0x1C000] =	vst v63  }
0x2f1: {  	_ =	swait.ge [sflag:s12], $0xC000  }
0x2f2: {  	[sflag:s12] =	ssyncset.done $0x0  }
0x2f3: {  	s30 =	rddreg [dreg:$0x14];
	[sflag:s12] =	ssyncadd.s32 $0xFFFF4000  }
0x2f4: {  	[hbm4b:s30+s2] =	stream.linear.scatter [tilespmem:s9], [sflag:$0x4], $0x8000, $0x38;
	[tilespmem:$0x1C000] =	vst v63  }
0x2f5: {  	s31 =	rddreg [dreg:$0x15]  }
0x2f6: {  	[hbm4b:s31+s2] =	stream.linear.scatter [tilespmem:s19], [sflag:$0x4], $0x2000, $0x38;
	[tilespmem:$0x1C000] =	vst v63  }
0x2f7: {  	s8 =	rddreg [dreg:$0x16]  }
0x2f8: {  	[hbm4b:s8+s2] =	stream.linear.scatter [tilespmem:s11], [sflag:$0x4], $0x4000, $0x38;
	[tilespmem:$0x1C000] =	vst v63  }
0x2f9: {  	_ =	swait.ge [sflag:s7], $0x4000  }
0x2fa: {  	[sflag:s7] =	ssyncset.done $0x0  }
0x2fb: {  	[sflag:s7] =	ssyncadd.s32 $0xFFFFC000  }
0x2fc: {  	_ =	swait.ge [sflag:s7], $0x2000  }
0x2fd: {  	[sflag:s7] =	ssyncset.done $0x0  }
0x2fe: {  	[sflag:s7] =	ssyncadd.s32 $0xFFFFE000  }
0x2ff: {  	_ =	swait.ge [sflag:s7], $0x8000  }
0x300: {  	[sflag:s7] =	ssyncset.done $0x0  }
0x301: {  	[sflag:s7] =	ssyncadd.s32 $0xFFFF8000  }
0x302: {  	[tilespmem:s2], [sflag:$0x1] =	stream.linear.gather [hbm4b:s25+s2], $0xC000, $0x38;
	[tilespmem:$0x1C000] =	vst v63  }
0x303: {  	_ =	swait.ge [sflag:s17], $0xC000  }
0x304: {  	[sflag:s17] =	ssyncset.done $0x0  }
0x305: {  	[sflag:s17] =	ssyncadd.s32 $0xFFFF4000  }
0x306: {  	[hbm4b:s24+s2] =	stream.linear.scatter [tilespmem:s2], [sflag:$0x3], $0x4000, $0x38;
	[tilespmem:$0x1C000] =	vst v63  }
0x307: {  	s25 =	rddreg [dreg:$0x17]  }
0x308: {  	[hbm4b:s25+s2] =	stream.linear.scatter [tilespmem:s14], [sflag:$0x3], $0x2000, $0x38;
	[tilespmem:$0x1C000] =	vst v63  }
0x309: {  	s26 =	rddreg [dreg:$0x18]  }
0x30a: {  	[hbm4b:s26+s2] =	stream.linear.scatter [tilespmem:s15], [sflag:$0x3], $0x8000, $0x38;
	[tilespmem:$0x1C000] =	vst v63  }
0x30b: {  	_ =	swait.ge [sflag:s3], $0x8000  }
0x30c: {  	[sflag:s3] =	ssyncset.done $0x0  }
0x30d: {  	[sflag:s3] =	ssyncadd.s32 $0xFFFF8000  }
0x30e: {  	_ =	swait.ge [sflag:s3], $0x2000  }
0x30f: {  	[sflag:s3] =	ssyncset.done $0x0  }
0x310: {  	[sflag:s3] =	ssyncadd.s32 $0xFFFFE000  }
0x311: {  	_ =	swait.ge [sflag:s3], $0x4000  }
0x312: {  	[sflag:s3] =	ssyncset.done $0x0  }
0x313: {  	s28 =	rddreg [dreg:$0x19];
	[sflag:s3] =	ssyncadd.s32 $0xFFFFC000  }
0x314: {  	[tilespmem:s9], [sflag:$0x2] =	stream.linear.gather [hbm4b:s28+s2], $0xC000, $0x38;
	[tilespmem:$0x1C000] =	vst v63  }
0x315: {  	_ =	swait.ge [sflag:s12], $0xC000  }
0x316: {  	[sflag:s12] =	ssyncset.done $0x0  }
0x317: {  	s29 =	rddreg [dreg:$0x1a];
	[sflag:s12] =	ssyncadd.s32 $0xFFFF4000  }
0x318: {  	[hbm4b:s29+s2] =	stream.linear.scatter [tilespmem:s9], [sflag:$0x4], $0x8000, $0x38;
	[tilespmem:$0x1C000] =	vst v63  }
0x319: {  	s30 =	rddreg [dreg:$0x1b]  }
0x31a: {  	[hbm4b:s30+s2] =	stream.linear.scatter [tilespmem:s19], [sflag:$0x4], $0x2000, $0x38;
	[tilespmem:$0x1C000] =	vst v63  }
0x31b: {  	s31 =	rddreg [dreg:$0x1c]  }
0x31c: {  	[hbm4b:s31+s2] =	stream.linear.scatter [tilespmem:s11], [sflag:$0x4], $0x4000, $0x38;
	[tilespmem:$0x1C000] =	vst v63  }
0x31d: {  	_ =	swait.ge [sflag:s7], $0x4000  }
0x31e: {  	[sflag:s7] =	ssyncset.done $0x0  }
0x31f: {  	[sflag:s7] =	ssyncadd.s32 $0xFFFFC000  }
0x320: {  	_ =	swait.ge [sflag:s7], $0x2000  }
0x321: {  	[sflag:s7] =	ssyncset.done $0x0  }
0x322: {  	[sflag:s7] =	ssyncadd.s32 $0xFFFFE000  }
0x323: {  	_ =	swait.ge [sflag:s7], $0x8000  }
0x324: {  	[sflag:s7] =	ssyncset.done $0x0  }
0x325: {  	[sflag:s7] =	ssyncadd.s32 $0xFFFF8000  }
0x326: {  	[tilespmem:s2], [sflag:$0x1] =	stream.linear.gather [hbm4b:s23+s2], $0xC000, $0x38;
	[tilespmem:$0x1C000] =	vst v63  }
0x327: {  	_ =	swait.ge [sflag:s17], $0xC000  }
0x328: {  	[sflag:s17] =	ssyncset.done $0x0  }
0x329: {  	[sflag:s17] =	ssyncadd.s32 $0xFFFF4000  }
0x32a: {  	[hbm4b:s22+s2] =	stream.linear.scatter [tilespmem:s2], [sflag:$0x3], $0x4000, $0x38;
	[tilespmem:$0x1C000] =	vst v63  }
0x32b: {  	s8 =	rddreg [dreg:$0x1d]  }
0x32c: {  	[hbm4b:s8+s2] =	stream.linear.scatter [tilespmem:s14], [sflag:$0x3], $0x2000, $0x38;
	[tilespmem:$0x1C000] =	vst v63  }
0x32d: {  	s23 =	rddreg [dreg:$0x1e]  }
0x32e: {  	[hbm4b:s23+s2] =	stream.linear.scatter [tilespmem:s15], [sflag:$0x3], $0x8000, $0x38;
	[tilespmem:$0x1C000] =	vst v63  }
0x32f: {  	_ =	swait.ge [sflag:s3], $0x8000  }
0x330: {  	[sflag:s3] =	ssyncset.done $0x0  }
0x331: {  	[sflag:s3] =	ssyncadd.s32 $0xFFFF8000  }
0x332: {  	_ =	swait.ge [sflag:s3], $0x2000  }
0x333: {  	[sflag:s3] =	ssyncset.done $0x0  }
0x334: {  	[sflag:s3] =	ssyncadd.s32 $0xFFFFE000  }
0x335: {  	_ =	swait.ge [sflag:s3], $0x4000  }
0x336: {  	[sflag:s3] =	ssyncset.done $0x0  }
0x337: {  	s24 =	rddreg [dreg:$0x1f];
	[sflag:s3] =	ssyncadd.s32 $0xFFFFC000  }
0x338: {  	[tilespmem:s9], [sflag:$0x2] =	stream.linear.gather [hbm4b:s24+s2], $0xC000, $0x38;
	[tilespmem:$0x1C000] =	vst v63  }
0x339: {  	_ =	swait.ge [sflag:s12], $0xC000  }
0x33a: {  	s25 =	sld [smem:$0x7EC]  }
0x33b: {  	[sflag:s12] =	ssyncset.done $0x0  }
0x33c: {  	s26 =	sld [smem:$0x7ED];
	[sflag:s12] =	ssyncadd.s32 $0xFFFF4000  }
0x33d: {  	[hbm4b:s25+s2] =	stream.linear.scatter [tilespmem:s9], [sflag:$0x4], $0x8000, $0x38;
	[tilespmem:$0x1C000] =	vst v63  }
0x33e: {  	s28 =	sld [smem:$0x7EE]  }
0x33f: {  	[hbm4b:s26+s2] =	stream.linear.scatter [tilespmem:s19], [sflag:$0x4], $0x2000, $0x38;
	[tilespmem:$0x1C000] =	vst v63  }
0x340: {  	_ = 	snop  }
0x341: {  	[hbm4b:s28+s2] =	stream.linear.scatter [tilespmem:s11], [sflag:$0x4], $0x4000, $0x38;
	[tilespmem:$0x1C000] =	vst v63  }
0x342: {  	_ =	swait.ge [sflag:s7], $0x4000  }
0x343: {  	[sflag:s7] =	ssyncset.done $0x0  }
0x344: {  	[sflag:s7] =	ssyncadd.s32 $0xFFFFC000  }
0x345: {  	_ =	swait.ge [sflag:s7], $0x2000  }
0x346: {  	[sflag:s7] =	ssyncset.done $0x0  }
0x347: {  	[sflag:s7] =	ssyncadd.s32 $0xFFFFE000  }
0x348: {  	_ =	swait.ge [sflag:s7], $0x8000  }
0x349: {  	[sflag:s7] =	ssyncset.done $0x0  }
0x34a: {  	[sflag:s7] =	ssyncadd.s32 $0xFFFF8000  }
0x34b: {  	[tilespmem:s2], [sflag:$0x1] =	stream.linear.gather [hbm4b:s21+s2], $0xC000, $0x38;
	[tilespmem:$0x1C000] =	vst v63  }
0x34c: {  	_ =	swait.ge [sflag:s17], $0xC000  }
0x34d: {  	[sflag:s17] =	ssyncset.done $0x0  }
0x34e: {  	s29 =	sld [smem:$0x7EF];
	[sflag:s17] =	ssyncadd.s32 $0xFFFF4000  }
0x34f: {  	[hbm4b:s20+s2] =	stream.linear.scatter [tilespmem:s2], [sflag:$0x3], $0x4000, $0x38;
	[tilespmem:$0x1C000] =	vst v63  }
0x350: {  	s30 =	sld [smem:$0x7F0]  }
0x351: {  	[hbm4b:s29+s2] =	stream.linear.scatter [tilespmem:s14], [sflag:$0x3], $0x2000, $0x38;
	[tilespmem:$0x1C000] =	vst v63  }
0x352: {  	_ = 	snop  }
0x353: {  	[hbm4b:s30+s2] =	stream.linear.scatter [tilespmem:s15], [sflag:$0x3], $0x8000, $0x38;
	[tilespmem:$0x1C000] =	vst v63  }
0x354: {  	_ =	swait.ge [sflag:s3], $0x8000  }
0x355: {  	[sflag:s3] =	ssyncset.done $0x0  }
0x356: {  	[sflag:s3] =	ssyncadd.s32 $0xFFFF8000  }
0x357: {  	_ =	swait.ge [sflag:s3], $0x2000  }
0x358: {  	[sflag:s3] =	ssyncset.done $0x0  }
0x359: {  	[sflag:s3] =	ssyncadd.s32 $0xFFFFE000  }
0x35a: {  	_ =	swait.ge [sflag:s3], $0x4000  }
0x35b: {  	s31 =	sld [smem:$0x7F1]  }
0x35c: {  	[sflag:s3] =	ssyncset.done $0x0  }
0x35d: {  	[sflag:s3] =	ssyncadd.s32 $0xFFFFC000  }
0x35e: {  	[tilespmem:s9], [sflag:$0x2] =	stream.linear.gather [hbm4b:s31+s2], $0xC000, $0x38;
	[tilespmem:$0x1C000] =	vst v63  }
0x35f: {  	_ =	swait.ge [sflag:s12], $0xC000  }
0x360: {  	s1 =	sld [smem:$0x7F2]  }
0x361: {  	[sflag:s12] =	ssyncset.done $0x0  }
0x362: {  	s8 =	sld [smem:$0x7F3];
	[sflag:s12] =	ssyncadd.s32 $0xFFFF4000  }
0x363: {  	[hbm4b:s1+s2] =	stream.linear.scatter [tilespmem:s9], [sflag:$0x4], $0x8000, $0x38;
	[tilespmem:$0x1C000] =	vst v63  }
0x364: {  	s20 =	sld [smem:$0x7F4]  }
0x365: {  	[hbm4b:s8+s2] =	stream.linear.scatter [tilespmem:s19], [sflag:$0x4], $0x2000, $0x38;
	[tilespmem:$0x1C000] =	vst v63  }
0x366: {  	_ = 	snop  }
0x367: {  	[hbm4b:s20+s2] =	stream.linear.scatter [tilespmem:s11], [sflag:$0x4], $0x4000, $0x38;
	[tilespmem:$0x1C000] =	vst v63  }
0x368: {  	_ =	swait.ge [sflag:s7], $0x4000  }
0x369: {  	[sflag:s7] =	ssyncset.done $0x0  }
0x36a: {  	[sflag:s7] =	ssyncadd.s32 $0xFFFFC000  }
0x36b: {  	_ =	swait.ge [sflag:s7], $0x2000  }
0x36c: {  	[sflag:s7] =	ssyncset.done $0x0  }
0x36d: {  	[sflag:s7] =	ssyncadd.s32 $0xFFFFE000  }
0x36e: {  	_ =	swait.ge [sflag:s7], $0x8000  }
0x36f: {  	[sflag:s7] =	ssyncset.done $0x0  }
0x370: {  	[sflag:s7] =	ssyncadd.s32 $0xFFFF8000  }
0x371: {  	[tilespmem:s2], [sflag:$0x1] =	stream.linear.gather [hbm4b:s10+s2], $0xC000, $0x38;
	[tilespmem:$0x1C000] =	vst v63  }
0x372: {  	_ =	swait.ge [sflag:s17], $0xC000  }
0x373: {  	[sflag:s17] =	ssyncset.done $0x0  }
0x374: {  	s21 =	sld [smem:$0x7F5];
	[sflag:s17] =	ssyncadd.s32 $0xFFFF4000  }
0x375: {  	[hbm4b:s18+s2] =	stream.linear.scatter [tilespmem:s2], [sflag:$0x3], $0x4000, $0x38;
	[tilespmem:$0x1C000] =	vst v63  }
0x376: {  	s22 =	sld [smem:$0x7F6]  }
0x377: {  	[hbm4b:s21+s2] =	stream.linear.scatter [tilespmem:s14], [sflag:$0x3], $0x2000, $0x38;
	[tilespmem:$0x1C000] =	vst v63  }
0x378: {  	_ = 	snop  }
0x379: {  	[hbm4b:s22+s2] =	stream.linear.scatter [tilespmem:s15], [sflag:$0x3], $0x8000, $0x38;
	[tilespmem:$0x1C000] =	vst v63  }
0x37a: {  	_ =	swait.ge [sflag:s3], $0x8000  }
0x37b: {  	[sflag:s3] =	ssyncset.done $0x0  }
0x37c: {  	[sflag:s3] =	ssyncadd.s32 $0xFFFF8000  }
0x37d: {  	_ =	swait.ge [sflag:s3], $0x2000  }
0x37e: {  	[sflag:s3] =	ssyncset.done $0x0  }
0x37f: {  	[sflag:s3] =	ssyncadd.s32 $0xFFFFE000  }
0x380: {  	_ =	swait.ge [sflag:s3], $0x4000  }
0x381: {  	s23 =	sld [smem:$0x7F7]  }
0x382: {  	[sflag:s3] =	ssyncset.done $0x0  }
0x383: {  	[sflag:s3] =	ssyncadd.s32 $0xFFFFC000  }
0x384: {  	[tilespmem:s9], [sflag:$0x2] =	stream.linear.gather [hbm4b:s23+s2], $0xC000, $0x38;
	[tilespmem:$0x1C000] =	vst v63  }
0x385: {  	_ =	swait.ge [sflag:s12], $0xC000  }
0x386: {  	s24 =	sld [smem:$0x7F8]  }
0x387: {  	[sflag:s12] =	ssyncset.done $0x0  }
0x388: {  	s25 =	sld [smem:$0x7F9];
	[sflag:s12] =	ssyncadd.s32 $0xFFFF4000  }
0x389: {  	[hbm4b:s24+s2] =	stream.linear.scatter [tilespmem:s9], [sflag:$0x4], $0x8000, $0x38;
	[tilespmem:$0x1C000] =	vst v63  }
0x38a: {  	s26 =	sld [smem:$0x7FA]  }
0x38b: {  	[hbm4b:s25+s2] =	stream.linear.scatter [tilespmem:s19], [sflag:$0x4], $0x2000, $0x38;
	[tilespmem:$0x1C000] =	vst v63  }
0x38c: {  	_ = 	snop  }
0x38d: {  	[hbm4b:s26+s2] =	stream.linear.scatter [tilespmem:s11], [sflag:$0x4], $0x4000, $0x38;
	[tilespmem:$0x1C000] =	vst v63  }
0x38e: {  	_ =	swait.ge [sflag:s7], $0x4000  }
0x38f: {  	[sflag:s7] =	ssyncset.done $0x0  }
0x390: {  	[sflag:s7] =	ssyncadd.s32 $0xFFFFC000  }
0x391: {  	_ =	swait.ge [sflag:s7], $0x2000  }
0x392: {  	[sflag:s7] =	ssyncset.done $0x0  }
0x393: {  	[sflag:s7] =	ssyncadd.s32 $0xFFFFE000  }
0x394: {  	_ =	swait.ge [sflag:s7], $0x8000  }
0x395: {  	[sflag:s7] =	ssyncset.done $0x0  }
0x396: {  	[sflag:s7] =	ssyncadd.s32 $0xFFFF8000  }
0x397: {  	[tilespmem:s2], [sflag:$0x1] =	stream.linear.gather [hbm4b:s16+s2], $0xC000, $0x38;
	[tilespmem:$0x1C000] =	vst v63  }
0x398: {  	_ =	swait.ge [sflag:s17], $0xC000  }
0x399: {  	[sflag:s17] =	ssyncset.done $0x0  }
0x39a: {  	s28 =	sld [smem:$0x7FB];
	[sflag:s17] =	ssyncadd.s32 $0xFFFF4000  }
0x39b: {  	[hbm4b:s13+s2] =	stream.linear.scatter [tilespmem:s2], [sflag:$0x3], $0x4000, $0x38;
	[tilespmem:$0x1C000] =	vst v63  }
0x39c: {  	s29 =	sld [smem:$0x7FC]  }
0x39d: {  	[hbm4b:s28+s2] =	stream.linear.scatter [tilespmem:s14], [sflag:$0x3], $0x2000, $0x38;
	[tilespmem:$0x1C000] =	vst v63  }
0x39e: {  	_ = 	snop  }
0x39f: {  	[hbm4b:s29+s2] =	stream.linear.scatter [tilespmem:s15], [sflag:$0x3], $0x8000, $0x38;
	[tilespmem:$0x1C000] =	vst v63  }
0x3a0: {  	_ =	swait.ge [sflag:s3], $0x8000  }
0x3a1: {  	[sflag:s3] =	ssyncset.done $0x0  }
0x3a2: {  	[sflag:s3] =	ssyncadd.s32 $0xFFFF8000  }
0x3a3: {  	_ =	swait.ge [sflag:s3], $0x2000  }
0x3a4: {  	[sflag:s3] =	ssyncset.done $0x0  }
0x3a5: {  	[sflag:s3] =	ssyncadd.s32 $0xFFFFE000  }
0x3a6: {  	_ =	swait.ge [sflag:s3], $0x4000  }
0x3a7: {  	s30 =	sld [smem:$0x7FD]  }
0x3a8: {  	[sflag:s3] =	ssyncset.done $0x0  }
0x3a9: {  	[sflag:s3] =	ssyncadd.s32 $0xFFFFC000  }
0x3aa: {  	[tilespmem:s9], [sflag:$0x2] =	stream.linear.gather [hbm4b:s30+s2], $0xC000, $0x38;
	[tilespmem:$0x1C000] =	vst v63  }
0x3ab: {  	_ =	swait.ge [sflag:s12], $0xC000  }
0x3ac: {  	[sflag:s12] =	ssyncset.done $0x0  }
0x3ad: {  	[sflag:s12] =	ssyncadd.s32 $0xFFFF4000  }
0x3ae: {  	[hbm4b:s4+s2] =	stream.linear.scatter [tilespmem:s9], [sflag:$0x4], $0x8000, $0x38;
	[tilespmem:$0x1C000] =	vst v63  }
0x3af: {  	_ = 	snop  }
0x3b0: {  	[hbm4b:s5+s2] =	stream.linear.scatter [tilespmem:s19], [sflag:$0x4], $0x2000, $0x38;
	[tilespmem:$0x1C000] =	vst v63  }
0x3b1: {  	_ = 	snop  }
0x3b2: {  	[hbm4b:s6+s2] =	stream.linear.scatter [tilespmem:s11], [sflag:$0x4], $0x4000, $0x38;
	[tilespmem:$0x1C000] =	vst v63  }
0x3b3: {  	_ =	swait.ge [sflag:s7], $0x4000  }
0x3b4: {  	[sflag:s7] =	ssyncset.done $0x0  }
0x3b5: {  	[sflag:s7] =	ssyncadd.s32 $0xFFFFC000  }
0x3b6: {  	_ =	swait.ge [sflag:s7], $0x2000  }
0x3b7: {  	[sflag:s7] =	ssyncset.done $0x0  }
0x3b8: {  	[sflag:s7] =	ssyncadd.s32 $0xFFFFE000  }
0x3b9: {  	_ =	swait.ge [sflag:s7], $0x8000  }
0x3ba: {  	[sflag:s7] =	ssyncset.done $0x0  }
0x3bb: {  	[sflag:s7] =	ssyncadd.s32 $0xFFFF8000  }
0x3bc: {  	_ =	swait.ge [sflag:s3], $0x8000  }
0x3bd: {  	[sflag:s3] =	ssyncset.done $0x0  }
0x3be: {  	[sflag:s3] =	ssyncadd.s32 $0xFFFF8000  }
0x3bf: {  	_ =	swait.ge [sflag:s3], $0x2000  }
0x3c0: {  	[sflag:s3] =	ssyncset.done $0x0  }
0x3c1: {  	[sflag:s3] =	ssyncadd.s32 $0xFFFFE000  }
0x3c2: {  	_ =	swait.ge [sflag:s3], $0x4000  }
0x3c3: {  	[sflag:s3] =	ssyncset.done $0x0  }
0x3c4: {  	[sflag:s3] =	ssyncadd.s32 $0xFFFFC000  }
0x3c5: {  	_ =	sfence.sel $0x180000  }
0x3c6: {  	[bflag:$0x0] =	sbarrier.arrive $0xFFFF  }
0x3c7: {  	_ =	strace $0x90000047  }
0x3c8: {  	s31 =	stileid.u32;
	[bflag:$0x2] =	sbarrier.arrive $0xFFFF  }
0x3c9: {  	p0 =	sne.s32 s31, $0x0;
	s0 =	rddreg [dreg:$0x3]  }
0x3ca: {  	s0 =	sadd.s32 @!p0 $0x100000, s0  }
0x3cb: {  	[sflag:s0] =	ssyncadd.tile.s32 @!p0 $0x1;
	_ =	shalt  }
.LBB2_2:
.Ltmp3:
0x3cc: {  	(pc) =	sbr.rel .LBB2_5-.Ltmp3, $2  }
0x3cd: {  	_ =	sdelay $0x2  }
0x3ce: {  	s10 =	sld [smem:$0x7EB]  }
.Lfunc_end2:
_tile_overlayer_lowered:
.L_overlay_start_2:
0x3cf: {  	(tag) =	ssettag $0x2  }
0x3d0: {  	s0 =	rddreg [dreg:$0x0];
	s2 =	stileid.u32  }
0x3d1: {  	s1 =	rddreg [dreg:$0x1];
	p0 =	sne.s32 s2, $0x0  }
0x3d2: {  	s3 =	rddreg [dreg:$0x2];
	[bflag:$0x3] =	sbarrier.arrive $0xFFFF;
	s2 =	simm.s32 @!p0 $0x1C05  }
0x3d3: {  	[timem:s3], [sflag:s2] =	dma.local @!p0 [hbm:s0], s1  }
0x3d4: {  	s0 =	simm.s32 @!p0 $0x5  }
0x3d5: {  	_ =	swait.ge @!p0 [sflag:s0], s1  }
0x3d6: {  	s1 =	ssub.s32 @!p0 $0x0, s1;
	[sflag:s0] =	ssyncset.done @!p0 $0x0  }
0x3d7: {  	[sflag:s0] =	ssyncadd.s32 @!p0 s1  }
0x3d8: {  	[bflag:$0x3] =	sbarrier.arrive $0xFFFF  }
0x3d9: {  	_ =	shalt  }

</sc_bundles>
